<compile_context>
chip_gen: v7x
topology: tpu7x:2x2x1
jax: 0.10.2.dev20260603
libtpu: 0.0.44.dev20260713+nightly
codegen_flags: <defaults>
</compile_context>

<pallas_src>
import functools

import jax
import jax.numpy as jnp
from jax import lax
from jax.experimental import pallas as pl
from jax.experimental.pallas import tpu as pltpu
from jax.experimental.pallas import tpu_sc as plsc

B, T, Y, X = 8, 12, 448, 304
NW = 32
IMGS_PER_W = (B * T) // NW
YW = 32
NCHUNK = Y // YW
NVEC = X // 16
THR = 0.15

_mesh = plsc.VectorSubcoreMesh(core_axis_name="c", subcore_axis_name="s")


@functools.partial(
    pl.kernel,
    out_type=jax.ShapeDtypeStruct((NW, 4, 16), jnp.float32),
    mesh=_mesh,
    scratch_types=[
        pltpu.VMEM((YW, X), jnp.float32),
        pltpu.VMEM((YW, X), jnp.float32),
        pltpu.VMEM((YW, X), jnp.float32),
        pltpu.VMEM((YW, X), jnp.float32),
        pltpu.VMEM((YW, X), jnp.float32),
        pltpu.VMEM((YW, X), jnp.float32),
        pltpu.VMEM((4, 16), jnp.float32),
        pltpu.SemaphoreType.DMA,
        pltpu.SemaphoreType.DMA,
    ],
)
def _sc_masked_sums(p_hbm, t_hbm, m_hbm, out_hbm,
                    pbuf0, pbuf1, tbuf0, tbuf1, mbuf0, mbuf1, obuf,
                    sem0, sem1):
    bufs = ((pbuf0, tbuf0, mbuf0), (pbuf1, tbuf1, mbuf1))
    sems = (sem0, sem1)
    wid = lax.axis_index("s") * 2 + lax.axis_index("c")

    zf = jnp.zeros((16,), jnp.float32)
    thr = jnp.float32(THR)

    def row_body_for(pbuf, tbuf, mbuf):
      def row_body(y, carry):
        acc = list(carry)
        for j in range(NVEC):
            pj = pbuf[y, pl.ds(16 * j, 16)]
            tj = tbuf[y, pl.ds(16 * j, 16)]
            mj = mbuf[y, pl.ds(16 * j, 16)]
            d = pj - tj
            dm = d * mj
            x = (pj >= thr) != (tj >= thr)
            s = j % 2
            aabs, asq, cnt, xor = acc[4 * s:4 * s + 4]
            acc[4 * s] = aabs + jnp.abs(dm)
            acc[4 * s + 1] = asq + dm * dm
            acc[4 * s + 2] = cnt + mj
            acc[4 * s + 3] = xor + jnp.where(x, mj, jnp.float32(0.0))
        return tuple(acc)
      return row_body

    NC_W = IMGS_PER_W * NCHUNK

    def start(k, slot):
        img = wid * IMGS_PER_W + k // NCHUNK
        b = (img * 43691) >> 19
        tt = img - b * T
        y0 = pl.multiple_of((k % NCHUNK) * YW, YW)
        pb, tb, mb = bufs[slot]
        sem = sems[slot]
        pltpu.async_copy(p_hbm.at[b, tt, pl.ds(y0, YW), :], pb, sem)
        pltpu.async_copy(t_hbm.at[b, tt, pl.ds(y0, YW), :], tb, sem)
        pltpu.async_copy(m_hbm.at[b, tt, pl.ds(y0, YW), :], mb, sem)

    def wait(slot):
        pb, tb, mb = bufs[slot]
        sem = sems[slot]
        src = (0, 0, pl.ds(0, YW), slice(None))
        pltpu.make_async_copy(p_hbm.at[src[0], src[1], src[2], :], pb,
                              sem).wait()
        pltpu.make_async_copy(t_hbm.at[src[0], src[1], src[2], :], tb,
                              sem).wait()
        pltpu.make_async_copy(m_hbm.at[src[0], src[1], src[2], :], mb,
                              sem).wait()

    def compute(slot, tot):
        pb, tb, mb = bufs[slot]
        accs = lax.fori_loop(0, YW, row_body_for(pb, tb, mb), (zf,) * 8)
        return tuple(t + a for t, a in zip(tot, accs))

    start(0, 0)

    def body2(i, tot):
        start(2 * i + 1, 1)
        wait(0)
        tot = compute(0, tot)

        @pl.when(2 * i + 2 < NC_W)
        def _():
            start(2 * i + 2, 0)

        wait(1)
        tot = compute(1, tot)
        return tot

    tots = lax.fori_loop(0, (NC_W + 1) // 2, body2, (zf,) * 8)
    t_abs, t_sq, t_cnt, t_xor = (tots[i] + tots[4 + i] for i in range(4))

    obuf[0, :] = t_cnt
    obuf[1, :] = t_abs
    obuf[2, :] = t_sq
    obuf[3, :] = t_xor
    pltpu.sync_copy(obuf, out_hbm.at[wid])


def kernel(preds, target, mask):
    mf = mask.astype(jnp.float32)

    parts = _sc_masked_sums(preds, target, mf)

    cnt = jnp.sum(parts[:, 0, :])
    sabs = jnp.sum(parts[:, 1, :])
    ssq = jnp.sum(parts[:, 2, :])
    xcnt = jnp.sum(parts[:, 3, :])

    masked_mae = sabs / cnt
    masked_mse = ssq / cnt
    masked_rmse = jnp.sqrt(masked_mse)
    iiee = xcnt * jnp.float32(625.0 / 1000000.0) / jnp.float32(96.0)
    bacc = jnp.float32(1.0) - iiee / jnp.float32(27207.0 * 625.0 / 1000000.0)
    return (masked_mae, masked_rmse, iiee, bacc, masked_mae)

# --- scband reference (transcript-rebuilt; emitter-appended) ---
"""Pipeline reference for scband-masked-loss-498216206709 (READ-ONLY COPY).

The authoritative reference and input builder live on the scoring server;
editing this copy changes nothing except your own understanding.
"""

import jax, jax.numpy as jnp
import numpy as np


def setup_inputs(seed: int = 0) -> dict:
    key = jax.random.key(seed)
    k1, k2, k3 = jax.random.split(key, 3)
    shape = (8, 12, 448, 304)
    preds = jax.random.uniform(k1, shape, dtype=jnp.float32)
    target = jax.random.uniform(k2, shape, dtype=jnp.float32)
    mask = jax.random.randint(k3, shape, 0, 2).astype(jnp.bool_)
    return {"preds": preds, "target": target, "mask": mask}


def _calculate_IIEE(y_sim, y_obs):
    y_obs_SIE = jnp.where(y_obs >= 0.15, 1.0, 0.0)
    y_sim_SIE = jnp.where(y_sim >= 0.15, 1.0, 0.0)
    union = y_sim_SIE + y_obs_SIE
    union = jnp.where(union == 2.0, 1.0, union)
    intersection = y_obs_SIE * y_sim_SIE
    IIEE_grid = union - intersection
    IIEE = jnp.sum((IIEE_grid == 1.0).astype(jnp.float32), axis=(2, 3)) * 625.0 / 1000000.0
    IIEE = jnp.mean(IIEE)
    BACC = 1.0 - IIEE / (27207.0 * 625.0 / 1000000.0)
    return IIEE, BACC


def reference(preds, target, mask):
    m = mask.astype(jnp.float32)
    cnt = jnp.sum(m)
    diff = preds - target
    # torchmetrics MAE/MSE over masked_select == weighted mean over mask
    masked_mae = jnp.sum(jnp.abs(diff) * m) / cnt
    masked_mse = jnp.sum(diff * diff * m) / cnt
    masked_rmse = jnp.sqrt(masked_mse)
    zero_mask_preds = jnp.where(mask, preds, 0.0)
    zero_mask_target = jnp.where(mask, target, 0.0)
    loss = masked_mae
    IIEE, BACC = _calculate_IIEE(zero_mask_preds, zero_mask_target)
    return (masked_mae, masked_rmse, IIEE, BACC, loss)

if __name__ == "__main__":
    import jax
    _d = setup_inputs()
    print(jax.jit(kernel)(*tuple(_d.values())))

</pallas_src>

<mosaic_0001>
#map = affine_map<(d0, d1) -> (0, 0, 0, 0)>
#map1 = affine_map<(d0, d1) -> (0, 0, 0)>
module attributes {stable_mosaic.version = 14 : i64} {
  func.func @_sc_masked_sums(%arg0: i32, %arg1: i32, %arg2: memref<8x12x448x304xf32, #tpu.memory_space<hbm>>, %arg3: memref<8x12x448x304xf32, #tpu.memory_space<hbm>>, %arg4: memref<8x12x448x304xf32, #tpu.memory_space<hbm>>, %arg5: memref<32x4x16xf32, #tpu.memory_space<hbm>>, %arg6: memref<32x304xf32, #tpu.memory_space<vmem>>, %arg7: memref<32x304xf32, #tpu.memory_space<vmem>>, %arg8: memref<32x304xf32, #tpu.memory_space<vmem>>, %arg9: memref<32x304xf32, #tpu.memory_space<vmem>>, %arg10: memref<32x304xf32, #tpu.memory_space<vmem>>, %arg11: memref<32x304xf32, #tpu.memory_space<vmem>>, %arg12: memref<4x16xf32, #tpu.memory_space<vmem>>, %arg13: memref<!tpu.dma_semaphore, #tpu.memory_space<semaphore_mem>>, %arg14: memref<!tpu.dma_semaphore, #tpu.memory_space<semaphore_mem>>) attributes {dimension_semantics = [#tpu.dimension_semantics<core_parallel>, #tpu.dimension_semantics<subcore_parallel>], iteration_bounds = array<i64: 2, 16>, scalar_prefetch = 0 : i64, scratch_operands = 9 : i64, tpu.core_type = #tpu.core_type<sc_vector_subcore>, window_params = [{transform_indices = #map}, {transform_indices = #map}, {transform_indices = #map}, {transform_indices = #map1}]} {
    %mul3A = arith.constant 2 : i32
    %mul3A_0 = arith.muli %arg1, %mul3A : i32
    %add3A = arith.addi %mul3A_0, %arg0 : i32
    %broadcast_in_dim3A = arith.constant 0.000000e+00 : f32
    %broadcast_in_dim3A_1 = vector.broadcast %broadcast_in_dim3A : f32 to vector<16xf32>
    %mul3A_2 = arith.constant 3 : i32
    %mul3A_3 = arith.muli %add3A, %mul3A_2 : i32
    %add3A_4 = arith.constant 0 : i32
    %add3A_5 = arith.addi %mul3A_3, %add3A_4 : i32
    %mul3A_6 = arith.constant 43691 : i32
    %mul3A_7 = arith.muli %add3A_5, %mul3A_6 : i32
    %shift_right_arithmetic3A = arith.constant 19 : i32
    %shift_right_arithmetic3A_8 = arith.shrsi %mul3A_7, %shift_right_arithmetic3A : i32
    %mul3A_9 = arith.constant 12 : i32
    %mul3A_10 = arith.muli %shift_right_arithmetic3A_8, %mul3A_9 : i32
    %sub3A = arith.subi %add3A_5, %mul3A_10 : i32
    %multiple_of3A = arith.constant 0 : i32
    %multiple_of3A_11 = tpu.assume_multiple %multiple_of3A, 32 : i32
    %dma_start3A = arith.constant 0 : i32
    %dma_start3A_12 = tpu.memref_slice %arg2[%shift_right_arithmetic3A_8, %sub3A, %multiple_of3A_11, %dma_start3A] : memref<8x12x448x304xf32, #tpu.memory_space<hbm>> -> memref<1x1x32x304xf32, #tpu.memory_space<hbm>>
    %dma_start3A_13 = tpu.memref_squeeze %dma_start3A_12 : memref<1x1x32x304xf32, #tpu.memory_space<hbm>> -> memref<32x304xf32, #tpu.memory_space<hbm>>
    %dma_start3A_14 = arith.constant 0 : i32
    %dma_start3A_15 = tpu.memref_slice %arg2[%shift_right_arithmetic3A_8, %sub3A, %multiple_of3A_11, %dma_start3A_14] : memref<8x12x448x304xf32, #tpu.memory_space<hbm>> -> memref<1x1x32x304xf32, #tpu.memory_space<hbm>>
    %dma_start3A_16 = tpu.memref_squeeze %dma_start3A_15 : memref<1x1x32x304xf32, #tpu.memory_space<hbm>> -> memref<32x304xf32, #tpu.memory_space<hbm>>
    tpu.enqueue_dma source(%dma_start3A_16 : memref<32x304xf32, #tpu.memory_space<hbm>>) target(%arg6 : memref<32x304xf32, #tpu.memory_space<vmem>>) target_semaphore(%arg13 : memref<!tpu.dma_semaphore, #tpu.memory_space<semaphore_mem>>)
    %dma_start3A_17 = arith.constant 0 : i32
    %dma_start3A_18 = tpu.memref_slice %arg3[%shift_right_arithmetic3A_8, %sub3A, %multiple_of3A_11, %dma_start3A_17] : memref<8x12x448x304xf32, #tpu.memory_space<hbm>> -> memref<1x1x32x304xf32, #tpu.memory_space<hbm>>
    %dma_start3A_19 = tpu.memref_squeeze %dma_start3A_18 : memref<1x1x32x304xf32, #tpu.memory_space<hbm>> -> memref<32x304xf32, #tpu.memory_space<hbm>>
    %dma_start3A_20 = arith.constant 0 : i32
    %dma_start3A_21 = tpu.memref_slice %arg3[%shift_right_arithmetic3A_8, %sub3A, %multiple_of3A_11, %dma_start3A_20] : memref<8x12x448x304xf32, #tpu.memory_space<hbm>> -> memref<1x1x32x304xf32, #tpu.memory_space<hbm>>
    %dma_start3A_22 = tpu.memref_squeeze %dma_start3A_21 : memref<1x1x32x304xf32, #tpu.memory_space<hbm>> -> memref<32x304xf32, #tpu.memory_space<hbm>>
    tpu.enqueue_dma source(%dma_start3A_22 : memref<32x304xf32, #tpu.memory_space<hbm>>) target(%arg8 : memref<32x304xf32, #tpu.memory_space<vmem>>) target_semaphore(%arg13 : memref<!tpu.dma_semaphore, #tpu.memory_space<semaphore_mem>>)
    %dma_start3A_23 = arith.constant 0 : i32
    %dma_start3A_24 = tpu.memref_slice %arg4[%shift_right_arithmetic3A_8, %sub3A, %multiple_of3A_11, %dma_start3A_23] : memref<8x12x448x304xf32, #tpu.memory_space<hbm>> -> memref<1x1x32x304xf32, #tpu.memory_space<hbm>>
    %dma_start3A_25 = tpu.memref_squeeze %dma_start3A_24 : memref<1x1x32x304xf32, #tpu.memory_space<hbm>> -> memref<32x304xf32, #tpu.memory_space<hbm>>
    %dma_start3A_26 = arith.constant 0 : i32
    %dma_start3A_27 = tpu.memref_slice %arg4[%shift_right_arithmetic3A_8, %sub3A, %multiple_of3A_11, %dma_start3A_26] : memref<8x12x448x304xf32, #tpu.memory_space<hbm>> -> memref<1x1x32x304xf32, #tpu.memory_space<hbm>>
    %dma_start3A_28 = tpu.memref_squeeze %dma_start3A_27 : memref<1x1x32x304xf32, #tpu.memory_space<hbm>> -> memref<32x304xf32, #tpu.memory_space<hbm>>
    tpu.enqueue_dma source(%dma_start3A_28 : memref<32x304xf32, #tpu.memory_space<hbm>>) target(%arg10 : memref<32x304xf32, #tpu.memory_space<vmem>>) target_semaphore(%arg13 : memref<!tpu.dma_semaphore, #tpu.memory_space<semaphore_mem>>)
    %scan3A = arith.constant 1.500000e-01 : f32
    %scan3A_29 = arith.constant 0 : i32
    %scan3A_30 = arith.constant 21 : i32
    %scan3A_31 = arith.addi %scan3A_29, %scan3A_30 : i32
    %scan3A_32 = arith.constant 1 : i32
    %scan3A_33:8 = scf.for %scan3A_62 = %scan3A_29 to %scan3A_31 step %scan3A_32 iter_args(%scan3A_63 = %broadcast_in_dim3A_1, %scan3A_64 = %broadcast_in_dim3A_1, %scan3A_65 = %broadcast_in_dim3A_1, %scan3A_66 = %broadcast_in_dim3A_1, %scan3A_67 = %broadcast_in_dim3A_1, %scan3A_68 = %broadcast_in_dim3A_1, %scan3A_69 = %broadcast_in_dim3A_1, %scan3A_70 = %broadcast_in_dim3A_1) -> (vector<16xf32>, vector<16xf32>, vector<16xf32>, vector<16xf32>, vector<16xf32>, vector<16xf32>, vector<16xf32>, vector<16xf32>)  : i32 {
      %mul3A_71 = arith.constant 2 : i32
      %mul3A_72 = arith.muli %mul3A_71, %scan3A_62 : i32
      %add3A_73 = arith.constant 1 : i32
      %add3A_74 = arith.addi %mul3A_72, %add3A_73 : i32
      %mul3A_75 = arith.constant 3 : i32
      %mul3A_76 = arith.muli %add3A, %mul3A_75 : i32
      %jit3A = arith.constant 14 : i32
      %div3A = arith.divsi %add3A_74, %jit3A : i32
      %sign3A = arith.constant 0 : i32
      %sign3A_77 = arith.cmpi sgt, %add3A_74, %sign3A : i32
      %sign3A_78 = arith.extui %sign3A_77 : i1 to i32
      %sign3A_79 = arith.constant 0 : i32
      %sign3A_80 = arith.cmpi slt, %add3A_74, %sign3A_79 : i32
      %sign3A_81 = arith.extui %sign3A_80 : i1 to i32
      %sign3A_82 = arith.subi %sign3A_78, %sign3A_81 : i32
      %sign3A_83 = arith.constant 0 : i32
      %sign3A_84 = arith.cmpi sgt, %jit3A, %sign3A_83 : i32
      %sign3A_85 = arith.extui %sign3A_84 : i1 to i32
      %sign3A_86 = arith.constant 0 : i32
      %sign3A_87 = arith.cmpi slt, %jit3A, %sign3A_86 : i32
      %sign3A_88 = arith.extui %sign3A_87 : i1 to i32
      %sign3A_89 = arith.subi %sign3A_85, %sign3A_88 : i32
      %ne3A = arith.cmpi ne, %sign3A_82, %sign3A_89 : i32
      %rem3A = arith.remsi %add3A_74, %jit3A : i32
      %ne3A_90 = arith.constant 0 : i32
      %ne3A_91 = arith.cmpi ne, %rem3A, %ne3A_90 : i32
      %and3A = arith.andi %ne3A, %ne3A_91 : i1
      %sub3A_92 = arith.constant 1 : i32
      %sub3A_93 = arith.subi %div3A, %sub3A_92 : i32
      %select_n3A = arith.select %and3A, %sub3A_93, %div3A : i32
      %add3A_94 = arith.addi %mul3A_76, %select_n3A : i32
      %mul3A_95 = arith.constant 43691 : i32
      %mul3A_96 = arith.muli %add3A_94, %mul3A_95 : i32
      %shift_right_arithmetic3A_97 = arith.constant 19 : i32
      %shift_right_arithmetic3A_98 = arith.shrsi %mul3A_96, %shift_right_arithmetic3A_97 : i32
      %mul3A_99 = arith.constant 12 : i32
      %mul3A_100 = arith.muli %shift_right_arithmetic3A_98, %mul3A_99 : i32
      %sub3A_101 = arith.subi %add3A_94, %mul3A_100 : i32
      %jit3A_102 = arith.constant 14 : i32
      %eq3A = arith.constant 0 : i32
      %eq3A_103 = arith.cmpi eq, %jit3A_102, %eq3A : i32
      %jit3A_104 = arith.constant 1 : i32
      %select_n3A_105 = arith.select %eq3A_103, %jit3A_104, %jit3A_102 : i32
      %rem3A_106 = arith.remsi %add3A_74, %select_n3A_105 : i32
      %ne3A_107 = arith.constant 0 : i32
      %ne3A_108 = arith.cmpi ne, %rem3A_106, %ne3A_107 : i32
      %lt3A = arith.constant 0 : i32
      %lt3A_109 = arith.cmpi slt, %rem3A_106, %lt3A : i32
      %lt3A_110 = arith.constant 0 : i32
      %lt3A_111 = arith.cmpi slt, %select_n3A_105, %lt3A_110 : i32
      %ne3A_112 = arith.xori %lt3A_109, %lt3A_111 : i1
      %and3A_113 = arith.andi %ne3A_112, %ne3A_108 : i1
      %add3A_114 = arith.addi %rem3A_106, %select_n3A_105 : i32
      %select_n3A_115 = arith.select %and3A_113, %add3A_114, %rem3A_106 : i32
      %mul3A_116 = arith.constant 32 : i32
      %mul3A_117 = arith.muli %select_n3A_115, %mul3A_116 : i32
      %multiple_of3A_118 = tpu.assume_multiple %mul3A_117, 32 : i32
      %dma_start3A_119 = arith.constant 0 : i32
      %dma_start3A_120 = tpu.memref_slice %arg2[%shift_right_arithmetic3A_98, %sub3A_101, %multiple_of3A_118, %dma_start3A_119] : memref<8x12x448x304xf32, #tpu.memory_space<hbm>> -> memref<1x1x32x304xf32, #tpu.memory_space<hbm>>
      %dma_start3A_121 = tpu.memref_squeeze %dma_start3A_120 : memref<1x1x32x304xf32, #tpu.memory_space<hbm>> -> memref<32x304xf32, #tpu.memory_space<hbm>>
      %dma_start3A_122 = arith.constant 0 : i32
      %dma_start3A_123 = tpu.memref_slice %arg2[%shift_right_arithmetic3A_98, %sub3A_101, %multiple_of3A_118, %dma_start3A_122] : memref<8x12x448x304xf32, #tpu.memory_space<hbm>> -> memref<1x1x32x304xf32, #tpu.memory_space<hbm>>
      %dma_start3A_124 = tpu.memref_squeeze %dma_start3A_123 : memref<1x1x32x304xf32, #tpu.memory_space<hbm>> -> memref<32x304xf32, #tpu.memory_space<hbm>>
      tpu.enqueue_dma source(%dma_start3A_124 : memref<32x304xf32, #tpu.memory_space<hbm>>) target(%arg7 : memref<32x304xf32, #tpu.memory_space<vmem>>) target_semaphore(%arg14 : memref<!tpu.dma_semaphore, #tpu.memory_space<semaphore_mem>>)
      %dma_start3A_125 = arith.constant 0 : i32
      %dma_start3A_126 = tpu.memref_slice %arg3[%shift_right_arithmetic3A_98, %sub3A_101, %multiple_of3A_118, %dma_start3A_125] : memref<8x12x448x304xf32, #tpu.memory_space<hbm>> -> memref<1x1x32x304xf32, #tpu.memory_space<hbm>>
      %dma_start3A_127 = tpu.memref_squeeze %dma_start3A_126 : memref<1x1x32x304xf32, #tpu.memory_space<hbm>> -> memref<32x304xf32, #tpu.memory_space<hbm>>
      %dma_start3A_128 = arith.constant 0 : i32
      %dma_start3A_129 = tpu.memref_slice %arg3[%shift_right_arithmetic3A_98, %sub3A_101, %multiple_of3A_118, %dma_start3A_128] : memref<8x12x448x304xf32, #tpu.memory_space<hbm>> -> memref<1x1x32x304xf32, #tpu.memory_space<hbm>>
      %dma_start3A_130 = tpu.memref_squeeze %dma_start3A_129 : memref<1x1x32x304xf32, #tpu.memory_space<hbm>> -> memref<32x304xf32, #tpu.memory_space<hbm>>
      tpu.enqueue_dma source(%dma_start3A_130 : memref<32x304xf32, #tpu.memory_space<hbm>>) target(%arg9 : memref<32x304xf32, #tpu.memory_space<vmem>>) target_semaphore(%arg14 : memref<!tpu.dma_semaphore, #tpu.memory_space<semaphore_mem>>)
      %dma_start3A_131 = arith.constant 0 : i32
      %dma_start3A_132 = tpu.memref_slice %arg4[%shift_right_arithmetic3A_98, %sub3A_101, %multiple_of3A_118, %dma_start3A_131] : memref<8x12x448x304xf32, #tpu.memory_space<hbm>> -> memref<1x1x32x304xf32, #tpu.memory_space<hbm>>
      %dma_start3A_133 = tpu.memref_squeeze %dma_start3A_132 : memref<1x1x32x304xf32, #tpu.memory_space<hbm>> -> memref<32x304xf32, #tpu.memory_space<hbm>>
      %dma_start3A_134 = arith.constant 0 : i32
      %dma_start3A_135 = tpu.memref_slice %arg4[%shift_right_arithmetic3A_98, %sub3A_101, %multiple_of3A_118, %dma_start3A_134] : memref<8x12x448x304xf32, #tpu.memory_space<hbm>> -> memref<1x1x32x304xf32, #tpu.memory_space<hbm>>
      %dma_start3A_136 = tpu.memref_squeeze %dma_start3A_135 : memref<1x1x32x304xf32, #tpu.memory_space<hbm>> -> memref<32x304xf32, #tpu.memory_space<hbm>>
      tpu.enqueue_dma source(%dma_start3A_136 : memref<32x304xf32, #tpu.memory_space<hbm>>) target(%arg11 : memref<32x304xf32, #tpu.memory_space<vmem>>) target_semaphore(%arg14 : memref<!tpu.dma_semaphore, #tpu.memory_space<semaphore_mem>>)
      %dma_wait3A = arith.constant 0 : i32
      %dma_wait3A_137 = arith.constant 0 : i32
      %dma_wait3A_138 = arith.constant 0 : i32
      %dma_wait3A_139 = arith.constant 0 : i32
      %dma_wait3A_140 = tpu.memref_slice %arg2[%dma_wait3A, %dma_wait3A_137, %dma_wait3A_138, %dma_wait3A_139] : memref<8x12x448x304xf32, #tpu.memory_space<hbm>> -> memref<1x1x32x304xf32, #tpu.memory_space<hbm>>
      %dma_wait3A_141 = tpu.memref_squeeze %dma_wait3A_140 : memref<1x1x32x304xf32, #tpu.memory_space<hbm>> -> memref<32x304xf32, #tpu.memory_space<hbm>>
      %dma_wait3A_142 = arith.constant 0 : i32
      %dma_wait3A_143 = arith.constant 0 : i32
      %dma_wait3A_144 = tpu.memref_slice %arg2[%dma_wait3A, %dma_wait3A_137, %dma_wait3A_142, %dma_wait3A_143] : memref<8x12x448x304xf32, #tpu.memory_space<hbm>> -> memref<1x1x32x304xf32, #tpu.memory_space<hbm>>
      %dma_wait3A_145 = tpu.memref_squeeze %dma_wait3A_144 : memref<1x1x32x304xf32, #tpu.memory_space<hbm>> -> memref<32x304xf32, #tpu.memory_space<hbm>>
      tpu.wait_dma2 semaphore(%arg13 : memref<!tpu.dma_semaphore, #tpu.memory_space<semaphore_mem>>) src(%dma_wait3A_145 : memref<32x304xf32, #tpu.memory_space<hbm>>) dst(%arg6 : memref<32x304xf32, #tpu.memory_space<vmem>>)
      %dma_wait3A_146 = arith.constant 0 : i32
      %dma_wait3A_147 = arith.constant 0 : i32
      %dma_wait3A_148 = arith.constant 0 : i32
      %dma_wait3A_149 = arith.constant 0 : i32
      %dma_wait3A_150 = tpu.memref_slice %arg3[%dma_wait3A_146, %dma_wait3A_147, %dma_wait3A_148, %dma_wait3A_149] : memref<8x12x448x304xf32, #tpu.memory_space<hbm>> -> memref<1x1x32x304xf32, #tpu.memory_space<hbm>>
      %dma_wait3A_151 = tpu.memref_squeeze %dma_wait3A_150 : memref<1x1x32x304xf32, #tpu.memory_space<hbm>> -> memref<32x304xf32, #tpu.memory_space<hbm>>
      %dma_wait3A_152 = arith.constant 0 : i32
      %dma_wait3A_153 = arith.constant 0 : i32
      %dma_wait3A_154 = tpu.memref_slice %arg3[%dma_wait3A_146, %dma_wait3A_147, %dma_wait3A_152, %dma_wait3A_153] : memref<8x12x448x304xf32, #tpu.memory_space<hbm>> -> memref<1x1x32x304xf32, #tpu.memory_space<hbm>>
      %dma_wait3A_155 = tpu.memref_squeeze %dma_wait3A_154 : memref<1x1x32x304xf32, #tpu.memory_space<hbm>> -> memref<32x304xf32, #tpu.memory_space<hbm>>
      tpu.wait_dma2 semaphore(%arg13 : memref<!tpu.dma_semaphore, #tpu.memory_space<semaphore_mem>>) src(%dma_wait3A_155 : memref<32x304xf32, #tpu.memory_space<hbm>>) dst(%arg8 : memref<32x304xf32, #tpu.memory_space<vmem>>)
      %dma_wait3A_156 = arith.constant 0 : i32
      %dma_wait3A_157 = arith.constant 0 : i32
      %dma_wait3A_158 = arith.constant 0 : i32
      %dma_wait3A_159 = arith.constant 0 : i32
      %dma_wait3A_160 = tpu.memref_slice %arg4[%dma_wait3A_156, %dma_wait3A_157, %dma_wait3A_158, %dma_wait3A_159] : memref<8x12x448x304xf32, #tpu.memory_space<hbm>> -> memref<1x1x32x304xf32, #tpu.memory_space<hbm>>
      %dma_wait3A_161 = tpu.memref_squeeze %dma_wait3A_160 : memref<1x1x32x304xf32, #tpu.memory_space<hbm>> -> memref<32x304xf32, #tpu.memory_space<hbm>>
      %dma_wait3A_162 = arith.constant 0 : i32
      %dma_wait3A_163 = arith.constant 0 : i32
      %dma_wait3A_164 = tpu.memref_slice %arg4[%dma_wait3A_156, %dma_wait3A_157, %dma_wait3A_162, %dma_wait3A_163] : memref<8x12x448x304xf32, #tpu.memory_space<hbm>> -> memref<1x1x32x304xf32, #tpu.memory_space<hbm>>
      %dma_wait3A_165 = tpu.memref_squeeze %dma_wait3A_164 : memref<1x1x32x304xf32, #tpu.memory_space<hbm>> -> memref<32x304xf32, #tpu.memory_space<hbm>>
      tpu.wait_dma2 semaphore(%arg13 : memref<!tpu.dma_semaphore, #tpu.memory_space<semaphore_mem>>) src(%dma_wait3A_165 : memref<32x304xf32, #tpu.memory_space<hbm>>) dst(%arg10 : memref<32x304xf32, #tpu.memory_space<vmem>>)
      %scan3A_166 = arith.constant 0 : i32
      %scan3A_167 = arith.constant 32 : i32
      %scan3A_168 = arith.addi %scan3A_166, %scan3A_167 : i32
      %scan3A_169 = arith.constant 1 : i32
      %scan3A_170:8 = scf.for %scan3A_231 = %scan3A_166 to %scan3A_168 step %scan3A_169 iter_args(%scan3A_232 = %broadcast_in_dim3A_1, %scan3A_233 = %broadcast_in_dim3A_1, %scan3A_234 = %broadcast_in_dim3A_1, %scan3A_235 = %broadcast_in_dim3A_1, %scan3A_236 = %broadcast_in_dim3A_1, %scan3A_237 = %broadcast_in_dim3A_1, %scan3A_238 = %broadcast_in_dim3A_1, %scan3A_239 = %broadcast_in_dim3A_1) -> (vector<16xf32>, vector<16xf32>, vector<16xf32>, vector<16xf32>, vector<16xf32>, vector<16xf32>, vector<16xf32>, vector<16xf32>)  : i32 {
        %get3A = arith.index_cast %scan3A_231 : i32 to index
        %get3A_240 = arith.constant 0 : index
        %get3A_241 = tpu.vector_load %arg6[%get3A, %get3A_240] {strides = array<i32>} : memref<32x304xf32, #tpu.memory_space<vmem>>, vector<1x16xf32>,
        %get3A_242 = vector.shape_cast %get3A_241 : vector<1x16xf32> to vector<16xf32>
        %get3A_243 = arith.index_cast %scan3A_231 : i32 to index
        %get3A_244 = arith.constant 0 : index
        %get3A_245 = tpu.vector_load %arg8[%get3A_243, %get3A_244] {strides = array<i32>} : memref<32x304xf32, #tpu.memory_space<vmem>>, vector<1x16xf32>,
        %get3A_246 = vector.shape_cast %get3A_245 : vector<1x16xf32> to vector<16xf32>
        %get3A_247 = arith.index_cast %scan3A_231 : i32 to index
        %get3A_248 = arith.constant 0 : index
        %get3A_249 = tpu.vector_load %arg10[%get3A_247, %get3A_248] {strides = array<i32>} : memref<32x304xf32, #tpu.memory_space<vmem>>, vector<1x16xf32>,
        %get3A_250 = vector.shape_cast %get3A_249 : vector<1x16xf32> to vector<16xf32>
        %sub3A_251 = arith.subf %get3A_242, %get3A_246 : vector<16xf32>
        %mul3A_252 = arith.mulf %sub3A_251, %get3A_250 : vector<16xf32>
        %ge3A = vector.broadcast %scan3A : f32 to vector<16xf32>
        %ge3A_253 = arith.cmpf oge, %get3A_242, %ge3A : vector<16xf32>
        %ge3A_254 = vector.broadcast %scan3A : f32 to vector<16xf32>
        %ge3A_255 = arith.cmpf oge, %get3A_246, %ge3A_254 : vector<16xf32>
        %ne3A_256 = arith.xori %ge3A_253, %ge3A_255 : vector<16xi1>
        %abs3A = math.absf %mul3A_252 : vector<16xf32>
        %add3A_257 = arith.addf %scan3A_232, %abs3A : vector<16xf32>
        %mul3A_258 = arith.mulf %mul3A_252, %mul3A_252 : vector<16xf32>
        %add3A_259 = arith.addf %scan3A_233, %mul3A_258 : vector<16xf32>
        %add3A_260 = arith.addf %scan3A_234, %get3A_250 : vector<16xf32>
        %jit3A_261 = arith.constant 0.000000e+00 : f32
        %broadcast_in_dim3A_262 = vector.broadcast %jit3A_261 : f32 to vector<16xf32>
        %select_n3A_263 = arith.select %ne3A_256, %get3A_250, %broadcast_in_dim3A_262 : vector<16xi1>, vector<16xf32>
        %add3A_264 = arith.addf %scan3A_235, %select_n3A_263 : vector<16xf32>
        %get3A_265 = arith.index_cast %scan3A_231 : i32 to index
        %get3A_266 = arith.constant 16 : index
        %get3A_267 = tpu.vector_load %arg6[%get3A_265, %get3A_266] {strides = array<i32>} : memref<32x304xf32, #tpu.memory_space<vmem>>, vector<1x16xf32>,
        %get3A_268 = vector.shape_cast %get3A_267 : vector<1x16xf32> to vector<16xf32>
        %get3A_269 = arith.index_cast %scan3A_231 : i32 to index
        %get3A_270 = arith.constant 16 : index
        %get3A_271 = tpu.vector_load %arg8[%get3A_269, %get3A_270] {strides = array<i32>} : memref<32x304xf32, #tpu.memory_space<vmem>>, vector<1x16xf32>,
        %get3A_272 = vector.shape_cast %get3A_271 : vector<1x16xf32> to vector<16xf32>
        %get3A_273 = arith.index_cast %scan3A_231 : i32 to index
        %get3A_274 = arith.constant 16 : index
        %get3A_275 = tpu.vector_load %arg10[%get3A_273, %get3A_274] {strides = array<i32>} : memref<32x304xf32, #tpu.memory_space<vmem>>, vector<1x16xf32>,
        %get3A_276 = vector.shape_cast %get3A_275 : vector<1x16xf32> to vector<16xf32>
        %sub3A_277 = arith.subf %get3A_268, %get3A_272 : vector<16xf32>
        %mul3A_278 = arith.mulf %sub3A_277, %get3A_276 : vector<16xf32>
        %ge3A_279 = vector.broadcast %scan3A : f32 to vector<16xf32>
        %ge3A_280 = arith.cmpf oge, %get3A_268, %ge3A_279 : vector<16xf32>
        %ge3A_281 = vector.broadcast %scan3A : f32 to vector<16xf32>
        %ge3A_282 = arith.cmpf oge, %get3A_272, %ge3A_281 : vector<16xf32>
        %ne3A_283 = arith.xori %ge3A_280, %ge3A_282 : vector<16xi1>
        %abs3A_284 = math.absf %mul3A_278 : vector<16xf32>
        %add3A_285 = arith.addf %scan3A_236, %abs3A_284 : vector<16xf32>
        %mul3A_286 = arith.mulf %mul3A_278, %mul3A_278 : vector<16xf32>
        %add3A_287 = arith.addf %scan3A_237, %mul3A_286 : vector<16xf32>
        %add3A_288 = arith.addf %scan3A_238, %get3A_276 : vector<16xf32>
        %jit3A_289 = arith.constant 0.000000e+00 : f32
        %broadcast_in_dim3A_290 = vector.broadcast %jit3A_289 : f32 to vector<16xf32>
        %select_n3A_291 = arith.select %ne3A_283, %get3A_276, %broadcast_in_dim3A_290 : vector<16xi1>, vector<16xf32>
        %add3A_292 = arith.addf %scan3A_239, %select_n3A_291 : vector<16xf32>
        %get3A_293 = arith.index_cast %scan3A_231 : i32 to index
        %get3A_294 = arith.constant 32 : index
        %get3A_295 = tpu.vector_load %arg6[%get3A_293, %get3A_294] {strides = array<i32>} : memref<32x304xf32, #tpu.memory_space<vmem>>, vector<1x16xf32>,
        %get3A_296 = vector.shape_cast %get3A_295 : vector<1x16xf32> to vector<16xf32>
        %get3A_297 = arith.index_cast %scan3A_231 : i32 to index
        %get3A_298 = arith.constant 32 : index
        %get3A_299 = tpu.vector_load %arg8[%get3A_297, %get3A_298] {strides = array<i32>} : memref<32x304xf32, #tpu.memory_space<vmem>>, vector<1x16xf32>,
        %get3A_300 = vector.shape_cast %get3A_299 : vector<1x16xf32> to vector<16xf32>
        %get3A_301 = arith.index_cast %scan3A_231 : i32 to index
        %get3A_302 = arith.constant 32 : index
        %get3A_303 = tpu.vector_load %arg10[%get3A_301, %get3A_302] {strides = array<i32>} : memref<32x304xf32, #tpu.memory_space<vmem>>, vector<1x16xf32>,
        %get3A_304 = vector.shape_cast %get3A_303 : vector<1x16xf32> to vector<16xf32>
        %sub3A_305 = arith.subf %get3A_296, %get3A_300 : vector<16xf32>
        %mul3A_306 = arith.mulf %sub3A_305, %get3A_304 : vector<16xf32>
        %ge3A_307 = vector.broadcast %scan3A : f32 to vector<16xf32>
        %ge3A_308 = arith.cmpf oge, %get3A_296, %ge3A_307 : vector<16xf32>
        %ge3A_309 = vector.broadcast %scan3A : f32 to vector<16xf32>
        %ge3A_310 = arith.cmpf oge, %get3A_300, %ge3A_309 : vector<16xf32>
        %ne3A_311 = arith.xori %ge3A_308, %ge3A_310 : vector<16xi1>
        %abs3A_312 = math.absf %mul3A_306 : vector<16xf32>
        %add3A_313 = arith.addf %add3A_257, %abs3A_312 : vector<16xf32>
        %mul3A_314 = arith.mulf %mul3A_306, %mul3A_306 : vector<16xf32>
        %add3A_315 = arith.addf %add3A_259, %mul3A_314 : vector<16xf32>
        %add3A_316 = arith.addf %add3A_260, %get3A_304 : vector<16xf32>
        %jit3A_317 = arith.constant 0.000000e+00 : f32
        %broadcast_in_dim3A_318 = vector.broadcast %jit3A_317 : f32 to vector<16xf32>
        %select_n3A_319 = arith.select %ne3A_311, %get3A_304, %broadcast_in_dim3A_318 : vector<16xi1>, vector<16xf32>
        %add3A_320 = arith.addf %add3A_264, %select_n3A_319 : vector<16xf32>
        %get3A_321 = arith.index_cast %scan3A_231 : i32 to index
        %get3A_322 = arith.constant 48 : index
        %get3A_323 = tpu.vector_load %arg6[%get3A_321, %get3A_322] {strides = array<i32>} : memref<32x304xf32, #tpu.memory_space<vmem>>, vector<1x16xf32>,
        %get3A_324 = vector.shape_cast %get3A_323 : vector<1x16xf32> to vector<16xf32>
        %get3A_325 = arith.index_cast %scan3A_231 : i32 to index
        %get3A_326 = arith.constant 48 : index
        %get3A_327 = tpu.vector_load %arg8[%get3A_325, %get3A_326] {strides = array<i32>} : memref<32x304xf32, #tpu.memory_space<vmem>>, vector<1x16xf32>,
        %get3A_328 = vector.shape_cast %get3A_327 : vector<1x16xf32> to vector<16xf32>
        %get3A_329 = arith.index_cast %scan3A_231 : i32 to index
        %get3A_330 = arith.constant 48 : index
        %get3A_331 = tpu.vector_load %arg10[%get3A_329, %get3A_330] {strides = array<i32>} : memref<32x304xf32, #tpu.memory_space<vmem>>, vector<1x16xf32>,
        %get3A_332 = vector.shape_cast %get3A_331 : vector<1x16xf32> to vector<16xf32>
        %sub3A_333 = arith.subf %get3A_324, %get3A_328 : vector<16xf32>
        %mul3A_334 = arith.mulf %sub3A_333, %get3A_332 : vector<16xf32>
        %ge3A_335 = vector.broadcast %scan3A : f32 to vector<16xf32>
        %ge3A_336 = arith.cmpf oge, %get3A_324, %ge3A_335 : vector<16xf32>
        %ge3A_337 = vector.broadcast %scan3A : f32 to vector<16xf32>
        %ge3A_338 = arith.cmpf oge, %get3A_328, %ge3A_337 : vector<16xf32>
        %ne3A_339 = arith.xori %ge3A_336, %ge3A_338 : vector<16xi1>
        %abs3A_340 = math.absf %mul3A_334 : vector<16xf32>
        %add3A_341 = arith.addf %add3A_285, %abs3A_340 : vector<16xf32>
        %mul3A_342 = arith.mulf %mul3A_334, %mul3A_334 : vector<16xf32>
        %add3A_343 = arith.addf %add3A_287, %mul3A_342 : vector<16xf32>
        %add3A_344 = arith.addf %add3A_288, %get3A_332 : vector<16xf32>
        %jit3A_345 = arith.constant 0.000000e+00 : f32
        %broadcast_in_dim3A_346 = vector.broadcast %jit3A_345 : f32 to vector<16xf32>
        %select_n3A_347 = arith.select %ne3A_339, %get3A_332, %broadcast_in_dim3A_346 : vector<16xi1>, vector<16xf32>
        %add3A_348 = arith.addf %add3A_292, %select_n3A_347 : vector<16xf32>
        %get3A_349 = arith.index_cast %scan3A_231 : i32 to index
        %get3A_350 = arith.constant 64 : index
        %get3A_351 = tpu.vector_load %arg6[%get3A_349, %get3A_350] {strides = array<i32>} : memref<32x304xf32, #tpu.memory_space<vmem>>, vector<1x16xf32>,
        %get3A_352 = vector.shape_cast %get3A_351 : vector<1x16xf32> to vector<16xf32>
        %get3A_353 = arith.index_cast %scan3A_231 : i32 to index
        %get3A_354 = arith.constant 64 : index
        %get3A_355 = tpu.vector_load %arg8[%get3A_353, %get3A_354] {strides = array<i32>} : memref<32x304xf32, #tpu.memory_space<vmem>>, vector<1x16xf32>,
        %get3A_356 = vector.shape_cast %get3A_355 : vector<1x16xf32> to vector<16xf32>
        %get3A_357 = arith.index_cast %scan3A_231 : i32 to index
        %get3A_358 = arith.constant 64 : index
        %get3A_359 = tpu.vector_load %arg10[%get3A_357, %get3A_358] {strides = array<i32>} : memref<32x304xf32, #tpu.memory_space<vmem>>, vector<1x16xf32>,
        %get3A_360 = vector.shape_cast %get3A_359 : vector<1x16xf32> to vector<16xf32>
        %sub3A_361 = arith.subf %get3A_352, %get3A_356 : vector<16xf32>
        %mul3A_362 = arith.mulf %sub3A_361, %get3A_360 : vector<16xf32>
        %ge3A_363 = vector.broadcast %scan3A : f32 to vector<16xf32>
        %ge3A_364 = arith.cmpf oge, %get3A_352, %ge3A_363 : vector<16xf32>
        %ge3A_365 = vector.broadcast %scan3A : f32 to vector<16xf32>
        %ge3A_366 = arith.cmpf oge, %get3A_356, %ge3A_365 : vector<16xf32>
        %ne3A_367 = arith.xori %ge3A_364, %ge3A_366 : vector<16xi1>
        %abs3A_368 = math.absf %mul3A_362 : vector<16xf32>
        %add3A_369 = arith.addf %add3A_313, %abs3A_368 : vector<16xf32>
        %mul3A_370 = arith.mulf %mul3A_362, %mul3A_362 : vector<16xf32>
        %add3A_371 = arith.addf %add3A_315, %mul3A_370 : vector<16xf32>
        %add3A_372 = arith.addf %add3A_316, %get3A_360 : vector<16xf32>
        %jit3A_373 = arith.constant 0.000000e+00 : f32
        %broadcast_in_dim3A_374 = vector.broadcast %jit3A_373 : f32 to vector<16xf32>
        %select_n3A_375 = arith.select %ne3A_367, %get3A_360, %broadcast_in_dim3A_374 : vector<16xi1>, vector<16xf32>
        %add3A_376 = arith.addf %add3A_320, %select_n3A_375 : vector<16xf32>
        %get3A_377 = arith.index_cast %scan3A_231 : i32 to index
        %get3A_378 = arith.constant 80 : index
        %get3A_379 = tpu.vector_load %arg6[%get3A_377, %get3A_378] {strides = array<i32>} : memref<32x304xf32, #tpu.memory_space<vmem>>, vector<1x16xf32>,
        %get3A_380 = vector.shape_cast %get3A_379 : vector<1x16xf32> to vector<16xf32>
        %get3A_381 = arith.index_cast %scan3A_231 : i32 to index
        %get3A_382 = arith.constant 80 : index
        %get3A_383 = tpu.vector_load %arg8[%get3A_381, %get3A_382] {strides = array<i32>} : memref<32x304xf32, #tpu.memory_space<vmem>>, vector<1x16xf32>,
        %get3A_384 = vector.shape_cast %get3A_383 : vector<1x16xf32> to vector<16xf32>
        %get3A_385 = arith.index_cast %scan3A_231 : i32 to index
        %get3A_386 = arith.constant 80 : index
        %get3A_387 = tpu.vector_load %arg10[%get3A_385, %get3A_386] {strides = array<i32>} : memref<32x304xf32, #tpu.memory_space<vmem>>, vector<1x16xf32>,
        %get3A_388 = vector.shape_cast %get3A_387 : vector<1x16xf32> to vector<16xf32>
        %sub3A_389 = arith.subf %get3A_380, %get3A_384 : vector<16xf32>
        %mul3A_390 = arith.mulf %sub3A_389, %get3A_388 : vector<16xf32>
        %ge3A_391 = vector.broadcast %scan3A : f32 to vector<16xf32>
        %ge3A_392 = arith.cmpf oge, %get3A_380, %ge3A_391 : vector<16xf32>
        %ge3A_393 = vector.broadcast %scan3A : f32 to vector<16xf32>
        %ge3A_394 = arith.cmpf oge, %get3A_384, %ge3A_393 : vector<16xf32>
        %ne3A_395 = arith.xori %ge3A_392, %ge3A_394 : vector<16xi1>
        %abs3A_396 = math.absf %mul3A_390 : vector<16xf32>
        %add3A_397 = arith.addf %add3A_341, %abs3A_396 : vector<16xf32>
        %mul3A_398 = arith.mulf %mul3A_390, %mul3A_390 : vector<16xf32>
        %add3A_399 = arith.addf %add3A_343, %mul3A_398 : vector<16xf32>
        %add3A_400 = arith.addf %add3A_344, %get3A_388 : vector<16xf32>
        %jit3A_401 = arith.constant 0.000000e+00 : f32
        %broadcast_in_dim3A_402 = vector.broadcast %jit3A_401 : f32 to vector<16xf32>
        %select_n3A_403 = arith.select %ne3A_395, %get3A_388, %broadcast_in_dim3A_402 : vector<16xi1>, vector<16xf32>
        %add3A_404 = arith.addf %add3A_348, %select_n3A_403 : vector<16xf32>
        %get3A_405 = arith.index_cast %scan3A_231 : i32 to index
        %get3A_406 = arith.constant 96 : index
        %get3A_407 = tpu.vector_load %arg6[%get3A_405, %get3A_406] {strides = array<i32>} : memref<32x304xf32, #tpu.memory_space<vmem>>, vector<1x16xf32>,
        %get3A_408 = vector.shape_cast %get3A_407 : vector<1x16xf32> to vector<16xf32>
        %get3A_409 = arith.index_cast %scan3A_231 : i32 to index
        %get3A_410 = arith.constant 96 : index
        %get3A_411 = tpu.vector_load %arg8[%get3A_409, %get3A_410] {strides = array<i32>} : memref<32x304xf32, #tpu.memory_space<vmem>>, vector<1x16xf32>,
        %get3A_412 = vector.shape_cast %get3A_411 : vector<1x16xf32> to vector<16xf32>
        %get3A_413 = arith.index_cast %scan3A_231 : i32 to index
        %get3A_414 = arith.constant 96 : index
        %get3A_415 = tpu.vector_load %arg10[%get3A_413, %get3A_414] {strides = array<i32>} : memref<32x304xf32, #tpu.memory_space<vmem>>, vector<1x16xf32>,
        %get3A_416 = vector.shape_cast %get3A_415 : vector<1x16xf32> to vector<16xf32>
        %sub3A_417 = arith.subf %get3A_408, %get3A_412 : vector<16xf32>
        %mul3A_418 = arith.mulf %sub3A_417, %get3A_416 : vector<16xf32>
        %ge3A_419 = vector.broadcast %scan3A : f32 to vector<16xf32>
        %ge3A_420 = arith.cmpf oge, %get3A_408, %ge3A_419 : vector<16xf32>
        %ge3A_421 = vector.broadcast %scan3A : f32 to vector<16xf32>
        %ge3A_422 = arith.cmpf oge, %get3A_412, %ge3A_421 : vector<16xf32>
        %ne3A_423 = arith.xori %ge3A_420, %ge3A_422 : vector<16xi1>
        %abs3A_424 = math.absf %mul3A_418 : vector<16xf32>
        %add3A_425 = arith.addf %add3A_369, %abs3A_424 : vector<16xf32>
        %mul3A_426 = arith.mulf %mul3A_418, %mul3A_418 : vector<16xf32>
        %add3A_427 = arith.addf %add3A_371, %mul3A_426 : vector<16xf32>
        %add3A_428 = arith.addf %add3A_372, %get3A_416 : vector<16xf32>
        %jit3A_429 = arith.constant 0.000000e+00 : f32
        %broadcast_in_dim3A_430 = vector.broadcast %jit3A_429 : f32 to vector<16xf32>
        %select_n3A_431 = arith.select %ne3A_423, %get3A_416, %broadcast_in_dim3A_430 : vector<16xi1>, vector<16xf32>
        %add3A_432 = arith.addf %add3A_376, %select_n3A_431 : vector<16xf32>
        %get3A_433 = arith.index_cast %scan3A_231 : i32 to index
        %get3A_434 = arith.constant 112 : index
        %get3A_435 = tpu.vector_load %arg6[%get3A_433, %get3A_434] {strides = array<i32>} : memref<32x304xf32, #tpu.memory_space<vmem>>, vector<1x16xf32>,
        %get3A_436 = vector.shape_cast %get3A_435 : vector<1x16xf32> to vector<16xf32>
        %get3A_437 = arith.index_cast %scan3A_231 : i32 to index
        %get3A_438 = arith.constant 112 : index
        %get3A_439 = tpu.vector_load %arg8[%get3A_437, %get3A_438] {strides = array<i32>} : memref<32x304xf32, #tpu.memory_space<vmem>>, vector<1x16xf32>,
        %get3A_440 = vector.shape_cast %get3A_439 : vector<1x16xf32> to vector<16xf32>
        %get3A_441 = arith.index_cast %scan3A_231 : i32 to index
        %get3A_442 = arith.constant 112 : index
        %get3A_443 = tpu.vector_load %arg10[%get3A_441, %get3A_442] {strides = array<i32>} : memref<32x304xf32, #tpu.memory_space<vmem>>, vector<1x16xf32>,
        %get3A_444 = vector.shape_cast %get3A_443 : vector<1x16xf32> to vector<16xf32>
        %sub3A_445 = arith.subf %get3A_436, %get3A_440 : vector<16xf32>
        %mul3A_446 = arith.mulf %sub3A_445, %get3A_444 : vector<16xf32>
        %ge3A_447 = vector.broadcast %scan3A : f32 to vector<16xf32>
        %ge3A_448 = arith.cmpf oge, %get3A_436, %ge3A_447 : vector<16xf32>
        %ge3A_449 = vector.broadcast %scan3A : f32 to vector<16xf32>
        %ge3A_450 = arith.cmpf oge, %get3A_440, %ge3A_449 : vector<16xf32>
        %ne3A_451 = arith.xori %ge3A_448, %ge3A_450 : vector<16xi1>
        %abs3A_452 = math.absf %mul3A_446 : vector<16xf32>
        %add3A_453 = arith.addf %add3A_397, %abs3A_452 : vector<16xf32>
        %mul3A_454 = arith.mulf %mul3A_446, %mul3A_446 : vector<16xf32>
        %add3A_455 = arith.addf %add3A_399, %mul3A_454 : vector<16xf32>
        %add3A_456 = arith.addf %add3A_400, %get3A_444 : vector<16xf32>
        %jit3A_457 = arith.constant 0.000000e+00 : f32
        %broadcast_in_dim3A_458 = vector.broadcast %jit3A_457 : f32 to vector<16xf32>
        %select_n3A_459 = arith.select %ne3A_451, %get3A_444, %broadcast_in_dim3A_458 : vector<16xi1>, vector<16xf32>
        %add3A_460 = arith.addf %add3A_404, %select_n3A_459 : vector<16xf32>
        %get3A_461 = arith.index_cast %scan3A_231 : i32 to index
        %get3A_462 = arith.constant 128 : index
        %get3A_463 = tpu.vector_load %arg6[%get3A_461, %get3A_462] {strides = array<i32>} : memref<32x304xf32, #tpu.memory_space<vmem>>, vector<1x16xf32>,
        %get3A_464 = vector.shape_cast %get3A_463 : vector<1x16xf32> to vector<16xf32>
        %get3A_465 = arith.index_cast %scan3A_231 : i32 to index
        %get3A_466 = arith.constant 128 : index
        %get3A_467 = tpu.vector_load %arg8[%get3A_465, %get3A_466] {strides = array<i32>} : memref<32x304xf32, #tpu.memory_space<vmem>>, vector<1x16xf32>,
        %get3A_468 = vector.shape_cast %get3A_467 : vector<1x16xf32> to vector<16xf32>
        %get3A_469 = arith.index_cast %scan3A_231 : i32 to index
        %get3A_470 = arith.constant 128 : index
        %get3A_471 = tpu.vector_load %arg10[%get3A_469, %get3A_470] {strides = array<i32>} : memref<32x304xf32, #tpu.memory_space<vmem>>, vector<1x16xf32>,
        %get3A_472 = vector.shape_cast %get3A_471 : vector<1x16xf32> to vector<16xf32>
        %sub3A_473 = arith.subf %get3A_464, %get3A_468 : vector<16xf32>
        %mul3A_474 = arith.mulf %sub3A_473, %get3A_472 : vector<16xf32>
        %ge3A_475 = vector.broadcast %scan3A : f32 to vector<16xf32>
        %ge3A_476 = arith.cmpf oge, %get3A_464, %ge3A_475 : vector<16xf32>
        %ge3A_477 = vector.broadcast %scan3A : f32 to vector<16xf32>
        %ge3A_478 = arith.cmpf oge, %get3A_468, %ge3A_477 : vector<16xf32>
        %ne3A_479 = arith.xori %ge3A_476, %ge3A_478 : vector<16xi1>
        %abs3A_480 = math.absf %mul3A_474 : vector<16xf32>
        %add3A_481 = arith.addf %add3A_425, %abs3A_480 : vector<16xf32>
        %mul3A_482 = arith.mulf %mul3A_474, %mul3A_474 : vector<16xf32>
        %add3A_483 = arith.addf %add3A_427, %mul3A_482 : vector<16xf32>
        %add3A_484 = arith.addf %add3A_428, %get3A_472 : vector<16xf32>
        %jit3A_485 = arith.constant 0.000000e+00 : f32
        %broadcast_in_dim3A_486 = vector.broadcast %jit3A_485 : f32 to vector<16xf32>
        %select_n3A_487 = arith.select %ne3A_479, %get3A_472, %broadcast_in_dim3A_486 : vector<16xi1>, vector<16xf32>
        %add3A_488 = arith.addf %add3A_432, %select_n3A_487 : vector<16xf32>
        %get3A_489 = arith.index_cast %scan3A_231 : i32 to index
        %get3A_490 = arith.constant 144 : index
        %get3A_491 = tpu.vector_load %arg6[%get3A_489, %get3A_490] {strides = array<i32>} : memref<32x304xf32, #tpu.memory_space<vmem>>, vector<1x16xf32>,
        %get3A_492 = vector.shape_cast %get3A_491 : vector<1x16xf32> to vector<16xf32>
        %get3A_493 = arith.index_cast %scan3A_231 : i32 to index
        %get3A_494 = arith.constant 144 : index
        %get3A_495 = tpu.vector_load %arg8[%get3A_493, %get3A_494] {strides = array<i32>} : memref<32x304xf32, #tpu.memory_space<vmem>>, vector<1x16xf32>,
        %get3A_496 = vector.shape_cast %get3A_495 : vector<1x16xf32> to vector<16xf32>
        %get3A_497 = arith.index_cast %scan3A_231 : i32 to index
        %get3A_498 = arith.constant 144 : index
        %get3A_499 = tpu.vector_load %arg10[%get3A_497, %get3A_498] {strides = array<i32>} : memref<32x304xf32, #tpu.memory_space<vmem>>, vector<1x16xf32>,
        %get3A_500 = vector.shape_cast %get3A_499 : vector<1x16xf32> to vector<16xf32>
        %sub3A_501 = arith.subf %get3A_492, %get3A_496 : vector<16xf32>
        %mul3A_502 = arith.mulf %sub3A_501, %get3A_500 : vector<16xf32>
        %ge3A_503 = vector.broadcast %scan3A : f32 to vector<16xf32>
        %ge3A_504 = arith.cmpf oge, %get3A_492, %ge3A_503 : vector<16xf32>
        %ge3A_505 = vector.broadcast %scan3A : f32 to vector<16xf32>
        %ge3A_506 = arith.cmpf oge, %get3A_496, %ge3A_505 : vector<16xf32>
        %ne3A_507 = arith.xori %ge3A_504, %ge3A_506 : vector<16xi1>
        %abs3A_508 = math.absf %mul3A_502 : vector<16xf32>
        %add3A_509 = arith.addf %add3A_453, %abs3A_508 : vector<16xf32>
        %mul3A_510 = arith.mulf %mul3A_502, %mul3A_502 : vector<16xf32>
        %add3A_511 = arith.addf %add3A_455, %mul3A_510 : vector<16xf32>
        %add3A_512 = arith.addf %add3A_456, %get3A_500 : vector<16xf32>
        %jit3A_513 = arith.constant 0.000000e+00 : f32
        %broadcast_in_dim3A_514 = vector.broadcast %jit3A_513 : f32 to vector<16xf32>
        %select_n3A_515 = arith.select %ne3A_507, %get3A_500, %broadcast_in_dim3A_514 : vector<16xi1>, vector<16xf32>
        %add3A_516 = arith.addf %add3A_460, %select_n3A_515 : vector<16xf32>
        %get3A_517 = arith.index_cast %scan3A_231 : i32 to index
        %get3A_518 = arith.constant 160 : index
        %get3A_519 = tpu.vector_load %arg6[%get3A_517, %get3A_518] {strides = array<i32>} : memref<32x304xf32, #tpu.memory_space<vmem>>, vector<1x16xf32>,
        %get3A_520 = vector.shape_cast %get3A_519 : vector<1x16xf32> to vector<16xf32>
        %get3A_521 = arith.index_cast %scan3A_231 : i32 to index
        %get3A_522 = arith.constant 160 : index
        %get3A_523 = tpu.vector_load %arg8[%get3A_521, %get3A_522] {strides = array<i32>} : memref<32x304xf32, #tpu.memory_space<vmem>>, vector<1x16xf32>,
        %get3A_524 = vector.shape_cast %get3A_523 : vector<1x16xf32> to vector<16xf32>
        %get3A_525 = arith.index_cast %scan3A_231 : i32 to index
        %get3A_526 = arith.constant 160 : index
        %get3A_527 = tpu.vector_load %arg10[%get3A_525, %get3A_526] {strides = array<i32>} : memref<32x304xf32, #tpu.memory_space<vmem>>, vector<1x16xf32>,
        %get3A_528 = vector.shape_cast %get3A_527 : vector<1x16xf32> to vector<16xf32>
        %sub3A_529 = arith.subf %get3A_520, %get3A_524 : vector<16xf32>
        %mul3A_530 = arith.mulf %sub3A_529, %get3A_528 : vector<16xf32>
        %ge3A_531 = vector.broadcast %scan3A : f32 to vector<16xf32>
        %ge3A_532 = arith.cmpf oge, %get3A_520, %ge3A_531 : vector<16xf32>
        %ge3A_533 = vector.broadcast %scan3A : f32 to vector<16xf32>
        %ge3A_534 = arith.cmpf oge, %get3A_524, %ge3A_533 : vector<16xf32>
        %ne3A_535 = arith.xori %ge3A_532, %ge3A_534 : vector<16xi1>
        %abs3A_536 = math.absf %mul3A_530 : vector<16xf32>
        %add3A_537 = arith.addf %add3A_481, %abs3A_536 : vector<16xf32>
        %mul3A_538 = arith.mulf %mul3A_530, %mul3A_530 : vector<16xf32>
        %add3A_539 = arith.addf %add3A_483, %mul3A_538 : vector<16xf32>
        %add3A_540 = arith.addf %add3A_484, %get3A_528 : vector<16xf32>
        %jit3A_541 = arith.constant 0.000000e+00 : f32
        %broadcast_in_dim3A_542 = vector.broadcast %jit3A_541 : f32 to vector<16xf32>
        %select_n3A_543 = arith.select %ne3A_535, %get3A_528, %broadcast_in_dim3A_542 : vector<16xi1>, vector<16xf32>
        %add3A_544 = arith.addf %add3A_488, %select_n3A_543 : vector<16xf32>
        %get3A_545 = arith.index_cast %scan3A_231 : i32 to index
        %get3A_546 = arith.constant 176 : index
        %get3A_547 = tpu.vector_load %arg6[%get3A_545, %get3A_546] {strides = array<i32>} : memref<32x304xf32, #tpu.memory_space<vmem>>, vector<1x16xf32>,
        %get3A_548 = vector.shape_cast %get3A_547 : vector<1x16xf32> to vector<16xf32>
        %get3A_549 = arith.index_cast %scan3A_231 : i32 to index
        %get3A_550 = arith.constant 176 : index
        %get3A_551 = tpu.vector_load %arg8[%get3A_549, %get3A_550] {strides = array<i32>} : memref<32x304xf32, #tpu.memory_space<vmem>>, vector<1x16xf32>,
        %get3A_552 = vector.shape_cast %get3A_551 : vector<1x16xf32> to vector<16xf32>
        %get3A_553 = arith.index_cast %scan3A_231 : i32 to index
        %get3A_554 = arith.constant 176 : index
        %get3A_555 = tpu.vector_load %arg10[%get3A_553, %get3A_554] {strides = array<i32>} : memref<32x304xf32, #tpu.memory_space<vmem>>, vector<1x16xf32>,
        %get3A_556 = vector.shape_cast %get3A_555 : vector<1x16xf32> to vector<16xf32>
        %sub3A_557 = arith.subf %get3A_548, %get3A_552 : vector<16xf32>
        %mul3A_558 = arith.mulf %sub3A_557, %get3A_556 : vector<16xf32>
        %ge3A_559 = vector.broadcast %scan3A : f32 to vector<16xf32>
        %ge3A_560 = arith.cmpf oge, %get3A_548, %ge3A_559 : vector<16xf32>
        %ge3A_561 = vector.broadcast %scan3A : f32 to vector<16xf32>
        %ge3A_562 = arith.cmpf oge, %get3A_552, %ge3A_561 : vector<16xf32>
        %ne3A_563 = arith.xori %ge3A_560, %ge3A_562 : vector<16xi1>
        %abs3A_564 = math.absf %mul3A_558 : vector<16xf32>
        %add3A_565 = arith.addf %add3A_509, %abs3A_564 : vector<16xf32>
        %mul3A_566 = arith.mulf %mul3A_558, %mul3A_558 : vector<16xf32>
        %add3A_567 = arith.addf %add3A_511, %mul3A_566 : vector<16xf32>
        %add3A_568 = arith.addf %add3A_512, %get3A_556 : vector<16xf32>
        %jit3A_569 = arith.constant 0.000000e+00 : f32
        %broadcast_in_dim3A_570 = vector.broadcast %jit3A_569 : f32 to vector<16xf32>
        %select_n3A_571 = arith.select %ne3A_563, %get3A_556, %broadcast_in_dim3A_570 : vector<16xi1>, vector<16xf32>
        %add3A_572 = arith.addf %add3A_516, %select_n3A_571 : vector<16xf32>
        %get3A_573 = arith.index_cast %scan3A_231 : i32 to index
        %get3A_574 = arith.constant 192 : index
        %get3A_575 = tpu.vector_load %arg6[%get3A_573, %get3A_574] {strides = array<i32>} : memref<32x304xf32, #tpu.memory_space<vmem>>, vector<1x16xf32>,
        %get3A_576 = vector.shape_cast %get3A_575 : vector<1x16xf32> to vector<16xf32>
        %get3A_577 = arith.index_cast %scan3A_231 : i32 to index
        %get3A_578 = arith.constant 192 : index
        %get3A_579 = tpu.vector_load %arg8[%get3A_577, %get3A_578] {strides = array<i32>} : memref<32x304xf32, #tpu.memory_space<vmem>>, vector<1x16xf32>,
        %get3A_580 = vector.shape_cast %get3A_579 : vector<1x16xf32> to vector<16xf32>
        %get3A_581 = arith.index_cast %scan3A_231 : i32 to index
        %get3A_582 = arith.constant 192 : index
        %get3A_583 = tpu.vector_load %arg10[%get3A_581, %get3A_582] {strides = array<i32>} : memref<32x304xf32, #tpu.memory_space<vmem>>, vector<1x16xf32>,
        %get3A_584 = vector.shape_cast %get3A_583 : vector<1x16xf32> to vector<16xf32>
        %sub3A_585 = arith.subf %get3A_576, %get3A_580 : vector<16xf32>
        %mul3A_586 = arith.mulf %sub3A_585, %get3A_584 : vector<16xf32>
        %ge3A_587 = vector.broadcast %scan3A : f32 to vector<16xf32>
        %ge3A_588 = arith.cmpf oge, %get3A_576, %ge3A_587 : vector<16xf32>
        %ge3A_589 = vector.broadcast %scan3A : f32 to vector<16xf32>
        %ge3A_590 = arith.cmpf oge, %get3A_580, %ge3A_589 : vector<16xf32>
        %ne3A_591 = arith.xori %ge3A_588, %ge3A_590 : vector<16xi1>
        %abs3A_592 = math.absf %mul3A_586 : vector<16xf32>
        %add3A_593 = arith.addf %add3A_537, %abs3A_592 : vector<16xf32>
        %mul3A_594 = arith.mulf %mul3A_586, %mul3A_586 : vector<16xf32>
        %add3A_595 = arith.addf %add3A_539, %mul3A_594 : vector<16xf32>
        %add3A_596 = arith.addf %add3A_540, %get3A_584 : vector<16xf32>
        %jit3A_597 = arith.constant 0.000000e+00 : f32
        %broadcast_in_dim3A_598 = vector.broadcast %jit3A_597 : f32 to vector<16xf32>
        %select_n3A_599 = arith.select %ne3A_591, %get3A_584, %broadcast_in_dim3A_598 : vector<16xi1>, vector<16xf32>
        %add3A_600 = arith.addf %add3A_544, %select_n3A_599 : vector<16xf32>
        %get3A_601 = arith.index_cast %scan3A_231 : i32 to index
        %get3A_602 = arith.constant 208 : index
        %get3A_603 = tpu.vector_load %arg6[%get3A_601, %get3A_602] {strides = array<i32>} : memref<32x304xf32, #tpu.memory_space<vmem>>, vector<1x16xf32>,
        %get3A_604 = vector.shape_cast %get3A_603 : vector<1x16xf32> to vector<16xf32>
        %get3A_605 = arith.index_cast %scan3A_231 : i32 to index
        %get3A_606 = arith.constant 208 : index
        %get3A_607 = tpu.vector_load %arg8[%get3A_605, %get3A_606] {strides = array<i32>} : memref<32x304xf32, #tpu.memory_space<vmem>>, vector<1x16xf32>,
        %get3A_608 = vector.shape_cast %get3A_607 : vector<1x16xf32> to vector<16xf32>
        %get3A_609 = arith.index_cast %scan3A_231 : i32 to index
        %get3A_610 = arith.constant 208 : index
        %get3A_611 = tpu.vector_load %arg10[%get3A_609, %get3A_610] {strides = array<i32>} : memref<32x304xf32, #tpu.memory_space<vmem>>, vector<1x16xf32>,
        %get3A_612 = vector.shape_cast %get3A_611 : vector<1x16xf32> to vector<16xf32>
        %sub3A_613 = arith.subf %get3A_604, %get3A_608 : vector<16xf32>
        %mul3A_614 = arith.mulf %sub3A_613, %get3A_612 : vector<16xf32>
        %ge3A_615 = vector.broadcast %scan3A : f32 to vector<16xf32>
        %ge3A_616 = arith.cmpf oge, %get3A_604, %ge3A_615 : vector<16xf32>
        %ge3A_617 = vector.broadcast %scan3A : f32 to vector<16xf32>
        %ge3A_618 = arith.cmpf oge, %get3A_608, %ge3A_617 : vector<16xf32>
        %ne3A_619 = arith.xori %ge3A_616, %ge3A_618 : vector<16xi1>
        %abs3A_620 = math.absf %mul3A_614 : vector<16xf32>
        %add3A_621 = arith.addf %add3A_565, %abs3A_620 : vector<16xf32>
        %mul3A_622 = arith.mulf %mul3A_614, %mul3A_614 : vector<16xf32>
        %add3A_623 = arith.addf %add3A_567, %mul3A_622 : vector<16xf32>
        %add3A_624 = arith.addf %add3A_568, %get3A_612 : vector<16xf32>
        %jit3A_625 = arith.constant 0.000000e+00 : f32
        %broadcast_in_dim3A_626 = vector.broadcast %jit3A_625 : f32 to vector<16xf32>
        %select_n3A_627 = arith.select %ne3A_619, %get3A_612, %broadcast_in_dim3A_626 : vector<16xi1>, vector<16xf32>
        %add3A_628 = arith.addf %add3A_572, %select_n3A_627 : vector<16xf32>
        %get3A_629 = arith.index_cast %scan3A_231 : i32 to index
        %get3A_630 = arith.constant 224 : index
        %get3A_631 = tpu.vector_load %arg6[%get3A_629, %get3A_630] {strides = array<i32>} : memref<32x304xf32, #tpu.memory_space<vmem>>, vector<1x16xf32>,
        %get3A_632 = vector.shape_cast %get3A_631 : vector<1x16xf32> to vector<16xf32>
        %get3A_633 = arith.index_cast %scan3A_231 : i32 to index
        %get3A_634 = arith.constant 224 : index
        %get3A_635 = tpu.vector_load %arg8[%get3A_633, %get3A_634] {strides = array<i32>} : memref<32x304xf32, #tpu.memory_space<vmem>>, vector<1x16xf32>,
        %get3A_636 = vector.shape_cast %get3A_635 : vector<1x16xf32> to vector<16xf32>
        %get3A_637 = arith.index_cast %scan3A_231 : i32 to index
        %get3A_638 = arith.constant 224 : index
        %get3A_639 = tpu.vector_load %arg10[%get3A_637, %get3A_638] {strides = array<i32>} : memref<32x304xf32, #tpu.memory_space<vmem>>, vector<1x16xf32>,
        %get3A_640 = vector.shape_cast %get3A_639 : vector<1x16xf32> to vector<16xf32>
        %sub3A_641 = arith.subf %get3A_632, %get3A_636 : vector<16xf32>
        %mul3A_642 = arith.mulf %sub3A_641, %get3A_640 : vector<16xf32>
        %ge3A_643 = vector.broadcast %scan3A : f32 to vector<16xf32>
        %ge3A_644 = arith.cmpf oge, %get3A_632, %ge3A_643 : vector<16xf32>
        %ge3A_645 = vector.broadcast %scan3A : f32 to vector<16xf32>
        %ge3A_646 = arith.cmpf oge, %get3A_636, %ge3A_645 : vector<16xf32>
        %ne3A_647 = arith.xori %ge3A_644, %ge3A_646 : vector<16xi1>
        %abs3A_648 = math.absf %mul3A_642 : vector<16xf32>
        %add3A_649 = arith.addf %add3A_593, %abs3A_648 : vector<16xf32>
        %mul3A_650 = arith.mulf %mul3A_642, %mul3A_642 : vector<16xf32>
        %add3A_651 = arith.addf %add3A_595, %mul3A_650 : vector<16xf32>
        %add3A_652 = arith.addf %add3A_596, %get3A_640 : vector<16xf32>
        %jit3A_653 = arith.constant 0.000000e+00 : f32
        %broadcast_in_dim3A_654 = vector.broadcast %jit3A_653 : f32 to vector<16xf32>
        %select_n3A_655 = arith.select %ne3A_647, %get3A_640, %broadcast_in_dim3A_654 : vector<16xi1>, vector<16xf32>
        %add3A_656 = arith.addf %add3A_600, %select_n3A_655 : vector<16xf32>
        %get3A_657 = arith.index_cast %scan3A_231 : i32 to index
        %get3A_658 = arith.constant 240 : index
        %get3A_659 = tpu.vector_load %arg6[%get3A_657, %get3A_658] {strides = array<i32>} : memref<32x304xf32, #tpu.memory_space<vmem>>, vector<1x16xf32>,
        %get3A_660 = vector.shape_cast %get3A_659 : vector<1x16xf32> to vector<16xf32>
        %get3A_661 = arith.index_cast %scan3A_231 : i32 to index
        %get3A_662 = arith.constant 240 : index
        %get3A_663 = tpu.vector_load %arg8[%get3A_661, %get3A_662] {strides = array<i32>} : memref<32x304xf32, #tpu.memory_space<vmem>>, vector<1x16xf32>,
        %get3A_664 = vector.shape_cast %get3A_663 : vector<1x16xf32> to vector<16xf32>
        %get3A_665 = arith.index_cast %scan3A_231 : i32 to index
        %get3A_666 = arith.constant 240 : index
        %get3A_667 = tpu.vector_load %arg10[%get3A_665, %get3A_666] {strides = array<i32>} : memref<32x304xf32, #tpu.memory_space<vmem>>, vector<1x16xf32>,
        %get3A_668 = vector.shape_cast %get3A_667 : vector<1x16xf32> to vector<16xf32>
        %sub3A_669 = arith.subf %get3A_660, %get3A_664 : vector<16xf32>
        %mul3A_670 = arith.mulf %sub3A_669, %get3A_668 : vector<16xf32>
        %ge3A_671 = vector.broadcast %scan3A : f32 to vector<16xf32>
        %ge3A_672 = arith.cmpf oge, %get3A_660, %ge3A_671 : vector<16xf32>
        %ge3A_673 = vector.broadcast %scan3A : f32 to vector<16xf32>
        %ge3A_674 = arith.cmpf oge, %get3A_664, %ge3A_673 : vector<16xf32>
        %ne3A_675 = arith.xori %ge3A_672, %ge3A_674 : vector<16xi1>
        %abs3A_676 = math.absf %mul3A_670 : vector<16xf32>
        %add3A_677 = arith.addf %add3A_621, %abs3A_676 : vector<16xf32>
        %mul3A_678 = arith.mulf %mul3A_670, %mul3A_670 : vector<16xf32>
        %add3A_679 = arith.addf %add3A_623, %mul3A_678 : vector<16xf32>
        %add3A_680 = arith.addf %add3A_624, %get3A_668 : vector<16xf32>
        %jit3A_681 = arith.constant 0.000000e+00 : f32
        %broadcast_in_dim3A_682 = vector.broadcast %jit3A_681 : f32 to vector<16xf32>
        %select_n3A_683 = arith.select %ne3A_675, %get3A_668, %broadcast_in_dim3A_682 : vector<16xi1>, vector<16xf32>
        %add3A_684 = arith.addf %add3A_628, %select_n3A_683 : vector<16xf32>
        %get3A_685 = arith.index_cast %scan3A_231 : i32 to index
        %get3A_686 = arith.constant 256 : index
        %get3A_687 = tpu.vector_load %arg6[%get3A_685, %get3A_686] {strides = array<i32>} : memref<32x304xf32, #tpu.memory_space<vmem>>, vector<1x16xf32>,
        %get3A_688 = vector.shape_cast %get3A_687 : vector<1x16xf32> to vector<16xf32>
        %get3A_689 = arith.index_cast %scan3A_231 : i32 to index
        %get3A_690 = arith.constant 256 : index
        %get3A_691 = tpu.vector_load %arg8[%get3A_689, %get3A_690] {strides = array<i32>} : memref<32x304xf32, #tpu.memory_space<vmem>>, vector<1x16xf32>,
        %get3A_692 = vector.shape_cast %get3A_691 : vector<1x16xf32> to vector<16xf32>
        %get3A_693 = arith.index_cast %scan3A_231 : i32 to index
        %get3A_694 = arith.constant 256 : index
        %get3A_695 = tpu.vector_load %arg10[%get3A_693, %get3A_694] {strides = array<i32>} : memref<32x304xf32, #tpu.memory_space<vmem>>, vector<1x16xf32>,
        %get3A_696 = vector.shape_cast %get3A_695 : vector<1x16xf32> to vector<16xf32>
        %sub3A_697 = arith.subf %get3A_688, %get3A_692 : vector<16xf32>
        %mul3A_698 = arith.mulf %sub3A_697, %get3A_696 : vector<16xf32>
        %ge3A_699 = vector.broadcast %scan3A : f32 to vector<16xf32>
        %ge3A_700 = arith.cmpf oge, %get3A_688, %ge3A_699 : vector<16xf32>
        %ge3A_701 = vector.broadcast %scan3A : f32 to vector<16xf32>
        %ge3A_702 = arith.cmpf oge, %get3A_692, %ge3A_701 : vector<16xf32>
        %ne3A_703 = arith.xori %ge3A_700, %ge3A_702 : vector<16xi1>
        %abs3A_704 = math.absf %mul3A_698 : vector<16xf32>
        %add3A_705 = arith.addf %add3A_649, %abs3A_704 : vector<16xf32>
        %mul3A_706 = arith.mulf %mul3A_698, %mul3A_698 : vector<16xf32>
        %add3A_707 = arith.addf %add3A_651, %mul3A_706 : vector<16xf32>
        %add3A_708 = arith.addf %add3A_652, %get3A_696 : vector<16xf32>
        %jit3A_709 = arith.constant 0.000000e+00 : f32
        %broadcast_in_dim3A_710 = vector.broadcast %jit3A_709 : f32 to vector<16xf32>
        %select_n3A_711 = arith.select %ne3A_703, %get3A_696, %broadcast_in_dim3A_710 : vector<16xi1>, vector<16xf32>
        %add3A_712 = arith.addf %add3A_656, %select_n3A_711 : vector<16xf32>
        %get3A_713 = arith.index_cast %scan3A_231 : i32 to index
        %get3A_714 = arith.constant 272 : index
        %get3A_715 = tpu.vector_load %arg6[%get3A_713, %get3A_714] {strides = array<i32>} : memref<32x304xf32, #tpu.memory_space<vmem>>, vector<1x16xf32>,
        %get3A_716 = vector.shape_cast %get3A_715 : vector<1x16xf32> to vector<16xf32>
        %get3A_717 = arith.index_cast %scan3A_231 : i32 to index
        %get3A_718 = arith.constant 272 : index
        %get3A_719 = tpu.vector_load %arg8[%get3A_717, %get3A_718] {strides = array<i32>} : memref<32x304xf32, #tpu.memory_space<vmem>>, vector<1x16xf32>,
        %get3A_720 = vector.shape_cast %get3A_719 : vector<1x16xf32> to vector<16xf32>
        %get3A_721 = arith.index_cast %scan3A_231 : i32 to index
        %get3A_722 = arith.constant 272 : index
        %get3A_723 = tpu.vector_load %arg10[%get3A_721, %get3A_722] {strides = array<i32>} : memref<32x304xf32, #tpu.memory_space<vmem>>, vector<1x16xf32>,
        %get3A_724 = vector.shape_cast %get3A_723 : vector<1x16xf32> to vector<16xf32>
        %sub3A_725 = arith.subf %get3A_716, %get3A_720 : vector<16xf32>
        %mul3A_726 = arith.mulf %sub3A_725, %get3A_724 : vector<16xf32>
        %ge3A_727 = vector.broadcast %scan3A : f32 to vector<16xf32>
        %ge3A_728 = arith.cmpf oge, %get3A_716, %ge3A_727 : vector<16xf32>
        %ge3A_729 = vector.broadcast %scan3A : f32 to vector<16xf32>
        %ge3A_730 = arith.cmpf oge, %get3A_720, %ge3A_729 : vector<16xf32>
        %ne3A_731 = arith.xori %ge3A_728, %ge3A_730 : vector<16xi1>
        %abs3A_732 = math.absf %mul3A_726 : vector<16xf32>
        %add3A_733 = arith.addf %add3A_677, %abs3A_732 : vector<16xf32>
        %mul3A_734 = arith.mulf %mul3A_726, %mul3A_726 : vector<16xf32>
        %add3A_735 = arith.addf %add3A_679, %mul3A_734 : vector<16xf32>
        %add3A_736 = arith.addf %add3A_680, %get3A_724 : vector<16xf32>
        %jit3A_737 = arith.constant 0.000000e+00 : f32
        %broadcast_in_dim3A_738 = vector.broadcast %jit3A_737 : f32 to vector<16xf32>
        %select_n3A_739 = arith.select %ne3A_731, %get3A_724, %broadcast_in_dim3A_738 : vector<16xi1>, vector<16xf32>
        %add3A_740 = arith.addf %add3A_684, %select_n3A_739 : vector<16xf32>
        %get3A_741 = arith.index_cast %scan3A_231 : i32 to index
        %get3A_742 = arith.constant 288 : index
        %get3A_743 = tpu.vector_load %arg6[%get3A_741, %get3A_742] {strides = array<i32>} : memref<32x304xf32, #tpu.memory_space<vmem>>, vector<1x16xf32>,
        %get3A_744 = vector.shape_cast %get3A_743 : vector<1x16xf32> to vector<16xf32>
        %get3A_745 = arith.index_cast %scan3A_231 : i32 to index
        %get3A_746 = arith.constant 288 : index
        %get3A_747 = tpu.vector_load %arg8[%get3A_745, %get3A_746] {strides = array<i32>} : memref<32x304xf32, #tpu.memory_space<vmem>>, vector<1x16xf32>,
        %get3A_748 = vector.shape_cast %get3A_747 : vector<1x16xf32> to vector<16xf32>
        %get3A_749 = arith.index_cast %scan3A_231 : i32 to index
        %get3A_750 = arith.constant 288 : index
        %get3A_751 = tpu.vector_load %arg10[%get3A_749, %get3A_750] {strides = array<i32>} : memref<32x304xf32, #tpu.memory_space<vmem>>, vector<1x16xf32>,
        %get3A_752 = vector.shape_cast %get3A_751 : vector<1x16xf32> to vector<16xf32>
        %sub3A_753 = arith.subf %get3A_744, %get3A_748 : vector<16xf32>
        %mul3A_754 = arith.mulf %sub3A_753, %get3A_752 : vector<16xf32>
        %ge3A_755 = vector.broadcast %scan3A : f32 to vector<16xf32>
        %ge3A_756 = arith.cmpf oge, %get3A_744, %ge3A_755 : vector<16xf32>
        %ge3A_757 = vector.broadcast %scan3A : f32 to vector<16xf32>
        %ge3A_758 = arith.cmpf oge, %get3A_748, %ge3A_757 : vector<16xf32>
        %ne3A_759 = arith.xori %ge3A_756, %ge3A_758 : vector<16xi1>
        %abs3A_760 = math.absf %mul3A_754 : vector<16xf32>
        %add3A_761 = arith.addf %add3A_705, %abs3A_760 : vector<16xf32>
        %mul3A_762 = arith.mulf %mul3A_754, %mul3A_754 : vector<16xf32>
        %add3A_763 = arith.addf %add3A_707, %mul3A_762 : vector<16xf32>
        %add3A_764 = arith.addf %add3A_708, %get3A_752 : vector<16xf32>
        %jit3A_765 = arith.constant 0.000000e+00 : f32
        %broadcast_in_dim3A_766 = vector.broadcast %jit3A_765 : f32 to vector<16xf32>
        %select_n3A_767 = arith.select %ne3A_759, %get3A_752, %broadcast_in_dim3A_766 : vector<16xi1>, vector<16xf32>
        %add3A_768 = arith.addf %add3A_712, %select_n3A_767 : vector<16xf32>
        scf.yield %add3A_761, %add3A_763, %add3A_764, %add3A_768, %add3A_733, %add3A_735, %add3A_736, %add3A_740 : vector<16xf32>, vector<16xf32>, vector<16xf32>, vector<16xf32>, vector<16xf32>, vector<16xf32>, vector<16xf32>, vector<16xf32>
      }
      %scan3A_171 = arith.constant 32 : i32
      %add3A_172 = arith.addf %scan3A_63, %scan3A_170#0 : vector<16xf32>
      %add3A_173 = arith.addf %scan3A_64, %scan3A_170#1 : vector<16xf32>
      %add3A_174 = arith.addf %scan3A_65, %scan3A_170#2 : vector<16xf32>
      %add3A_175 = arith.addf %scan3A_66, %scan3A_170#3 : vector<16xf32>
      %add3A_176 = arith.addf %scan3A_67, %scan3A_170#4 : vector<16xf32>
      %add3A_177 = arith.addf %scan3A_68, %scan3A_170#5 : vector<16xf32>
      %add3A_178 = arith.addf %scan3A_69, %scan3A_170#6 : vector<16xf32>
      %add3A_179 = arith.addf %scan3A_70, %scan3A_170#7 : vector<16xf32>
      %mul3A_180 = arith.constant 2 : i32
      %mul3A_181 = arith.muli %mul3A_180, %scan3A_62 : i32
      %add3A_182 = arith.constant 2 : i32
      %add3A_183 = arith.addi %mul3A_181, %add3A_182 : i32
      %lt3A_184 = arith.constant 42 : i32
      %lt3A_185 = arith.cmpi slt, %add3A_183, %lt3A_184 : i32
      %convert_element_type3A = arith.extui %lt3A_185 : i1 to i32
      %cond3A = arith.constant 0 : i32
      %cond3A_186 = arith.cmpi ne, %convert_element_type3A, %cond3A : i32
      scf.if %cond3A_186 {
        %mul3A_231 = arith.constant 2 : i32
        %mul3A_232 = arith.muli %mul3A_231, %scan3A_62 : i32
        %add3A_233 = arith.constant 2 : i32
        %add3A_234 = arith.addi %mul3A_232, %add3A_233 : i32
        %mul3A_235 = arith.constant 3 : i32
        %mul3A_236 = arith.muli %add3A, %mul3A_235 : i32
        %jit3A_237 = arith.constant 14 : i32
        %div3A_238 = arith.divsi %add3A_234, %jit3A_237 : i32
        %sign3A_239 = arith.constant 0 : i32
        %sign3A_240 = arith.cmpi sgt, %add3A_234, %sign3A_239 : i32
        %sign3A_241 = arith.extui %sign3A_240 : i1 to i32
        %sign3A_242 = arith.constant 0 : i32
        %sign3A_243 = arith.cmpi slt, %add3A_234, %sign3A_242 : i32
        %sign3A_244 = arith.extui %sign3A_243 : i1 to i32
        %sign3A_245 = arith.subi %sign3A_241, %sign3A_244 : i32
        %sign3A_246 = arith.constant 0 : i32
        %sign3A_247 = arith.cmpi sgt, %jit3A_237, %sign3A_246 : i32
        %sign3A_248 = arith.extui %sign3A_247 : i1 to i32
        %sign3A_249 = arith.constant 0 : i32
        %sign3A_250 = arith.cmpi slt, %jit3A_237, %sign3A_249 : i32
        %sign3A_251 = arith.extui %sign3A_250 : i1 to i32
        %sign3A_252 = arith.subi %sign3A_248, %sign3A_251 : i32
        %ne3A_253 = arith.cmpi ne, %sign3A_245, %sign3A_252 : i32
        %rem3A_254 = arith.remsi %add3A_234, %jit3A_237 : i32
        %ne3A_255 = arith.constant 0 : i32
        %ne3A_256 = arith.cmpi ne, %rem3A_254, %ne3A_255 : i32
        %and3A_257 = arith.andi %ne3A_253, %ne3A_256 : i1
        %sub3A_258 = arith.constant 1 : i32
        %sub3A_259 = arith.subi %div3A_238, %sub3A_258 : i32
        %select_n3A_260 = arith.select %and3A_257, %sub3A_259, %div3A_238 : i32
        %add3A_261 = arith.addi %mul3A_236, %select_n3A_260 : i32
        %mul3A_262 = arith.constant 43691 : i32
        %mul3A_263 = arith.muli %add3A_261, %mul3A_262 : i32
        %shift_right_arithmetic3A_264 = arith.constant 19 : i32
        %shift_right_arithmetic3A_265 = arith.shrsi %mul3A_263, %shift_right_arithmetic3A_264 : i32
        %mul3A_266 = arith.constant 12 : i32
        %mul3A_267 = arith.muli %shift_right_arithmetic3A_265, %mul3A_266 : i32
        %sub3A_268 = arith.subi %add3A_261, %mul3A_267 : i32
        %jit3A_269 = arith.constant 14 : i32
        %eq3A_270 = arith.constant 0 : i32
        %eq3A_271 = arith.cmpi eq, %jit3A_269, %eq3A_270 : i32
        %jit3A_272 = arith.constant 1 : i32
        %select_n3A_273 = arith.select %eq3A_271, %jit3A_272, %jit3A_269 : i32
        %rem3A_274 = arith.remsi %add3A_234, %select_n3A_273 : i32
        %ne3A_275 = arith.constant 0 : i32
        %ne3A_276 = arith.cmpi ne, %rem3A_274, %ne3A_275 : i32
        %lt3A_277 = arith.constant 0 : i32
        %lt3A_278 = arith.cmpi slt, %rem3A_274, %lt3A_277 : i32
        %lt3A_279 = arith.constant 0 : i32
        %lt3A_280 = arith.cmpi slt, %select_n3A_273, %lt3A_279 : i32
        %ne3A_281 = arith.xori %lt3A_278, %lt3A_280 : i1
        %and3A_282 = arith.andi %ne3A_281, %ne3A_276 : i1
        %add3A_283 = arith.addi %rem3A_274, %select_n3A_273 : i32
        %select_n3A_284 = arith.select %and3A_282, %add3A_283, %rem3A_274 : i32
        %mul3A_285 = arith.constant 32 : i32
        %mul3A_286 = arith.muli %select_n3A_284, %mul3A_285 : i32
        %multiple_of3A_287 = tpu.assume_multiple %mul3A_286, 32 : i32
        %dma_start3A_288 = arith.constant 0 : i32
        %dma_start3A_289 = tpu.memref_slice %arg2[%shift_right_arithmetic3A_265, %sub3A_268, %multiple_of3A_287, %dma_start3A_288] : memref<8x12x448x304xf32, #tpu.memory_space<hbm>> -> memref<1x1x32x304xf32, #tpu.memory_space<hbm>>
        %dma_start3A_290 = tpu.memref_squeeze %dma_start3A_289 : memref<1x1x32x304xf32, #tpu.memory_space<hbm>> -> memref<32x304xf32, #tpu.memory_space<hbm>>
        %dma_start3A_291 = arith.constant 0 : i32
        %dma_start3A_292 = tpu.memref_slice %arg2[%shift_right_arithmetic3A_265, %sub3A_268, %multiple_of3A_287, %dma_start3A_291] : memref<8x12x448x304xf32, #tpu.memory_space<hbm>> -> memref<1x1x32x304xf32, #tpu.memory_space<hbm>>
        %dma_start3A_293 = tpu.memref_squeeze %dma_start3A_292 : memref<1x1x32x304xf32, #tpu.memory_space<hbm>> -> memref<32x304xf32, #tpu.memory_space<hbm>>
        tpu.enqueue_dma source(%dma_start3A_293 : memref<32x304xf32, #tpu.memory_space<hbm>>) target(%arg6 : memref<32x304xf32, #tpu.memory_space<vmem>>) target_semaphore(%arg13 : memref<!tpu.dma_semaphore, #tpu.memory_space<semaphore_mem>>)
        %dma_start3A_294 = arith.constant 0 : i32
        %dma_start3A_295 = tpu.memref_slice %arg3[%shift_right_arithmetic3A_265, %sub3A_268, %multiple_of3A_287, %dma_start3A_294] : memref<8x12x448x304xf32, #tpu.memory_space<hbm>> -> memref<1x1x32x304xf32, #tpu.memory_space<hbm>>
        %dma_start3A_296 = tpu.memref_squeeze %dma_start3A_295 : memref<1x1x32x304xf32, #tpu.memory_space<hbm>> -> memref<32x304xf32, #tpu.memory_space<hbm>>
        %dma_start3A_297 = arith.constant 0 : i32
        %dma_start3A_298 = tpu.memref_slice %arg3[%shift_right_arithmetic3A_265, %sub3A_268, %multiple_of3A_287, %dma_start3A_297] : memref<8x12x448x304xf32, #tpu.memory_space<hbm>> -> memref<1x1x32x304xf32, #tpu.memory_space<hbm>>
        %dma_start3A_299 = tpu.memref_squeeze %dma_start3A_298 : memref<1x1x32x304xf32, #tpu.memory_space<hbm>> -> memref<32x304xf32, #tpu.memory_space<hbm>>
        tpu.enqueue_dma source(%dma_start3A_299 : memref<32x304xf32, #tpu.memory_space<hbm>>) target(%arg8 : memref<32x304xf32, #tpu.memory_space<vmem>>) target_semaphore(%arg13 : memref<!tpu.dma_semaphore, #tpu.memory_space<semaphore_mem>>)
        %dma_start3A_300 = arith.constant 0 : i32
        %dma_start3A_301 = tpu.memref_slice %arg4[%shift_right_arithmetic3A_265, %sub3A_268, %multiple_of3A_287, %dma_start3A_300] : memref<8x12x448x304xf32, #tpu.memory_space<hbm>> -> memref<1x1x32x304xf32, #tpu.memory_space<hbm>>
        %dma_start3A_302 = tpu.memref_squeeze %dma_start3A_301 : memref<1x1x32x304xf32, #tpu.memory_space<hbm>> -> memref<32x304xf32, #tpu.memory_space<hbm>>
        %dma_start3A_303 = arith.constant 0 : i32
        %dma_start3A_304 = tpu.memref_slice %arg4[%shift_right_arithmetic3A_265, %sub3A_268, %multiple_of3A_287, %dma_start3A_303] : memref<8x12x448x304xf32, #tpu.memory_space<hbm>> -> memref<1x1x32x304xf32, #tpu.memory_space<hbm>>
        %dma_start3A_305 = tpu.memref_squeeze %dma_start3A_304 : memref<1x1x32x304xf32, #tpu.memory_space<hbm>> -> memref<32x304xf32, #tpu.memory_space<hbm>>
        tpu.enqueue_dma source(%dma_start3A_305 : memref<32x304xf32, #tpu.memory_space<hbm>>) target(%arg10 : memref<32x304xf32, #tpu.memory_space<vmem>>) target_semaphore(%arg13 : memref<!tpu.dma_semaphore, #tpu.memory_space<semaphore_mem>>)
      } else {
      }
      %dma_wait3A_187 = arith.constant 0 : i32
      %dma_wait3A_188 = arith.constant 0 : i32
      %dma_wait3A_189 = arith.constant 0 : i32
      %dma_wait3A_190 = arith.constant 0 : i32
      %dma_wait3A_191 = tpu.memref_slice %arg2[%dma_wait3A_187, %dma_wait3A_188, %dma_wait3A_189, %dma_wait3A_190] : memref<8x12x448x304xf32, #tpu.memory_space<hbm>> -> memref<1x1x32x304xf32, #tpu.memory_space<hbm>>
      %dma_wait3A_192 = tpu.memref_squeeze %dma_wait3A_191 : memref<1x1x32x304xf32, #tpu.memory_space<hbm>> -> memref<32x304xf32, #tpu.memory_space<hbm>>
      %dma_wait3A_193 = arith.constant 0 : i32
      %dma_wait3A_194 = arith.constant 0 : i32
      %dma_wait3A_195 = tpu.memref_slice %arg2[%dma_wait3A_187, %dma_wait3A_188, %dma_wait3A_193, %dma_wait3A_194] : memref<8x12x448x304xf32, #tpu.memory_space<hbm>> -> memref<1x1x32x304xf32, #tpu.memory_space<hbm>>
      %dma_wait3A_196 = tpu.memref_squeeze %dma_wait3A_195 : memref<1x1x32x304xf32, #tpu.memory_space<hbm>> -> memref<32x304xf32, #tpu.memory_space<hbm>>
      tpu.wait_dma2 semaphore(%arg14 : memref<!tpu.dma_semaphore, #tpu.memory_space<semaphore_mem>>) src(%dma_wait3A_196 : memref<32x304xf32, #tpu.memory_space<hbm>>) dst(%arg7 : memref<32x304xf32, #tpu.memory_space<vmem>>)
      %dma_wait3A_197 = arith.constant 0 : i32
      %dma_wait3A_198 = arith.constant 0 : i32
      %dma_wait3A_199 = arith.constant 0 : i32
      %dma_wait3A_200 = arith.constant 0 : i32
      %dma_wait3A_201 = tpu.memref_slice %arg3[%dma_wait3A_197, %dma_wait3A_198, %dma_wait3A_199, %dma_wait3A_200] : memref<8x12x448x304xf32, #tpu.memory_space<hbm>> -> memref<1x1x32x304xf32, #tpu.memory_space<hbm>>
      %dma_wait3A_202 = tpu.memref_squeeze %dma_wait3A_201 : memref<1x1x32x304xf32, #tpu.memory_space<hbm>> -> memref<32x304xf32, #tpu.memory_space<hbm>>
      %dma_wait3A_203 = arith.constant 0 : i32
      %dma_wait3A_204 = arith.constant 0 : i32
      %dma_wait3A_205 = tpu.memref_slice %arg3[%dma_wait3A_197, %dma_wait3A_198, %dma_wait3A_203, %dma_wait3A_204] : memref<8x12x448x304xf32, #tpu.memory_space<hbm>> -> memref<1x1x32x304xf32, #tpu.memory_space<hbm>>
      %dma_wait3A_206 = tpu.memref_squeeze %dma_wait3A_205 : memref<1x1x32x304xf32, #tpu.memory_space<hbm>> -> memref<32x304xf32, #tpu.memory_space<hbm>>
      tpu.wait_dma2 semaphore(%arg14 : memref<!tpu.dma_semaphore, #tpu.memory_space<semaphore_mem>>) src(%dma_wait3A_206 : memref<32x304xf32, #tpu.memory_space<hbm>>) dst(%arg9 : memref<32x304xf32, #tpu.memory_space<vmem>>)
      %dma_wait3A_207 = arith.constant 0 : i32
      %dma_wait3A_208 = arith.constant 0 : i32
      %dma_wait3A_209 = arith.constant 0 : i32
      %dma_wait3A_210 = arith.constant 0 : i32
      %dma_wait3A_211 = tpu.memref_slice %arg4[%dma_wait3A_207, %dma_wait3A_208, %dma_wait3A_209, %dma_wait3A_210] : memref<8x12x448x304xf32, #tpu.memory_space<hbm>> -> memref<1x1x32x304xf32, #tpu.memory_space<hbm>>
      %dma_wait3A_212 = tpu.memref_squeeze %dma_wait3A_211 : memref<1x1x32x304xf32, #tpu.memory_space<hbm>> -> memref<32x304xf32, #tpu.memory_space<hbm>>
      %dma_wait3A_213 = arith.constant 0 : i32
      %dma_wait3A_214 = arith.constant 0 : i32
      %dma_wait3A_215 = tpu.memref_slice %arg4[%dma_wait3A_207, %dma_wait3A_208, %dma_wait3A_213, %dma_wait3A_214] : memref<8x12x448x304xf32, #tpu.memory_space<hbm>> -> memref<1x1x32x304xf32, #tpu.memory_space<hbm>>
      %dma_wait3A_216 = tpu.memref_squeeze %dma_wait3A_215 : memref<1x1x32x304xf32, #tpu.memory_space<hbm>> -> memref<32x304xf32, #tpu.memory_space<hbm>>
      tpu.wait_dma2 semaphore(%arg14 : memref<!tpu.dma_semaphore, #tpu.memory_space<semaphore_mem>>) src(%dma_wait3A_216 : memref<32x304xf32, #tpu.memory_space<hbm>>) dst(%arg11 : memref<32x304xf32, #tpu.memory_space<vmem>>)
      %scan3A_217 = arith.constant 0 : i32
      %scan3A_218 = arith.constant 32 : i32
      %scan3A_219 = arith.addi %scan3A_217, %scan3A_218 : i32
      %scan3A_220 = arith.constant 1 : i32
      %scan3A_221:8 = scf.for %scan3A_231 = %scan3A_217 to %scan3A_219 step %scan3A_220 iter_args(%scan3A_232 = %broadcast_in_dim3A_1, %scan3A_233 = %broadcast_in_dim3A_1, %scan3A_234 = %broadcast_in_dim3A_1, %scan3A_235 = %broadcast_in_dim3A_1, %scan3A_236 = %broadcast_in_dim3A_1, %scan3A_237 = %broadcast_in_dim3A_1, %scan3A_238 = %broadcast_in_dim3A_1, %scan3A_239 = %broadcast_in_dim3A_1) -> (vector<16xf32>, vector<16xf32>, vector<16xf32>, vector<16xf32>, vector<16xf32>, vector<16xf32>, vector<16xf32>, vector<16xf32>)  : i32 {
        %get3A = arith.index_cast %scan3A_231 : i32 to index
        %get3A_240 = arith.constant 0 : index
        %get3A_241 = tpu.vector_load %arg7[%get3A, %get3A_240] {strides = array<i32>} : memref<32x304xf32, #tpu.memory_space<vmem>>, vector<1x16xf32>,
        %get3A_242 = vector.shape_cast %get3A_241 : vector<1x16xf32> to vector<16xf32>
        %get3A_243 = arith.index_cast %scan3A_231 : i32 to index
        %get3A_244 = arith.constant 0 : index
        %get3A_245 = tpu.vector_load %arg9[%get3A_243, %get3A_244] {strides = array<i32>} : memref<32x304xf32, #tpu.memory_space<vmem>>, vector<1x16xf32>,
        %get3A_246 = vector.shape_cast %get3A_245 : vector<1x16xf32> to vector<16xf32>
        %get3A_247 = arith.index_cast %scan3A_231 : i32 to index
        %get3A_248 = arith.constant 0 : index
        %get3A_249 = tpu.vector_load %arg11[%get3A_247, %get3A_248] {strides = array<i32>} : memref<32x304xf32, #tpu.memory_space<vmem>>, vector<1x16xf32>,
        %get3A_250 = vector.shape_cast %get3A_249 : vector<1x16xf32> to vector<16xf32>
        %sub3A_251 = arith.subf %get3A_242, %get3A_246 : vector<16xf32>
        %mul3A_252 = arith.mulf %sub3A_251, %get3A_250 : vector<16xf32>
        %ge3A = vector.broadcast %scan3A : f32 to vector<16xf32>
        %ge3A_253 = arith.cmpf oge, %get3A_242, %ge3A : vector<16xf32>
        %ge3A_254 = vector.broadcast %scan3A : f32 to vector<16xf32>
        %ge3A_255 = arith.cmpf oge, %get3A_246, %ge3A_254 : vector<16xf32>
        %ne3A_256 = arith.xori %ge3A_253, %ge3A_255 : vector<16xi1>
        %abs3A = math.absf %mul3A_252 : vector<16xf32>
        %add3A_257 = arith.addf %scan3A_232, %abs3A : vector<16xf32>
        %mul3A_258 = arith.mulf %mul3A_252, %mul3A_252 : vector<16xf32>
        %add3A_259 = arith.addf %scan3A_233, %mul3A_258 : vector<16xf32>
        %add3A_260 = arith.addf %scan3A_234, %get3A_250 : vector<16xf32>
        %jit3A_261 = arith.constant 0.000000e+00 : f32
        %broadcast_in_dim3A_262 = vector.broadcast %jit3A_261 : f32 to vector<16xf32>
        %select_n3A_263 = arith.select %ne3A_256, %get3A_250, %broadcast_in_dim3A_262 : vector<16xi1>, vector<16xf32>
        %add3A_264 = arith.addf %scan3A_235, %select_n3A_263 : vector<16xf32>
        %get3A_265 = arith.index_cast %scan3A_231 : i32 to index
        %get3A_266 = arith.constant 16 : index
        %get3A_267 = tpu.vector_load %arg7[%get3A_265, %get3A_266] {strides = array<i32>} : memref<32x304xf32, #tpu.memory_space<vmem>>, vector<1x16xf32>,
        %get3A_268 = vector.shape_cast %get3A_267 : vector<1x16xf32> to vector<16xf32>
        %get3A_269 = arith.index_cast %scan3A_231 : i32 to index
        %get3A_270 = arith.constant 16 : index
        %get3A_271 = tpu.vector_load %arg9[%get3A_269, %get3A_270] {strides = array<i32>} : memref<32x304xf32, #tpu.memory_space<vmem>>, vector<1x16xf32>,
        %get3A_272 = vector.shape_cast %get3A_271 : vector<1x16xf32> to vector<16xf32>
        %get3A_273 = arith.index_cast %scan3A_231 : i32 to index
        %get3A_274 = arith.constant 16 : index
        %get3A_275 = tpu.vector_load %arg11[%get3A_273, %get3A_274] {strides = array<i32>} : memref<32x304xf32, #tpu.memory_space<vmem>>, vector<1x16xf32>,
        %get3A_276 = vector.shape_cast %get3A_275 : vector<1x16xf32> to vector<16xf32>
        %sub3A_277 = arith.subf %get3A_268, %get3A_272 : vector<16xf32>
        %mul3A_278 = arith.mulf %sub3A_277, %get3A_276 : vector<16xf32>
        %ge3A_279 = vector.broadcast %scan3A : f32 to vector<16xf32>
        %ge3A_280 = arith.cmpf oge, %get3A_268, %ge3A_279 : vector<16xf32>
        %ge3A_281 = vector.broadcast %scan3A : f32 to vector<16xf32>
        %ge3A_282 = arith.cmpf oge, %get3A_272, %ge3A_281 : vector<16xf32>
        %ne3A_283 = arith.xori %ge3A_280, %ge3A_282 : vector<16xi1>
        %abs3A_284 = math.absf %mul3A_278 : vector<16xf32>
        %add3A_285 = arith.addf %scan3A_236, %abs3A_284 : vector<16xf32>
        %mul3A_286 = arith.mulf %mul3A_278, %mul3A_278 : vector<16xf32>
        %add3A_287 = arith.addf %scan3A_237, %mul3A_286 : vector<16xf32>
        %add3A_288 = arith.addf %scan3A_238, %get3A_276 : vector<16xf32>
        %jit3A_289 = arith.constant 0.000000e+00 : f32
        %broadcast_in_dim3A_290 = vector.broadcast %jit3A_289 : f32 to vector<16xf32>
        %select_n3A_291 = arith.select %ne3A_283, %get3A_276, %broadcast_in_dim3A_290 : vector<16xi1>, vector<16xf32>
        %add3A_292 = arith.addf %scan3A_239, %select_n3A_291 : vector<16xf32>
        %get3A_293 = arith.index_cast %scan3A_231 : i32 to index
        %get3A_294 = arith.constant 32 : index
        %get3A_295 = tpu.vector_load %arg7[%get3A_293, %get3A_294] {strides = array<i32>} : memref<32x304xf32, #tpu.memory_space<vmem>>, vector<1x16xf32>,
        %get3A_296 = vector.shape_cast %get3A_295 : vector<1x16xf32> to vector<16xf32>
        %get3A_297 = arith.index_cast %scan3A_231 : i32 to index
        %get3A_298 = arith.constant 32 : index
        %get3A_299 = tpu.vector_load %arg9[%get3A_297, %get3A_298] {strides = array<i32>} : memref<32x304xf32, #tpu.memory_space<vmem>>, vector<1x16xf32>,
        %get3A_300 = vector.shape_cast %get3A_299 : vector<1x16xf32> to vector<16xf32>
        %get3A_301 = arith.index_cast %scan3A_231 : i32 to index
        %get3A_302 = arith.constant 32 : index
        %get3A_303 = tpu.vector_load %arg11[%get3A_301, %get3A_302] {strides = array<i32>} : memref<32x304xf32, #tpu.memory_space<vmem>>, vector<1x16xf32>,
        %get3A_304 = vector.shape_cast %get3A_303 : vector<1x16xf32> to vector<16xf32>
        %sub3A_305 = arith.subf %get3A_296, %get3A_300 : vector<16xf32>
        %mul3A_306 = arith.mulf %sub3A_305, %get3A_304 : vector<16xf32>
        %ge3A_307 = vector.broadcast %scan3A : f32 to vector<16xf32>
        %ge3A_308 = arith.cmpf oge, %get3A_296, %ge3A_307 : vector<16xf32>
        %ge3A_309 = vector.broadcast %scan3A : f32 to vector<16xf32>
        %ge3A_310 = arith.cmpf oge, %get3A_300, %ge3A_309 : vector<16xf32>
        %ne3A_311 = arith.xori %ge3A_308, %ge3A_310 : vector<16xi1>
        %abs3A_312 = math.absf %mul3A_306 : vector<16xf32>
        %add3A_313 = arith.addf %add3A_257, %abs3A_312 : vector<16xf32>
        %mul3A_314 = arith.mulf %mul3A_306, %mul3A_306 : vector<16xf32>
        %add3A_315 = arith.addf %add3A_259, %mul3A_314 : vector<16xf32>
        %add3A_316 = arith.addf %add3A_260, %get3A_304 : vector<16xf32>
        %jit3A_317 = arith.constant 0.000000e+00 : f32
        %broadcast_in_dim3A_318 = vector.broadcast %jit3A_317 : f32 to vector<16xf32>
        %select_n3A_319 = arith.select %ne3A_311, %get3A_304, %broadcast_in_dim3A_318 : vector<16xi1>, vector<16xf32>
        %add3A_320 = arith.addf %add3A_264, %select_n3A_319 : vector<16xf32>
        %get3A_321 = arith.index_cast %scan3A_231 : i32 to index
        %get3A_322 = arith.constant 48 : index
        %get3A_323 = tpu.vector_load %arg7[%get3A_321, %get3A_322] {strides = array<i32>} : memref<32x304xf32, #tpu.memory_space<vmem>>, vector<1x16xf32>,
        %get3A_324 = vector.shape_cast %get3A_323 : vector<1x16xf32> to vector<16xf32>
        %get3A_325 = arith.index_cast %scan3A_231 : i32 to index
        %get3A_326 = arith.constant 48 : index
        %get3A_327 = tpu.vector_load %arg9[%get3A_325, %get3A_326] {strides = array<i32>} : memref<32x304xf32, #tpu.memory_space<vmem>>, vector<1x16xf32>,
        %get3A_328 = vector.shape_cast %get3A_327 : vector<1x16xf32> to vector<16xf32>
        %get3A_329 = arith.index_cast %scan3A_231 : i32 to index
        %get3A_330 = arith.constant 48 : index
        %get3A_331 = tpu.vector_load %arg11[%get3A_329, %get3A_330] {strides = array<i32>} : memref<32x304xf32, #tpu.memory_space<vmem>>, vector<1x16xf32>,
        %get3A_332 = vector.shape_cast %get3A_331 : vector<1x16xf32> to vector<16xf32>
        %sub3A_333 = arith.subf %get3A_324, %get3A_328 : vector<16xf32>
        %mul3A_334 = arith.mulf %sub3A_333, %get3A_332 : vector<16xf32>
        %ge3A_335 = vector.broadcast %scan3A : f32 to vector<16xf32>
        %ge3A_336 = arith.cmpf oge, %get3A_324, %ge3A_335 : vector<16xf32>
        %ge3A_337 = vector.broadcast %scan3A : f32 to vector<16xf32>
        %ge3A_338 = arith.cmpf oge, %get3A_328, %ge3A_337 : vector<16xf32>
        %ne3A_339 = arith.xori %ge3A_336, %ge3A_338 : vector<16xi1>
        %abs3A_340 = math.absf %mul3A_334 : vector<16xf32>
        %add3A_341 = arith.addf %add3A_285, %abs3A_340 : vector<16xf32>
        %mul3A_342 = arith.mulf %mul3A_334, %mul3A_334 : vector<16xf32>
        %add3A_343 = arith.addf %add3A_287, %mul3A_342 : vector<16xf32>
        %add3A_344 = arith.addf %add3A_288, %get3A_332 : vector<16xf32>
        %jit3A_345 = arith.constant 0.000000e+00 : f32
        %broadcast_in_dim3A_346 = vector.broadcast %jit3A_345 : f32 to vector<16xf32>
        %select_n3A_347 = arith.select %ne3A_339, %get3A_332, %broadcast_in_dim3A_346 : vector<16xi1>, vector<16xf32>
        %add3A_348 = arith.addf %add3A_292, %select_n3A_347 : vector<16xf32>
        %get3A_349 = arith.index_cast %scan3A_231 : i32 to index
        %get3A_350 = arith.constant 64 : index
        %get3A_351 = tpu.vector_load %arg7[%get3A_349, %get3A_350] {strides = array<i32>} : memref<32x304xf32, #tpu.memory_space<vmem>>, vector<1x16xf32>,
        %get3A_352 = vector.shape_cast %get3A_351 : vector<1x16xf32> to vector<16xf32>
        %get3A_353 = arith.index_cast %scan3A_231 : i32 to index
        %get3A_354 = arith.constant 64 : index
        %get3A_355 = tpu.vector_load %arg9[%get3A_353, %get3A_354] {strides = array<i32>} : memref<32x304xf32, #tpu.memory_space<vmem>>, vector<1x16xf32>,
        %get3A_356 = vector.shape_cast %get3A_355 : vector<1x16xf32> to vector<16xf32>
        %get3A_357 = arith.index_cast %scan3A_231 : i32 to index
        %get3A_358 = arith.constant 64 : index
        %get3A_359 = tpu.vector_load %arg11[%get3A_357, %get3A_358] {strides = array<i32>} : memref<32x304xf32, #tpu.memory_space<vmem>>, vector<1x16xf32>,
        %get3A_360 = vector.shape_cast %get3A_359 : vector<1x16xf32> to vector<16xf32>
        %sub3A_361 = arith.subf %get3A_352, %get3A_356 : vector<16xf32>
        %mul3A_362 = arith.mulf %sub3A_361, %get3A_360 : vector<16xf32>
        %ge3A_363 = vector.broadcast %scan3A : f32 to vector<16xf32>
        %ge3A_364 = arith.cmpf oge, %get3A_352, %ge3A_363 : vector<16xf32>
        %ge3A_365 = vector.broadcast %scan3A : f32 to vector<16xf32>
        %ge3A_366 = arith.cmpf oge, %get3A_356, %ge3A_365 : vector<16xf32>
        %ne3A_367 = arith.xori %ge3A_364, %ge3A_366 : vector<16xi1>
        %abs3A_368 = math.absf %mul3A_362 : vector<16xf32>
        %add3A_369 = arith.addf %add3A_313, %abs3A_368 : vector<16xf32>
        %mul3A_370 = arith.mulf %mul3A_362, %mul3A_362 : vector<16xf32>
        %add3A_371 = arith.addf %add3A_315, %mul3A_370 : vector<16xf32>
        %add3A_372 = arith.addf %add3A_316, %get3A_360 : vector<16xf32>
        %jit3A_373 = arith.constant 0.000000e+00 : f32
        %broadcast_in_dim3A_374 = vector.broadcast %jit3A_373 : f32 to vector<16xf32>
        %select_n3A_375 = arith.select %ne3A_367, %get3A_360, %broadcast_in_dim3A_374 : vector<16xi1>, vector<16xf32>
        %add3A_376 = arith.addf %add3A_320, %select_n3A_375 : vector<16xf32>
        %get3A_377 = arith.index_cast %scan3A_231 : i32 to index
        %get3A_378 = arith.constant 80 : index
        %get3A_379 = tpu.vector_load %arg7[%get3A_377, %get3A_378] {strides = array<i32>} : memref<32x304xf32, #tpu.memory_space<vmem>>, vector<1x16xf32>,
        %get3A_380 = vector.shape_cast %get3A_379 : vector<1x16xf32> to vector<16xf32>
        %get3A_381 = arith.index_cast %scan3A_231 : i32 to index
        %get3A_382 = arith.constant 80 : index
        %get3A_383 = tpu.vector_load %arg9[%get3A_381, %get3A_382] {strides = array<i32>} : memref<32x304xf32, #tpu.memory_space<vmem>>, vector<1x16xf32>,
        %get3A_384 = vector.shape_cast %get3A_383 : vector<1x16xf32> to vector<16xf32>
        %get3A_385 = arith.index_cast %scan3A_231 : i32 to index
        %get3A_386 = arith.constant 80 : index
        %get3A_387 = tpu.vector_load %arg11[%get3A_385, %get3A_386] {strides = array<i32>} : memref<32x304xf32, #tpu.memory_space<vmem>>, vector<1x16xf32>,
        %get3A_388 = vector.shape_cast %get3A_387 : vector<1x16xf32> to vector<16xf32>
        %sub3A_389 = arith.subf %get3A_380, %get3A_384 : vector<16xf32>
        %mul3A_390 = arith.mulf %sub3A_389, %get3A_388 : vector<16xf32>
        %ge3A_391 = vector.broadcast %scan3A : f32 to vector<16xf32>
        %ge3A_392 = arith.cmpf oge, %get3A_380, %ge3A_391 : vector<16xf32>
        %ge3A_393 = vector.broadcast %scan3A : f32 to vector<16xf32>
        %ge3A_394 = arith.cmpf oge, %get3A_384, %ge3A_393 : vector<16xf32>
        %ne3A_395 = arith.xori %ge3A_392, %ge3A_394 : vector<16xi1>
        %abs3A_396 = math.absf %mul3A_390 : vector<16xf32>
        %add3A_397 = arith.addf %add3A_341, %abs3A_396 : vector<16xf32>
        %mul3A_398 = arith.mulf %mul3A_390, %mul3A_390 : vector<16xf32>
        %add3A_399 = arith.addf %add3A_343, %mul3A_398 : vector<16xf32>
        %add3A_400 = arith.addf %add3A_344, %get3A_388 : vector<16xf32>
        %jit3A_401 = arith.constant 0.000000e+00 : f32
        %broadcast_in_dim3A_402 = vector.broadcast %jit3A_401 : f32 to vector<16xf32>
        %select_n3A_403 = arith.select %ne3A_395, %get3A_388, %broadcast_in_dim3A_402 : vector<16xi1>, vector<16xf32>
        %add3A_404 = arith.addf %add3A_348, %select_n3A_403 : vector<16xf32>
        %get3A_405 = arith.index_cast %scan3A_231 : i32 to index
        %get3A_406 = arith.constant 96 : index
        %get3A_407 = tpu.vector_load %arg7[%get3A_405, %get3A_406] {strides = array<i32>} : memref<32x304xf32, #tpu.memory_space<vmem>>, vector<1x16xf32>,
        %get3A_408 = vector.shape_cast %get3A_407 : vector<1x16xf32> to vector<16xf32>
        %get3A_409 = arith.index_cast %scan3A_231 : i32 to index
        %get3A_410 = arith.constant 96 : index
        %get3A_411 = tpu.vector_load %arg9[%get3A_409, %get3A_410] {strides = array<i32>} : memref<32x304xf32, #tpu.memory_space<vmem>>, vector<1x16xf32>,
        %get3A_412 = vector.shape_cast %get3A_411 : vector<1x16xf32> to vector<16xf32>
        %get3A_413 = arith.index_cast %scan3A_231 : i32 to index
        %get3A_414 = arith.constant 96 : index
        %get3A_415 = tpu.vector_load %arg11[%get3A_413, %get3A_414] {strides = array<i32>} : memref<32x304xf32, #tpu.memory_space<vmem>>, vector<1x16xf32>,
        %get3A_416 = vector.shape_cast %get3A_415 : vector<1x16xf32> to vector<16xf32>
        %sub3A_417 = arith.subf %get3A_408, %get3A_412 : vector<16xf32>
        %mul3A_418 = arith.mulf %sub3A_417, %get3A_416 : vector<16xf32>
        %ge3A_419 = vector.broadcast %scan3A : f32 to vector<16xf32>
        %ge3A_420 = arith.cmpf oge, %get3A_408, %ge3A_419 : vector<16xf32>
        %ge3A_421 = vector.broadcast %scan3A : f32 to vector<16xf32>
        %ge3A_422 = arith.cmpf oge, %get3A_412, %ge3A_421 : vector<16xf32>
        %ne3A_423 = arith.xori %ge3A_420, %ge3A_422 : vector<16xi1>
        %abs3A_424 = math.absf %mul3A_418 : vector<16xf32>
        %add3A_425 = arith.addf %add3A_369, %abs3A_424 : vector<16xf32>
        %mul3A_426 = arith.mulf %mul3A_418, %mul3A_418 : vector<16xf32>
        %add3A_427 = arith.addf %add3A_371, %mul3A_426 : vector<16xf32>
        %add3A_428 = arith.addf %add3A_372, %get3A_416 : vector<16xf32>
        %jit3A_429 = arith.constant 0.000000e+00 : f32
        %broadcast_in_dim3A_430 = vector.broadcast %jit3A_429 : f32 to vector<16xf32>
        %select_n3A_431 = arith.select %ne3A_423, %get3A_416, %broadcast_in_dim3A_430 : vector<16xi1>, vector<16xf32>
        %add3A_432 = arith.addf %add3A_376, %select_n3A_431 : vector<16xf32>
        %get3A_433 = arith.index_cast %scan3A_231 : i32 to index
        %get3A_434 = arith.constant 112 : index
        %get3A_435 = tpu.vector_load %arg7[%get3A_433, %get3A_434] {strides = array<i32>} : memref<32x304xf32, #tpu.memory_space<vmem>>, vector<1x16xf32>,
        %get3A_436 = vector.shape_cast %get3A_435 : vector<1x16xf32> to vector<16xf32>
        %get3A_437 = arith.index_cast %scan3A_231 : i32 to index
        %get3A_438 = arith.constant 112 : index
        %get3A_439 = tpu.vector_load %arg9[%get3A_437, %get3A_438] {strides = array<i32>} : memref<32x304xf32, #tpu.memory_space<vmem>>, vector<1x16xf32>,
        %get3A_440 = vector.shape_cast %get3A_439 : vector<1x16xf32> to vector<16xf32>
        %get3A_441 = arith.index_cast %scan3A_231 : i32 to index
        %get3A_442 = arith.constant 112 : index
        %get3A_443 = tpu.vector_load %arg11[%get3A_441, %get3A_442] {strides = array<i32>} : memref<32x304xf32, #tpu.memory_space<vmem>>, vector<1x16xf32>,
        %get3A_444 = vector.shape_cast %get3A_443 : vector<1x16xf32> to vector<16xf32>
        %sub3A_445 = arith.subf %get3A_436, %get3A_440 : vector<16xf32>
        %mul3A_446 = arith.mulf %sub3A_445, %get3A_444 : vector<16xf32>
        %ge3A_447 = vector.broadcast %scan3A : f32 to vector<16xf32>
        %ge3A_448 = arith.cmpf oge, %get3A_436, %ge3A_447 : vector<16xf32>
        %ge3A_449 = vector.broadcast %scan3A : f32 to vector<16xf32>
        %ge3A_450 = arith.cmpf oge, %get3A_440, %ge3A_449 : vector<16xf32>
        %ne3A_451 = arith.xori %ge3A_448, %ge3A_450 : vector<16xi1>
        %abs3A_452 = math.absf %mul3A_446 : vector<16xf32>
        %add3A_453 = arith.addf %add3A_397, %abs3A_452 : vector<16xf32>
        %mul3A_454 = arith.mulf %mul3A_446, %mul3A_446 : vector<16xf32>
        %add3A_455 = arith.addf %add3A_399, %mul3A_454 : vector<16xf32>
        %add3A_456 = arith.addf %add3A_400, %get3A_444 : vector<16xf32>
        %jit3A_457 = arith.constant 0.000000e+00 : f32
        %broadcast_in_dim3A_458 = vector.broadcast %jit3A_457 : f32 to vector<16xf32>
        %select_n3A_459 = arith.select %ne3A_451, %get3A_444, %broadcast_in_dim3A_458 : vector<16xi1>, vector<16xf32>
        %add3A_460 = arith.addf %add3A_404, %select_n3A_459 : vector<16xf32>
        %get3A_461 = arith.index_cast %scan3A_231 : i32 to index
        %get3A_462 = arith.constant 128 : index
        %get3A_463 = tpu.vector_load %arg7[%get3A_461, %get3A_462] {strides = array<i32>} : memref<32x304xf32, #tpu.memory_space<vmem>>, vector<1x16xf32>,
        %get3A_464 = vector.shape_cast %get3A_463 : vector<1x16xf32> to vector<16xf32>
        %get3A_465 = arith.index_cast %scan3A_231 : i32 to index
        %get3A_466 = arith.constant 128 : index
        %get3A_467 = tpu.vector_load %arg9[%get3A_465, %get3A_466] {strides = array<i32>} : memref<32x304xf32, #tpu.memory_space<vmem>>, vector<1x16xf32>,
        %get3A_468 = vector.shape_cast %get3A_467 : vector<1x16xf32> to vector<16xf32>
        %get3A_469 = arith.index_cast %scan3A_231 : i32 to index
        %get3A_470 = arith.constant 128 : index
        %get3A_471 = tpu.vector_load %arg11[%get3A_469, %get3A_470] {strides = array<i32>} : memref<32x304xf32, #tpu.memory_space<vmem>>, vector<1x16xf32>,
        %get3A_472 = vector.shape_cast %get3A_471 : vector<1x16xf32> to vector<16xf32>
        %sub3A_473 = arith.subf %get3A_464, %get3A_468 : vector<16xf32>
        %mul3A_474 = arith.mulf %sub3A_473, %get3A_472 : vector<16xf32>
        %ge3A_475 = vector.broadcast %scan3A : f32 to vector<16xf32>
        %ge3A_476 = arith.cmpf oge, %get3A_464, %ge3A_475 : vector<16xf32>
        %ge3A_477 = vector.broadcast %scan3A : f32 to vector<16xf32>
        %ge3A_478 = arith.cmpf oge, %get3A_468, %ge3A_477 : vector<16xf32>
        %ne3A_479 = arith.xori %ge3A_476, %ge3A_478 : vector<16xi1>
        %abs3A_480 = math.absf %mul3A_474 : vector<16xf32>
        %add3A_481 = arith.addf %add3A_425, %abs3A_480 : vector<16xf32>
        %mul3A_482 = arith.mulf %mul3A_474, %mul3A_474 : vector<16xf32>
        %add3A_483 = arith.addf %add3A_427, %mul3A_482 : vector<16xf32>
        %add3A_484 = arith.addf %add3A_428, %get3A_472 : vector<16xf32>
        %jit3A_485 = arith.constant 0.000000e+00 : f32
        %broadcast_in_dim3A_486 = vector.broadcast %jit3A_485 : f32 to vector<16xf32>
        %select_n3A_487 = arith.select %ne3A_479, %get3A_472, %broadcast_in_dim3A_486 : vector<16xi1>, vector<16xf32>
        %add3A_488 = arith.addf %add3A_432, %select_n3A_487 : vector<16xf32>
        %get3A_489 = arith.index_cast %scan3A_231 : i32 to index
        %get3A_490 = arith.constant 144 : index
        %get3A_491 = tpu.vector_load %arg7[%get3A_489, %get3A_490] {strides = array<i32>} : memref<32x304xf32, #tpu.memory_space<vmem>>, vector<1x16xf32>,
        %get3A_492 = vector.shape_cast %get3A_491 : vector<1x16xf32> to vector<16xf32>
        %get3A_493 = arith.index_cast %scan3A_231 : i32 to index
        %get3A_494 = arith.constant 144 : index
        %get3A_495 = tpu.vector_load %arg9[%get3A_493, %get3A_494] {strides = array<i32>} : memref<32x304xf32, #tpu.memory_space<vmem>>, vector<1x16xf32>,
        %get3A_496 = vector.shape_cast %get3A_495 : vector<1x16xf32> to vector<16xf32>
        %get3A_497 = arith.index_cast %scan3A_231 : i32 to index
        %get3A_498 = arith.constant 144 : index
        %get3A_499 = tpu.vector_load %arg11[%get3A_497, %get3A_498] {strides = array<i32>} : memref<32x304xf32, #tpu.memory_space<vmem>>, vector<1x16xf32>,
        %get3A_500 = vector.shape_cast %get3A_499 : vector<1x16xf32> to vector<16xf32>
        %sub3A_501 = arith.subf %get3A_492, %get3A_496 : vector<16xf32>
        %mul3A_502 = arith.mulf %sub3A_501, %get3A_500 : vector<16xf32>
        %ge3A_503 = vector.broadcast %scan3A : f32 to vector<16xf32>
        %ge3A_504 = arith.cmpf oge, %get3A_492, %ge3A_503 : vector<16xf32>
        %ge3A_505 = vector.broadcast %scan3A : f32 to vector<16xf32>
        %ge3A_506 = arith.cmpf oge, %get3A_496, %ge3A_505 : vector<16xf32>
        %ne3A_507 = arith.xori %ge3A_504, %ge3A_506 : vector<16xi1>
        %abs3A_508 = math.absf %mul3A_502 : vector<16xf32>
        %add3A_509 = arith.addf %add3A_453, %abs3A_508 : vector<16xf32>
        %mul3A_510 = arith.mulf %mul3A_502, %mul3A_502 : vector<16xf32>
        %add3A_511 = arith.addf %add3A_455, %mul3A_510 : vector<16xf32>
        %add3A_512 = arith.addf %add3A_456, %get3A_500 : vector<16xf32>
        %jit3A_513 = arith.constant 0.000000e+00 : f32
        %broadcast_in_dim3A_514 = vector.broadcast %jit3A_513 : f32 to vector<16xf32>
        %select_n3A_515 = arith.select %ne3A_507, %get3A_500, %broadcast_in_dim3A_514 : vector<16xi1>, vector<16xf32>
        %add3A_516 = arith.addf %add3A_460, %select_n3A_515 : vector<16xf32>
        %get3A_517 = arith.index_cast %scan3A_231 : i32 to index
        %get3A_518 = arith.constant 160 : index
        %get3A_519 = tpu.vector_load %arg7[%get3A_517, %get3A_518] {strides = array<i32>} : memref<32x304xf32, #tpu.memory_space<vmem>>, vector<1x16xf32>,
        %get3A_520 = vector.shape_cast %get3A_519 : vector<1x16xf32> to vector<16xf32>
        %get3A_521 = arith.index_cast %scan3A_231 : i32 to index
        %get3A_522 = arith.constant 160 : index
        %get3A_523 = tpu.vector_load %arg9[%get3A_521, %get3A_522] {strides = array<i32>} : memref<32x304xf32, #tpu.memory_space<vmem>>, vector<1x16xf32>,
        %get3A_524 = vector.shape_cast %get3A_523 : vector<1x16xf32> to vector<16xf32>
        %get3A_525 = arith.index_cast %scan3A_231 : i32 to index
        %get3A_526 = arith.constant 160 : index
        %get3A_527 = tpu.vector_load %arg11[%get3A_525, %get3A_526] {strides = array<i32>} : memref<32x304xf32, #tpu.memory_space<vmem>>, vector<1x16xf32>,
        %get3A_528 = vector.shape_cast %get3A_527 : vector<1x16xf32> to vector<16xf32>
        %sub3A_529 = arith.subf %get3A_520, %get3A_524 : vector<16xf32>
        %mul3A_530 = arith.mulf %sub3A_529, %get3A_528 : vector<16xf32>
        %ge3A_531 = vector.broadcast %scan3A : f32 to vector<16xf32>
        %ge3A_532 = arith.cmpf oge, %get3A_520, %ge3A_531 : vector<16xf32>
        %ge3A_533 = vector.broadcast %scan3A : f32 to vector<16xf32>
        %ge3A_534 = arith.cmpf oge, %get3A_524, %ge3A_533 : vector<16xf32>
        %ne3A_535 = arith.xori %ge3A_532, %ge3A_534 : vector<16xi1>
        %abs3A_536 = math.absf %mul3A_530 : vector<16xf32>
        %add3A_537 = arith.addf %add3A_481, %abs3A_536 : vector<16xf32>
        %mul3A_538 = arith.mulf %mul3A_530, %mul3A_530 : vector<16xf32>
        %add3A_539 = arith.addf %add3A_483, %mul3A_538 : vector<16xf32>
        %add3A_540 = arith.addf %add3A_484, %get3A_528 : vector<16xf32>
        %jit3A_541 = arith.constant 0.000000e+00 : f32
        %broadcast_in_dim3A_542 = vector.broadcast %jit3A_541 : f32 to vector<16xf32>
        %select_n3A_543 = arith.select %ne3A_535, %get3A_528, %broadcast_in_dim3A_542 : vector<16xi1>, vector<16xf32>
        %add3A_544 = arith.addf %add3A_488, %select_n3A_543 : vector<16xf32>
        %get3A_545 = arith.index_cast %scan3A_231 : i32 to index
        %get3A_546 = arith.constant 176 : index
        %get3A_547 = tpu.vector_load %arg7[%get3A_545, %get3A_546] {strides = array<i32>} : memref<32x304xf32, #tpu.memory_space<vmem>>, vector<1x16xf32>,
        %get3A_548 = vector.shape_cast %get3A_547 : vector<1x16xf32> to vector<16xf32>
        %get3A_549 = arith.index_cast %scan3A_231 : i32 to index
        %get3A_550 = arith.constant 176 : index
        %get3A_551 = tpu.vector_load %arg9[%get3A_549, %get3A_550] {strides = array<i32>} : memref<32x304xf32, #tpu.memory_space<vmem>>, vector<1x16xf32>,
        %get3A_552 = vector.shape_cast %get3A_551 : vector<1x16xf32> to vector<16xf32>
        %get3A_553 = arith.index_cast %scan3A_231 : i32 to index
        %get3A_554 = arith.constant 176 : index
        %get3A_555 = tpu.vector_load %arg11[%get3A_553, %get3A_554] {strides = array<i32>} : memref<32x304xf32, #tpu.memory_space<vmem>>, vector<1x16xf32>,
        %get3A_556 = vector.shape_cast %get3A_555 : vector<1x16xf32> to vector<16xf32>
        %sub3A_557 = arith.subf %get3A_548, %get3A_552 : vector<16xf32>
        %mul3A_558 = arith.mulf %sub3A_557, %get3A_556 : vector<16xf32>
        %ge3A_559 = vector.broadcast %scan3A : f32 to vector<16xf32>
        %ge3A_560 = arith.cmpf oge, %get3A_548, %ge3A_559 : vector<16xf32>
        %ge3A_561 = vector.broadcast %scan3A : f32 to vector<16xf32>
        %ge3A_562 = arith.cmpf oge, %get3A_552, %ge3A_561 : vector<16xf32>
        %ne3A_563 = arith.xori %ge3A_560, %ge3A_562 : vector<16xi1>
        %abs3A_564 = math.absf %mul3A_558 : vector<16xf32>
        %add3A_565 = arith.addf %add3A_509, %abs3A_564 : vector<16xf32>
        %mul3A_566 = arith.mulf %mul3A_558, %mul3A_558 : vector<16xf32>
        %add3A_567 = arith.addf %add3A_511, %mul3A_566 : vector<16xf32>
        %add3A_568 = arith.addf %add3A_512, %get3A_556 : vector<16xf32>
        %jit3A_569 = arith.constant 0.000000e+00 : f32
        %broadcast_in_dim3A_570 = vector.broadcast %jit3A_569 : f32 to vector<16xf32>
        %select_n3A_571 = arith.select %ne3A_563, %get3A_556, %broadcast_in_dim3A_570 : vector<16xi1>, vector<16xf32>
        %add3A_572 = arith.addf %add3A_516, %select_n3A_571 : vector<16xf32>
        %get3A_573 = arith.index_cast %scan3A_231 : i32 to index
        %get3A_574 = arith.constant 192 : index
        %get3A_575 = tpu.vector_load %arg7[%get3A_573, %get3A_574] {strides = array<i32>} : memref<32x304xf32, #tpu.memory_space<vmem>>, vector<1x16xf32>,
        %get3A_576 = vector.shape_cast %get3A_575 : vector<1x16xf32> to vector<16xf32>
        %get3A_577 = arith.index_cast %scan3A_231 : i32 to index
        %get3A_578 = arith.constant 192 : index
        %get3A_579 = tpu.vector_load %arg9[%get3A_577, %get3A_578] {strides = array<i32>} : memref<32x304xf32, #tpu.memory_space<vmem>>, vector<1x16xf32>,
        %get3A_580 = vector.shape_cast %get3A_579 : vector<1x16xf32> to vector<16xf32>
        %get3A_581 = arith.index_cast %scan3A_231 : i32 to index
        %get3A_582 = arith.constant 192 : index
        %get3A_583 = tpu.vector_load %arg11[%get3A_581, %get3A_582] {strides = array<i32>} : memref<32x304xf32, #tpu.memory_space<vmem>>, vector<1x16xf32>,
        %get3A_584 = vector.shape_cast %get3A_583 : vector<1x16xf32> to vector<16xf32>
        %sub3A_585 = arith.subf %get3A_576, %get3A_580 : vector<16xf32>
        %mul3A_586 = arith.mulf %sub3A_585, %get3A_584 : vector<16xf32>
        %ge3A_587 = vector.broadcast %scan3A : f32 to vector<16xf32>
        %ge3A_588 = arith.cmpf oge, %get3A_576, %ge3A_587 : vector<16xf32>
        %ge3A_589 = vector.broadcast %scan3A : f32 to vector<16xf32>
        %ge3A_590 = arith.cmpf oge, %get3A_580, %ge3A_589 : vector<16xf32>
        %ne3A_591 = arith.xori %ge3A_588, %ge3A_590 : vector<16xi1>
        %abs3A_592 = math.absf %mul3A_586 : vector<16xf32>
        %add3A_593 = arith.addf %add3A_537, %abs3A_592 : vector<16xf32>
        %mul3A_594 = arith.mulf %mul3A_586, %mul3A_586 : vector<16xf32>
        %add3A_595 = arith.addf %add3A_539, %mul3A_594 : vector<16xf32>
        %add3A_596 = arith.addf %add3A_540, %get3A_584 : vector<16xf32>
        %jit3A_597 = arith.constant 0.000000e+00 : f32
        %broadcast_in_dim3A_598 = vector.broadcast %jit3A_597 : f32 to vector<16xf32>
        %select_n3A_599 = arith.select %ne3A_591, %get3A_584, %broadcast_in_dim3A_598 : vector<16xi1>, vector<16xf32>
        %add3A_600 = arith.addf %add3A_544, %select_n3A_599 : vector<16xf32>
        %get3A_601 = arith.index_cast %scan3A_231 : i32 to index
        %get3A_602 = arith.constant 208 : index
        %get3A_603 = tpu.vector_load %arg7[%get3A_601, %get3A_602] {strides = array<i32>} : memref<32x304xf32, #tpu.memory_space<vmem>>, vector<1x16xf32>,
        %get3A_604 = vector.shape_cast %get3A_603 : vector<1x16xf32> to vector<16xf32>
        %get3A_605 = arith.index_cast %scan3A_231 : i32 to index
        %get3A_606 = arith.constant 208 : index
        %get3A_607 = tpu.vector_load %arg9[%get3A_605, %get3A_606] {strides = array<i32>} : memref<32x304xf32, #tpu.memory_space<vmem>>, vector<1x16xf32>,
        %get3A_608 = vector.shape_cast %get3A_607 : vector<1x16xf32> to vector<16xf32>
        %get3A_609 = arith.index_cast %scan3A_231 : i32 to index
        %get3A_610 = arith.constant 208 : index
        %get3A_611 = tpu.vector_load %arg11[%get3A_609, %get3A_610] {strides = array<i32>} : memref<32x304xf32, #tpu.memory_space<vmem>>, vector<1x16xf32>,
        %get3A_612 = vector.shape_cast %get3A_611 : vector<1x16xf32> to vector<16xf32>
        %sub3A_613 = arith.subf %get3A_604, %get3A_608 : vector<16xf32>
        %mul3A_614 = arith.mulf %sub3A_613, %get3A_612 : vector<16xf32>
        %ge3A_615 = vector.broadcast %scan3A : f32 to vector<16xf32>
        %ge3A_616 = arith.cmpf oge, %get3A_604, %ge3A_615 : vector<16xf32>
        %ge3A_617 = vector.broadcast %scan3A : f32 to vector<16xf32>
        %ge3A_618 = arith.cmpf oge, %get3A_608, %ge3A_617 : vector<16xf32>
        %ne3A_619 = arith.xori %ge3A_616, %ge3A_618 : vector<16xi1>
        %abs3A_620 = math.absf %mul3A_614 : vector<16xf32>
        %add3A_621 = arith.addf %add3A_565, %abs3A_620 : vector<16xf32>
        %mul3A_622 = arith.mulf %mul3A_614, %mul3A_614 : vector<16xf32>
        %add3A_623 = arith.addf %add3A_567, %mul3A_622 : vector<16xf32>
        %add3A_624 = arith.addf %add3A_568, %get3A_612 : vector<16xf32>
        %jit3A_625 = arith.constant 0.000000e+00 : f32
        %broadcast_in_dim3A_626 = vector.broadcast %jit3A_625 : f32 to vector<16xf32>
        %select_n3A_627 = arith.select %ne3A_619, %get3A_612, %broadcast_in_dim3A_626 : vector<16xi1>, vector<16xf32>
        %add3A_628 = arith.addf %add3A_572, %select_n3A_627 : vector<16xf32>
        %get3A_629 = arith.index_cast %scan3A_231 : i32 to index
        %get3A_630 = arith.constant 224 : index
        %get3A_631 = tpu.vector_load %arg7[%get3A_629, %get3A_630] {strides = array<i32>} : memref<32x304xf32, #tpu.memory_space<vmem>>, vector<1x16xf32>,
        %get3A_632 = vector.shape_cast %get3A_631 : vector<1x16xf32> to vector<16xf32>
        %get3A_633 = arith.index_cast %scan3A_231 : i32 to index
        %get3A_634 = arith.constant 224 : index
        %get3A_635 = tpu.vector_load %arg9[%get3A_633, %get3A_634] {strides = array<i32>} : memref<32x304xf32, #tpu.memory_space<vmem>>, vector<1x16xf32>,
        %get3A_636 = vector.shape_cast %get3A_635 : vector<1x16xf32> to vector<16xf32>
        %get3A_637 = arith.index_cast %scan3A_231 : i32 to index
        %get3A_638 = arith.constant 224 : index
        %get3A_639 = tpu.vector_load %arg11[%get3A_637, %get3A_638] {strides = array<i32>} : memref<32x304xf32, #tpu.memory_space<vmem>>, vector<1x16xf32>,
        %get3A_640 = vector.shape_cast %get3A_639 : vector<1x16xf32> to vector<16xf32>
        %sub3A_641 = arith.subf %get3A_632, %get3A_636 : vector<16xf32>
        %mul3A_642 = arith.mulf %sub3A_641, %get3A_640 : vector<16xf32>
        %ge3A_643 = vector.broadcast %scan3A : f32 to vector<16xf32>
        %ge3A_644 = arith.cmpf oge, %get3A_632, %ge3A_643 : vector<16xf32>
        %ge3A_645 = vector.broadcast %scan3A : f32 to vector<16xf32>
        %ge3A_646 = arith.cmpf oge, %get3A_636, %ge3A_645 : vector<16xf32>
        %ne3A_647 = arith.xori %ge3A_644, %ge3A_646 : vector<16xi1>
        %abs3A_648 = math.absf %mul3A_642 : vector<16xf32>
        %add3A_649 = arith.addf %add3A_593, %abs3A_648 : vector<16xf32>
        %mul3A_650 = arith.mulf %mul3A_642, %mul3A_642 : vector<16xf32>
        %add3A_651 = arith.addf %add3A_595, %mul3A_650 : vector<16xf32>
        %add3A_652 = arith.addf %add3A_596, %get3A_640 : vector<16xf32>
        %jit3A_653 = arith.constant 0.000000e+00 : f32
        %broadcast_in_dim3A_654 = vector.broadcast %jit3A_653 : f32 to vector<16xf32>
        %select_n3A_655 = arith.select %ne3A_647, %get3A_640, %broadcast_in_dim3A_654 : vector<16xi1>, vector<16xf32>
        %add3A_656 = arith.addf %add3A_600, %select_n3A_655 : vector<16xf32>
        %get3A_657 = arith.index_cast %scan3A_231 : i32 to index
        %get3A_658 = arith.constant 240 : index
        %get3A_659 = tpu.vector_load %arg7[%get3A_657, %get3A_658] {strides = array<i32>} : memref<32x304xf32, #tpu.memory_space<vmem>>, vector<1x16xf32>,
        %get3A_660 = vector.shape_cast %get3A_659 : vector<1x16xf32> to vector<16xf32>
        %get3A_661 = arith.index_cast %scan3A_231 : i32 to index
        %get3A_662 = arith.constant 240 : index
        %get3A_663 = tpu.vector_load %arg9[%get3A_661, %get3A_662] {strides = array<i32>} : memref<32x304xf32, #tpu.memory_space<vmem>>, vector<1x16xf32>,
        %get3A_664 = vector.shape_cast %get3A_663 : vector<1x16xf32> to vector<16xf32>
        %get3A_665 = arith.index_cast %scan3A_231 : i32 to index
        %get3A_666 = arith.constant 240 : index
        %get3A_667 = tpu.vector_load %arg11[%get3A_665, %get3A_666] {strides = array<i32>} : memref<32x304xf32, #tpu.memory_space<vmem>>, vector<1x16xf32>,
        %get3A_668 = vector.shape_cast %get3A_667 : vector<1x16xf32> to vector<16xf32>
        %sub3A_669 = arith.subf %get3A_660, %get3A_664 : vector<16xf32>
        %mul3A_670 = arith.mulf %sub3A_669, %get3A_668 : vector<16xf32>
        %ge3A_671 = vector.broadcast %scan3A : f32 to vector<16xf32>
        %ge3A_672 = arith.cmpf oge, %get3A_660, %ge3A_671 : vector<16xf32>
        %ge3A_673 = vector.broadcast %scan3A : f32 to vector<16xf32>
        %ge3A_674 = arith.cmpf oge, %get3A_664, %ge3A_673 : vector<16xf32>
        %ne3A_675 = arith.xori %ge3A_672, %ge3A_674 : vector<16xi1>
        %abs3A_676 = math.absf %mul3A_670 : vector<16xf32>
        %add3A_677 = arith.addf %add3A_621, %abs3A_676 : vector<16xf32>
        %mul3A_678 = arith.mulf %mul3A_670, %mul3A_670 : vector<16xf32>
        %add3A_679 = arith.addf %add3A_623, %mul3A_678 : vector<16xf32>
        %add3A_680 = arith.addf %add3A_624, %get3A_668 : vector<16xf32>
        %jit3A_681 = arith.constant 0.000000e+00 : f32
        %broadcast_in_dim3A_682 = vector.broadcast %jit3A_681 : f32 to vector<16xf32>
        %select_n3A_683 = arith.select %ne3A_675, %get3A_668, %broadcast_in_dim3A_682 : vector<16xi1>, vector<16xf32>
        %add3A_684 = arith.addf %add3A_628, %select_n3A_683 : vector<16xf32>
        %get3A_685 = arith.index_cast %scan3A_231 : i32 to index
        %get3A_686 = arith.constant 256 : index
        %get3A_687 = tpu.vector_load %arg7[%get3A_685, %get3A_686] {strides = array<i32>} : memref<32x304xf32, #tpu.memory_space<vmem>>, vector<1x16xf32>,
        %get3A_688 = vector.shape_cast %get3A_687 : vector<1x16xf32> to vector<16xf32>
        %get3A_689 = arith.index_cast %scan3A_231 : i32 to index
        %get3A_690 = arith.constant 256 : index
        %get3A_691 = tpu.vector_load %arg9[%get3A_689, %get3A_690] {strides = array<i32>} : memref<32x304xf32, #tpu.memory_space<vmem>>, vector<1x16xf32>,
        %get3A_692 = vector.shape_cast %get3A_691 : vector<1x16xf32> to vector<16xf32>
        %get3A_693 = arith.index_cast %scan3A_231 : i32 to index
        %get3A_694 = arith.constant 256 : index
        %get3A_695 = tpu.vector_load %arg11[%get3A_693, %get3A_694] {strides = array<i32>} : memref<32x304xf32, #tpu.memory_space<vmem>>, vector<1x16xf32>,
        %get3A_696 = vector.shape_cast %get3A_695 : vector<1x16xf32> to vector<16xf32>
        %sub3A_697 = arith.subf %get3A_688, %get3A_692 : vector<16xf32>
        %mul3A_698 = arith.mulf %sub3A_697, %get3A_696 : vector<16xf32>
        %ge3A_699 = vector.broadcast %scan3A : f32 to vector<16xf32>
        %ge3A_700 = arith.cmpf oge, %get3A_688, %ge3A_699 : vector<16xf32>
        %ge3A_701 = vector.broadcast %scan3A : f32 to vector<16xf32>
        %ge3A_702 = arith.cmpf oge, %get3A_692, %ge3A_701 : vector<16xf32>
        %ne3A_703 = arith.xori %ge3A_700, %ge3A_702 : vector<16xi1>
        %abs3A_704 = math.absf %mul3A_698 : vector<16xf32>
        %add3A_705 = arith.addf %add3A_649, %abs3A_704 : vector<16xf32>
        %mul3A_706 = arith.mulf %mul3A_698, %mul3A_698 : vector<16xf32>
        %add3A_707 = arith.addf %add3A_651, %mul3A_706 : vector<16xf32>
        %add3A_708 = arith.addf %add3A_652, %get3A_696 : vector<16xf32>
        %jit3A_709 = arith.constant 0.000000e+00 : f32
        %broadcast_in_dim3A_710 = vector.broadcast %jit3A_709 : f32 to vector<16xf32>
        %select_n3A_711 = arith.select %ne3A_703, %get3A_696, %broadcast_in_dim3A_710 : vector<16xi1>, vector<16xf32>
        %add3A_712 = arith.addf %add3A_656, %select_n3A_711 : vector<16xf32>
        %get3A_713 = arith.index_cast %scan3A_231 : i32 to index
        %get3A_714 = arith.constant 272 : index
        %get3A_715 = tpu.vector_load %arg7[%get3A_713, %get3A_714] {strides = array<i32>} : memref<32x304xf32, #tpu.memory_space<vmem>>, vector<1x16xf32>,
        %get3A_716 = vector.shape_cast %get3A_715 : vector<1x16xf32> to vector<16xf32>
        %get3A_717 = arith.index_cast %scan3A_231 : i32 to index
        %get3A_718 = arith.constant 272 : index
        %get3A_719 = tpu.vector_load %arg9[%get3A_717, %get3A_718] {strides = array<i32>} : memref<32x304xf32, #tpu.memory_space<vmem>>, vector<1x16xf32>,
        %get3A_720 = vector.shape_cast %get3A_719 : vector<1x16xf32> to vector<16xf32>
        %get3A_721 = arith.index_cast %scan3A_231 : i32 to index
        %get3A_722 = arith.constant 272 : index
        %get3A_723 = tpu.vector_load %arg11[%get3A_721, %get3A_722] {strides = array<i32>} : memref<32x304xf32, #tpu.memory_space<vmem>>, vector<1x16xf32>,
        %get3A_724 = vector.shape_cast %get3A_723 : vector<1x16xf32> to vector<16xf32>
        %sub3A_725 = arith.subf %get3A_716, %get3A_720 : vector<16xf32>
        %mul3A_726 = arith.mulf %sub3A_725, %get3A_724 : vector<16xf32>
        %ge3A_727 = vector.broadcast %scan3A : f32 to vector<16xf32>
        %ge3A_728 = arith.cmpf oge, %get3A_716, %ge3A_727 : vector<16xf32>
        %ge3A_729 = vector.broadcast %scan3A : f32 to vector<16xf32>
        %ge3A_730 = arith.cmpf oge, %get3A_720, %ge3A_729 : vector<16xf32>
        %ne3A_731 = arith.xori %ge3A_728, %ge3A_730 : vector<16xi1>
        %abs3A_732 = math.absf %mul3A_726 : vector<16xf32>
        %add3A_733 = arith.addf %add3A_677, %abs3A_732 : vector<16xf32>
        %mul3A_734 = arith.mulf %mul3A_726, %mul3A_726 : vector<16xf32>
        %add3A_735 = arith.addf %add3A_679, %mul3A_734 : vector<16xf32>
        %add3A_736 = arith.addf %add3A_680, %get3A_724 : vector<16xf32>
        %jit3A_737 = arith.constant 0.000000e+00 : f32
        %broadcast_in_dim3A_738 = vector.broadcast %jit3A_737 : f32 to vector<16xf32>
        %select_n3A_739 = arith.select %ne3A_731, %get3A_724, %broadcast_in_dim3A_738 : vector<16xi1>, vector<16xf32>
        %add3A_740 = arith.addf %add3A_684, %select_n3A_739 : vector<16xf32>
        %get3A_741 = arith.index_cast %scan3A_231 : i32 to index
        %get3A_742 = arith.constant 288 : index
        %get3A_743 = tpu.vector_load %arg7[%get3A_741, %get3A_742] {strides = array<i32>} : memref<32x304xf32, #tpu.memory_space<vmem>>, vector<1x16xf32>,
        %get3A_744 = vector.shape_cast %get3A_743 : vector<1x16xf32> to vector<16xf32>
        %get3A_745 = arith.index_cast %scan3A_231 : i32 to index
        %get3A_746 = arith.constant 288 : index
        %get3A_747 = tpu.vector_load %arg9[%get3A_745, %get3A_746] {strides = array<i32>} : memref<32x304xf32, #tpu.memory_space<vmem>>, vector<1x16xf32>,
        %get3A_748 = vector.shape_cast %get3A_747 : vector<1x16xf32> to vector<16xf32>
        %get3A_749 = arith.index_cast %scan3A_231 : i32 to index
        %get3A_750 = arith.constant 288 : index
        %get3A_751 = tpu.vector_load %arg11[%get3A_749, %get3A_750] {strides = array<i32>} : memref<32x304xf32, #tpu.memory_space<vmem>>, vector<1x16xf32>,
        %get3A_752 = vector.shape_cast %get3A_751 : vector<1x16xf32> to vector<16xf32>
        %sub3A_753 = arith.subf %get3A_744, %get3A_748 : vector<16xf32>
        %mul3A_754 = arith.mulf %sub3A_753, %get3A_752 : vector<16xf32>
        %ge3A_755 = vector.broadcast %scan3A : f32 to vector<16xf32>
        %ge3A_756 = arith.cmpf oge, %get3A_744, %ge3A_755 : vector<16xf32>
        %ge3A_757 = vector.broadcast %scan3A : f32 to vector<16xf32>
        %ge3A_758 = arith.cmpf oge, %get3A_748, %ge3A_757 : vector<16xf32>
        %ne3A_759 = arith.xori %ge3A_756, %ge3A_758 : vector<16xi1>
        %abs3A_760 = math.absf %mul3A_754 : vector<16xf32>
        %add3A_761 = arith.addf %add3A_705, %abs3A_760 : vector<16xf32>
        %mul3A_762 = arith.mulf %mul3A_754, %mul3A_754 : vector<16xf32>
        %add3A_763 = arith.addf %add3A_707, %mul3A_762 : vector<16xf32>
        %add3A_764 = arith.addf %add3A_708, %get3A_752 : vector<16xf32>
        %jit3A_765 = arith.constant 0.000000e+00 : f32
        %broadcast_in_dim3A_766 = vector.broadcast %jit3A_765 : f32 to vector<16xf32>
        %select_n3A_767 = arith.select %ne3A_759, %get3A_752, %broadcast_in_dim3A_766 : vector<16xi1>, vector<16xf32>
        %add3A_768 = arith.addf %add3A_712, %select_n3A_767 : vector<16xf32>
        scf.yield %add3A_761, %add3A_763, %add3A_764, %add3A_768, %add3A_733, %add3A_735, %add3A_736, %add3A_740 : vector<16xf32>, vector<16xf32>, vector<16xf32>, vector<16xf32>, vector<16xf32>, vector<16xf32>, vector<16xf32>, vector<16xf32>
      }
      %scan3A_222 = arith.constant 32 : i32
      %add3A_223 = arith.addf %add3A_172, %scan3A_221#0 : vector<16xf32>
      %add3A_224 = arith.addf %add3A_173, %scan3A_221#1 : vector<16xf32>
      %add3A_225 = arith.addf %add3A_174, %scan3A_221#2 : vector<16xf32>
      %add3A_226 = arith.addf %add3A_175, %scan3A_221#3 : vector<16xf32>
      %add3A_227 = arith.addf %add3A_176, %scan3A_221#4 : vector<16xf32>
      %add3A_228 = arith.addf %add3A_177, %scan3A_221#5 : vector<16xf32>
      %add3A_229 = arith.addf %add3A_178, %scan3A_221#6 : vector<16xf32>
      %add3A_230 = arith.addf %add3A_179, %scan3A_221#7 : vector<16xf32>
      scf.yield %add3A_223, %add3A_224, %add3A_225, %add3A_226, %add3A_227, %add3A_228, %add3A_229, %add3A_230 : vector<16xf32>, vector<16xf32>, vector<16xf32>, vector<16xf32>, vector<16xf32>, vector<16xf32>, vector<16xf32>, vector<16xf32>
    }
    %scan3A_34 = arith.constant 21 : i32
    %add3A_35 = arith.addf %scan3A_33#0, %scan3A_33#4 : vector<16xf32>
    %add3A_36 = arith.addf %scan3A_33#1, %scan3A_33#5 : vector<16xf32>
    %add3A_37 = arith.addf %scan3A_33#2, %scan3A_33#6 : vector<16xf32>
    %add3A_38 = arith.addf %scan3A_33#3, %scan3A_33#7 : vector<16xf32>
    %swap3A = arith.constant 0 : i32
    %swap3A_39 = arith.index_cast %swap3A : i32 to index
    %swap3A_40 = arith.constant 0 : index
    %swap3A_41 = tpu.vector_load %arg12[%swap3A_39, %swap3A_40] {strides = array<i32>} : memref<4x16xf32, #tpu.memory_space<vmem>>, vector<1x16xf32>,
    %swap3A_42 = vector.shape_cast %swap3A_41 : vector<1x16xf32> to vector<16xf32>
    %swap3A_43 = vector.shape_cast %add3A_37 : vector<16xf32> to vector<1x16xf32>
    tpu.vector_store %arg12[%swap3A_39, %swap3A_40], %swap3A_43 {strides = array<i32>} : memref<4x16xf32, #tpu.memory_space<vmem>>, vector<1x16xf32>,
    %swap3A_44 = arith.constant 1 : i32
    %swap3A_45 = arith.index_cast %swap3A_44 : i32 to index
    %swap3A_46 = arith.constant 0 : index
    %swap3A_47 = tpu.vector_load %arg12[%swap3A_45, %swap3A_46] {strides = array<i32>} : memref<4x16xf32, #tpu.memory_space<vmem>>, vector<1x16xf32>,
    %swap3A_48 = vector.shape_cast %swap3A_47 : vector<1x16xf32> to vector<16xf32>
    %swap3A_49 = vector.shape_cast %add3A_35 : vector<16xf32> to vector<1x16xf32>
    tpu.vector_store %arg12[%swap3A_45, %swap3A_46], %swap3A_49 {strides = array<i32>} : memref<4x16xf32, #tpu.memory_space<vmem>>, vector<1x16xf32>,
    %swap3A_50 = arith.constant 2 : i32
    %swap3A_51 = arith.index_cast %swap3A_50 : i32 to index
    %swap3A_52 = arith.constant 0 : index
    %swap3A_53 = tpu.vector_load %arg12[%swap3A_51, %swap3A_52] {strides = array<i32>} : memref<4x16xf32, #tpu.memory_space<vmem>>, vector<1x16xf32>,
    %swap3A_54 = vector.shape_cast %swap3A_53 : vector<1x16xf32> to vector<16xf32>
    %swap3A_55 = vector.shape_cast %add3A_36 : vector<16xf32> to vector<1x16xf32>
    tpu.vector_store %arg12[%swap3A_51, %swap3A_52], %swap3A_55 {strides = array<i32>} : memref<4x16xf32, #tpu.memory_space<vmem>>, vector<1x16xf32>,
    %swap3A_56 = arith.constant 3 : i32
    %swap3A_57 = arith.index_cast %swap3A_56 : i32 to index
    %swap3A_58 = arith.constant 0 : index
    %swap3A_59 = tpu.vector_load %arg12[%swap3A_57, %swap3A_58] {strides = array<i32>} : memref<4x16xf32, #tpu.memory_space<vmem>>, vector<1x16xf32>,
    %swap3A_60 = vector.shape_cast %swap3A_59 : vector<1x16xf32> to vector<16xf32>
    %swap3A_61 = vector.shape_cast %add3A_38 : vector<16xf32> to vector<1x16xf32>
    tpu.vector_store %arg12[%swap3A_57, %swap3A_58], %swap3A_61 {strides = array<i32>} : memref<4x16xf32, #tpu.memory_space<vmem>>, vector<1x16xf32>,
    "tpu.region"() ({
      %run_scoped3A = tpu.sem_alloc : memref<!tpu.dma_semaphore, #tpu.memory_space<semaphore_mem>>
      %dma_start3A_62 = arith.constant 0 : i32
      %dma_start3A_63 = arith.constant 0 : i32
      %dma_start3A_64 = tpu.memref_slice %arg5[%add3A, %dma_start3A_62, %dma_start3A_63] : memref<32x4x16xf32, #tpu.memory_space<hbm>> -> memref<1x4x16xf32, #tpu.memory_space<hbm>>
      %dma_start3A_65 = tpu.memref_squeeze %dma_start3A_64 : memref<1x4x16xf32, #tpu.memory_space<hbm>> -> memref<4x16xf32, #tpu.memory_space<hbm>>
      %dma_start3A_66 = arith.constant 0 : i32
      %dma_start3A_67 = arith.constant 0 : i32
      %dma_start3A_68 = tpu.memref_slice %arg5[%add3A, %dma_start3A_66, %dma_start3A_67] : memref<32x4x16xf32, #tpu.memory_space<hbm>> -> memref<1x4x16xf32, #tpu.memory_space<hbm>>
      %dma_start3A_69 = tpu.memref_squeeze %dma_start3A_68 : memref<1x4x16xf32, #tpu.memory_space<hbm>> -> memref<4x16xf32, #tpu.memory_space<hbm>>
      tpu.enqueue_dma source(%arg12 : memref<4x16xf32, #tpu.memory_space<vmem>>) target(%dma_start3A_69 : memref<4x16xf32, #tpu.memory_space<hbm>>) target_semaphore(%run_scoped3A : memref<!tpu.dma_semaphore, #tpu.memory_space<semaphore_mem>>)
      %dma_wait3A = arith.constant 0 : i32
      %dma_wait3A_70 = arith.constant 0 : i32
      %dma_wait3A_71 = tpu.memref_slice %arg5[%add3A, %dma_wait3A, %dma_wait3A_70] : memref<32x4x16xf32, #tpu.memory_space<hbm>> -> memref<1x4x16xf32, #tpu.memory_space<hbm>>
      %dma_wait3A_72 = tpu.memref_squeeze %dma_wait3A_71 : memref<1x4x16xf32, #tpu.memory_space<hbm>> -> memref<4x16xf32, #tpu.memory_space<hbm>>
      %dma_wait3A_73 = arith.constant 0 : i32
      %dma_wait3A_74 = arith.constant 0 : i32
      %dma_wait3A_75 = tpu.memref_slice %arg5[%add3A, %dma_wait3A_73, %dma_wait3A_74] : memref<32x4x16xf32, #tpu.memory_space<hbm>> -> memref<1x4x16xf32, #tpu.memory_space<hbm>>
      %dma_wait3A_76 = tpu.memref_squeeze %dma_wait3A_75 : memref<1x4x16xf32, #tpu.memory_space<hbm>> -> memref<4x16xf32, #tpu.memory_space<hbm>>
      tpu.wait_dma2 semaphore(%run_scoped3A : memref<!tpu.dma_semaphore, #tpu.memory_space<semaphore_mem>>) src(%arg12 : memref<4x16xf32, #tpu.memory_space<vmem>>) dst(%dma_wait3A_76 : memref<4x16xf32, #tpu.memory_space<hbm>>)
      tpu.yield
    }) : () -> ()
    return
  }
}

</mosaic_0001>

<sc_bundles>
// kernel: kernel.3.cloned.1.call-start
scs
__scs_entry_jumppad:
0x0: {  	(pc) =	sbr.rel $0x88, $3  }
0x1: {  	(tag) =	ssettag $0x0;
	lr =	simm.s32 $0x1  }
0x2: {  	[smem:$0x3F9E] =	sst lr;
	_ =	strace $0xD0000000  }
0x3: {  	_ = 	snop  }
0x4: {  	_ = 	snop  }
0x5: {  	_ = 	snop  }
0x6: {  	_ = 	snop  }
0x7: {  	_ = 	snop  }
__scs_overlays_trampoline_lowered:
0x8: {  	[smem:$0x3FAD] =	sst s0  }
0x9: {  	[smem:$0x3FAE] =	sst s1  }
0xa: {  	[smem:$0x3FAF] =	sst s2  }
0xb: {  	[smem:$0x3FB0] =	sst s3  }
0xc: {  	[smem:$0x3FB1] =	sst s4  }
0xd: {  	[smem:$0x3FB2] =	sst s5  }
0xe: {  	[smem:$0x3FB3] =	sst s6  }
0xf: {  	[smem:$0x3FB4] =	sst s7  }
0x10: {  	[smem:$0x3FB5] =	sst s8  }
0x11: {  	[smem:$0x3FB6] =	sst s9;
	s0 =	simm.s32 @!p0 $0x0  }
0x12: {  	s1 =	sld [smem:$0x3F9C];
	s0 =	simm.s32 @p0 $0x1  }
0x13: {  	[smem:$0x3FB7] =	sst s0;
	s0 =	simm.s32 @!p1 $0x0  }
0x14: {  	s2 =	sld [smem:$0x3F9B];
	s0 =	simm.s32 @p1 $0x1  }
0x15: {  	[smem:$0x3FB8] =	sst s0;
	s0 =	simm.s32 @!p2 $0x0  }
0x16: {  	s3 =	sld [smem:$0x3FDB];
	s0 =	simm.s32 @p2 $0x1  }
0x17: {  	s4 =	simm.s32 $0x1BF5;
	[smem:$0x3FBA] =	sst s0  }
0x18: {  	s0 =	sld [smem:$0x3F9D];
	_ =	swait.ge [sflag:s4], $0x0  }
0x19: {  	s7 =	sld [smem:$0x3F9E]  }
0x1a: {  	s8 =	sadd.s32 $0xFFFFE003, lr  }
0x1b: {  	s9 =	sadd.s32 $0xFFFFFEF7, lr;
	s5 =	simm.s32 $0xFFFFFFFF;
	p2 =	slt.u32 s8, $0xFFFFF086  }
0x1c: {  	p1 =	slt.u32 s9, $0xF7A;
	s5 =	simm.s32 @!p2 $0x0  }
0x1d: {  	s5 =	simm.s32 @p1 $0x1;
	p0 =	seq.s32 s7, s2  }
0x1e: {  	s7 =	smul.u32 @!p0 $0xF7A, s2;
	p2 =	seq.s32 @!p0 s5, $0x0  }
0x1f: {  	s9 =	smul.u32 $0xF7A, s1;
	s8 =	simm.s32 @!p0 $0x1BF5;
	p2 =	por !p2, p0  }
0x20: {  	[sflag:s8] =	ssyncset.s32 @!p0 $0xFFFFF086;
	s6 =	sadd.s32 @!p0 s3, s7;
	s7 =	simm.s32 @!p0 $0x108  }
0x21: {  	s3 =	sadd.s32 s3, s9;
	s6 =	sadd.s32 @!p0 $0x88, s6;
	s7 =	simm.s32 @p2 $0x1082  }
0x22: {  	[simem:s7], [sflag:s8] =	dma.local @!p0 [hbm:s6], $0xF7A  }
0x23: {  	s9 =	sor.u32 $0xD0000000, s2;
	s6 =	simm.s32 $0x108;
	_ =	swait.ge @!p0 [sflag:s8], $0x0  }
0x24: {  	s3 =	sadd.s32 $0x88, s3;
	s6 =	simm.s32 @!p1 $0x1082;
	[sflag:s4] =	ssyncset.s32 $0xFFFFF086  }
0x25: {  	[simem:s6], [sflag:s4] =	dma.local [hbm:s3], $0xF7A  }
0x26: {  	[smem:$0x3F9E] =	sst s1;
	(tag) =	ssettag s2;
	_ =	strace s9  }
0x27: {  	s1 =	sld [smem:$0x3FAE]  }
0x28: {  	s2 =	sld [smem:$0x3FAF]  }
0x29: {  	s4 =	sld [smem:$0x3FB1]  }
0x2a: {  	p0 =	seq.s32 s5, $0x0;
	s5 =	sld [smem:$0x3FB2]  }
0x2b: {  	s6 =	sld [smem:$0x3FB3]  }
0x2c: {  	s7 =	sld [smem:$0x3FB4]  }
0x2d: {  	s3 =	simm.s32 $0x108;
	s8 =	sld [smem:$0x3FB5]  }
0x2e: {  	s3 =	simm.s32 @!p0 $0x1082;
	s9 =	sld [smem:$0x3FB6]  }
0x2f: {  	lr =	sadd.s32 s0, s3;
	s0 =	sld [smem:$0x3FAD]  }
0x30: {  	s3 =	sld [smem:$0x3FB0]  }
0x31: {  	[smem:$0x3FB9] =	sst s10  }
0x32: {  	s10 =	sld [smem:$0x3FB7];
	_ =	sdelay $0x3  }
0x33: {  	p0 =	seq.s32 s10, $0x1;
	s10 =	sld [smem:$0x3FB9];
	_ =	sdelay $0x3  }
0x34: {  	[smem:$0x3FB9] =	sst s10  }
0x35: {  	s10 =	sld [smem:$0x3FB8];
	_ =	sdelay $0x3  }
0x36: {  	p1 =	seq.s32 s10, $0x1;
	s10 =	sld [smem:$0x3FB9];
	_ =	sdelay $0x3  }
0x37: {  	[smem:$0x3FB9] =	sst s10  }
0x38: {  	s10 =	sld [smem:$0x3FBA]  }
0x39: {  	_ = 	snop;
	(pc) =	sbr.ind lr, $3  }
0x3a: {  	_ = 	snop  }
0x3b: {  	_ = 	snop  }
0x3c: {  	p2 =	seq.s32 s10, $0x1;
	s10 =	sld [smem:$0x3FB9]  }
0x3d: {  	_ =	shalt  }
0x3e: {  	_ =	shalt  }
0x3f: {  	_ =	shalt  }
0x40: {  	_ =	shalt  }
0x41: {  	_ =	shalt  }
0x42: {  	_ =	shalt  }
0x43: {  	_ =	shalt  }
0x44: {  	_ =	shalt  }
0x45: {  	_ =	shalt  }
0x46: {  	_ =	shalt  }
0x47: {  	_ =	shalt  }
0x48: {  	_ =	shalt  }
0x49: {  	_ =	shalt  }
0x4a: {  	_ =	shalt  }
0x4b: {  	_ =	shalt  }
0x4c: {  	_ =	shalt  }
0x4d: {  	_ =	shalt  }
0x4e: {  	_ =	shalt  }
0x4f: {  	_ =	shalt  }
0x50: {  	_ =	shalt  }
0x51: {  	_ =	shalt  }
0x52: {  	_ =	shalt  }
0x53: {  	_ =	shalt  }
0x54: {  	_ =	shalt  }
0x55: {  	_ =	shalt  }
0x56: {  	_ =	shalt  }
0x57: {  	_ =	shalt  }
0x58: {  	_ =	shalt  }
0x59: {  	_ =	shalt  }
0x5a: {  	_ =	shalt  }
0x5b: {  	_ =	shalt  }
0x5c: {  	_ =	shalt  }
0x5d: {  	_ =	shalt  }
0x5e: {  	_ =	shalt  }
0x5f: {  	_ =	shalt  }
0x60: {  	_ =	shalt  }
0x61: {  	_ =	shalt  }
0x62: {  	_ =	shalt  }
0x63: {  	_ =	shalt  }
0x64: {  	_ =	shalt  }
0x65: {  	_ =	shalt  }
0x66: {  	_ =	shalt  }
0x67: {  	_ =	shalt  }
0x68: {  	_ =	shalt  }
0x69: {  	_ =	shalt  }
0x6a: {  	_ =	shalt  }
0x6b: {  	_ =	shalt  }
0x6c: {  	_ =	shalt  }
0x6d: {  	_ =	shalt  }
0x6e: {  	_ =	shalt  }
0x6f: {  	_ =	shalt  }
0x70: {  	_ =	shalt  }
0x71: {  	_ =	shalt  }
0x72: {  	_ =	shalt  }
0x73: {  	_ =	shalt  }
0x74: {  	_ =	shalt  }
0x75: {  	_ =	shalt  }
0x76: {  	_ =	shalt  }
0x77: {  	_ =	shalt  }
0x78: {  	_ =	shalt  }
0x79: {  	_ =	shalt  }
0x7a: {  	_ =	shalt  }
0x7b: {  	_ =	shalt  }
0x7c: {  	_ =	shalt  }
0x7d: {  	_ =	shalt  }
0x7e: {  	_ =	shalt  }
0x7f: {  	_ =	shalt  }
0x80: {  	_ =	shalt  }
0x81: {  	_ =	shalt  }
0x82: {  	_ =	shalt  }
0x83: {  	_ =	shalt  }
0x84: {  	_ =	shalt  }
0x85: {  	_ =	shalt  }
0x86: {  	_ =	shalt  }
0x87: {  	_ =	shalt  }
.Lfunc_end0:
.L_simem_size_0:
called_computation_lowered:
.L_overlay_start_0:
0x88: {  	s2 =	sld [smem:$0x3FD9]  }
0x89: {  	s3 =	sld [smem:$0x3FFE];
	_ =	sdelay $0x1  }
0x8a: {  	s1 =	srdreg.scid  }
0x8b: {  	s0 =	sand.u32 $0x1, s1  }
0x8c: {  	s16 =	sshll.u32 s0, $0xA;
	s2 =	sadd.s32 s3, s2  }
0x8d: {  	s2 =	sadd.s32 s2, s16  }
0x8e: {  	[smem:$0x3FC5] =	sst s2  }
0x8f: {  	_ = 	snop  }
0x90: {  	(tm) =	ssettm $0x1  }
0x91: {  	s17 =	sld [smem:$0x3FFB];
	_ =	sdelay $0x3  }
0x92: {  	_ =	strace s17  }
0x93: {  	s2 =	sld [smem:$0x3FFC];
	_ =	sdelay $0x3  }
0x94: {  	_ =	strace s2  }
0x95: {  	s2 =	sld [smem:$0x3FFD];
	_ =	sdelay $0x3  }
0x96: {  	_ =	strace s2  }
0x97: {  	_ =	strace $0x8FFFFFFF  }
0x98: {  	s18 =	sld [smem:$0x3FDB];
	_ =	sdelay $0x1  }
0x99: {  	s19 =	simm.s32 $_scs_section_size  }
0x9a: {  	s4 =	simm.s32 $_size__tile_overlayer_lowered;
	s5 =	simm.s32 $_tile_overlayer_lowered  }
0x9b: {  	s22 =	simm.s32 $0x1BFF;
	s21 =	sshll.u32 s5, $0x1;
	s2 =	sadd.s32 s19, s18  }
0x9c: {  	s6 =	simm.s32 $0x0;
	s20 =	sshll.u32 s4, $0x1;
	s4 =	sadd.s32 s21, s2  }
0x9d: {  	[timem:s6], [sflag:s22] =	dma.local [hbm:s4], s20  }
0x9e: {  	_ =	swait.ge [sflag:s22], s20  }
0x9f: {  	s3 =	ssub.s32 $0x0, s20;
	[sflag:s22] =	ssyncset.done $0x0  }
0xa0: {  	[sflag:s22] =	ssyncadd.s32 s3;
	_ =	sdelay $0x1  }
0xa1: {  	s23 =	simm.s32 $0x1B8B  }
0xa2: {  	_ =	swait.ge [sflag:s23], $0x1  }
0xa3: {  	[sflag:s23] =	ssyncset.done $0x0  }
0xa4: {  	s25 =	simm.s32 $0x1B8E;
	s24 =	sld [smem:$0x3FFE];
	[sflag:s23] =	ssyncadd.s32 $0xFFFFFFFF  }
0xa5: {  	s26 =	simm.s32 $execute0_lowered;
	[smem:$0x3FD2] =	sst s25  }
0xa6: {  	s4 =	sshll.u32 s26, $0x1;
	_ =	strace $0x80000046;
	[dreg:$0x1] =	wrdreg $0xFFFFFFFF  }
0xa7: {  	s28 =	simm.s32 $_size_execute0_lowered;
	s2 =	sadd.s32 s2, s4;
	[dreg:$0x0] =	wrdreg $0x0  }
0xa8: {  	s4 =	sshll.u32 s28, $0x1;
	[dreg:$0x2] =	wrdreg s2  }
0xa9: {  	[dreg:$0x3] =	wrdreg s4  }
0xaa: {  	[dreg:$0x4] =	wrdreg $0xC0  }
0xab: {  	_ =	task [dreg:s6], $0x5FFFF  }
0xac: {  	[dreg:$0x1] =	wrdreg $0xFFFFFFFF  }
0xad: {  	[dreg:$0x0] =	wrdreg $0x60  }
0xae: {  	[dreg:$0x2] =	wrdreg s24  }
0xaf: {  	[dreg:$0x3] =	wrdreg $0x9  }
0xb0: {  	_ =	task.clear_ibuf [dreg:s6], $0x4FFFF;
	_ =	strace $0x90000046  }
0xb1: {  	s29 =	simm.s32 $0x9;
	_ =	strace $0x80000048  }
0xb2: {  	_ =	swait.ge [sflag:s29], $0x1  }
0xb3: {  	[sflag:s29] =	ssyncadd.s32 $0xFFFFFFFF  }
0xb4: {  	_ =	strace $0x90000048  }
0xb5: {  	_ =	sfence  }
0xb6: {  	s30 =	sld [smem:$0x0];
	_ =	sdelay $0x2  }
0xb7: {  	s31 =	sshll.u32 s1, $0xD;
	s1 =	sshrl.u32 s1, $0x2  }
0xb8: {  	s3 =	sand.u32 $0x4000, s31;
	s1 =	sadd.s32 s1, s30  }
0xb9: {  	s0 =	sor.u32 s3, s0;
	s1 =	sshll.u32 s1, $0x11  }
0xba: {  	s0 =	sor.u32 s1, s0  }
0xbb: {  	s0 =	sadd.s32 $0x8F2B, s0  }
0xbc: {  	[sflag:s0] =	ssyncadd.remote.s32 $0x1  }
0xbd: {  	_ =	sfence.sel $0xFFFF  }
0xbe: {  	[dreg:$0x0] =	wrdreg $0xFFFFFFFF;
	(pc) =	sbr.abs _section_cstart, $3  }
0xbf: {  	[dreg:$0x1] =	wrdreg $0xFFFFFFFF  }
0xc0: {  	_ =	task.clear_ibuf [dreg:s6], $0x2FFFF;
	_ =	strace $0x9FFFFFFF  }
0xc1: {  	(tm) =	ssettm $0x7FFFFFFF  }
tec
execute0_lowered:
.L_overlay_start_1:
0x0: {  	(tag) =	ssettag $0x1  }
0x1: {  	s1 =	srdreg.scid;
	s0 =	stileid.u32  }
0x2: {  	s5 =	sand.u32 $0x1, s1;
	s29 =	sshll.u32 s0, $0x1  }
0x3: {  	s10 =	sor.u32 s5, s29  }
0x4: {  	s11 =	rddreg [dreg:$0x0];
	s3 =	simm.s32 $0x0;
	s1 =	smul.u32 $0x20001, s10  }
0x5: {  	s13 =	simm.s32 $0xC000;
	s14 =	simm.s32 $0x3000;
	s15 =	simm.s32 $0x9000  }
0x6: {  	s16 =	simm.s32 $0xF000;
	s2 =	smul.u32 $0x3, s10;
	s4 =	sshrl.u32 s1, $0x13  }
0x7: {  	s17 =	simm.s32 $0x1;
	s18 =	simm.s32 $0x2;
	s6 =	smul.u32 $0xFFFFFFF4, s4  }
0x8: {  	s19 =	simm.s32 $0x12000;
	s20 =	simm.s32 $0x3;
	s21 =	simm.s32 $0x0  }
0x9: {  	s8 =	ssub.s32 $0x2, s5;
	s7 =	smul.u32 $0x1F8000, s4;
	s30 =	sadd.s32 s2, s6  }
0xa: {  	[smem:$0x7FF] =	sst s3;
	s31 =	sshrl.u32 s8, $0x1;
	s6 =	smul.u32 $0x2A000, s30  }
0xb: {  	s5 =	sadd.s32 $0x5B8000, s11;
	s10 =	sshll.u32 s10, $0x6;
	s12 =	ssub.s32 s8, s31  }
0xc: {  	s10 =	sadd.s32 s11, s10;
	s1 =	rddreg [dreg:$0x1];
	s6 =	sadd.s32 s7, s6  }
0xd: {  	_ =	strace $0x80000047;
	s4 =	sadd.s32 $0x3C0000, s11;
	s9 =	sshrl.u32 s6, $0x3  }
0xe: {  	s6 =	sadd.s32 $0x1C8000, s11;
	s11 =	smax.u32 s12, $0x1;
	s12 =	simm.s32 $0x6000  }
0xf: {  	s7 =	sadd.s32 s4, s9;
	s8 =	sadd.s32 s5, s9;
	s9 =	sadd.s32 s6, s9  }
.LBB2_1:
0x10: {  	[tilespmem:s3], [sflag:$0x1] =	stream.linear.gather [hbm4b:s7+s3], $0x3000, $0x38;
	[tilespmem:$0x12200] =	vst v63  }
0x11: {  	_ = 	snop  }
0x12: {  	v3 =	vimm.f32 $0.0e+00;
	v0 =	vimm.f32 $0.0e+00;
	[tilespmem:s12], [sflag:$0x1] =	stream.linear.gather [hbm4b:s8+s3], $0x3000, $0x38;
	[tilespmem:$0x12200] =	vst v63  }
0x13: {  	v2 =	vimm.f32 $0.0e+00;
	v5 =	vimm.f32 $0.0e+00;
	v4 =	vimm.f32 $0.0e+00;
	s22 =	simm.s32 $0x0  }
0x14: {  	v7 =	vimm.f32 $0.0e+00;
	v8 =	vimm.f32 $0.0e+00;
	v9 =	vimm.f32 $0.0e+00;
	[tilespmem:s13], [sflag:$0x1] =	stream.linear.gather [hbm4b:s9+s3], $0x3000, $0x38;
	[tilespmem:$0x12200] =	vst v63  }
.LBB2_2:
0x15: {  	s23 =	smul.u32 $0x25, s22;
	_ =	sdelay $0x1  }
0x16: {  	s23 =	sshrl.u32 s23, $0x8  }
0x17: {  	s24 =	ssub.s32 s22, s23  }
0x18: {  	s24 =	sand.u32 $0xFE, s24  }
0x19: {  	s24 =	sshrl.u32 s24, $0x1  }
0x1a: {  	s23 =	sadd.s32 s23, s24  }
0x1b: {  	s26 =	sand.u32 $0x7F, s22;
	s23 =	sand.u32 $0xFC, s23  }
0x1c: {  	s24 =	smul.u32 $0x93, s26;
	s23 =	sshrl.u32 s23, $0x2  }
0x1d: {  	s23 =	sadd.s32 s23, s2  }
0x1e: {  	s24 =	sshrl.u32 s24, $0xA;
	s25 =	smul.u32 $0xAAAB, s23  }
0x1f: {  	s24 =	smul.u32 $0xE, s24  }
0x20: {  	s26 =	sshllo.u32 s22, $0x1;
	s25 =	sshrl.u32 s25, $0x13  }
0x21: {  	s24 =	ssub.s32 s26, s24;
	s28 =	smul.u32 $0xFFFFFFF4, s25  }
0x22: {  	s24 =	sand.u32 $0xFF, s24;
	s25 =	smul.u32 $0x1F8000, s25  }
0x23: {  	[tilespmem:$0x1FEF0] =	vst v9;
	s24 =	smul.u32 $0x3000, s24;
	s23 =	sadd.s32 s23, s28  }
0x24: {  	[tilespmem:$0x1FF00] =	vst v8;
	s23 =	smul.u32 $0x2A000, s23  }
0x25: {  	[tilespmem:$0x1FF10] =	vst v7;
	s24 =	sadd.s32 s24, s25  }
0x26: {  	[tilespmem:$0x1FF20] =	vst v5;
	s23 =	sadd.s32 s23, s24  }
0x27: {  	[tilespmem:$0x1FF30] =	vst v4;
	s24 =	sshrl.u32 s23, $0x3  }
0x28: {  	[tilespmem:$0x1FF40] =	vst v2;
	s23 =	simm.s32 $0x0;
	s28 =	sadd.s32 s4, s24  }
0x29: {  	[tilespmem:s14], [sflag:$0x2] =	stream.linear.gather [hbm4b:s28+s23], $0x3000, $0x38;
	[tilespmem:$0x12200] =	vst v63  }
0x2a: {  	[tilespmem:$0x1FF50] =	vst v0;
	s29 =	sadd.s32 s5, s24  }
0x2b: {  	[tilespmem:s15], [sflag:$0x2] =	stream.linear.gather [hbm4b:s29+s23], $0x3000, $0x38;
	[tilespmem:$0x12200] =	vst v63  }
0x2c: {  	[tilespmem:$0x1FF60] =	vst v3;
	s24 =	sadd.s32 s6, s24  }
0x2d: {  	[tilespmem:s16], [sflag:$0x2] =	stream.linear.gather [hbm4b:s24+s23], $0x3000, $0x38;
	[tilespmem:$0x12200] =	vst v63  }
0x2e: {  	_ =	swait.ge [sflag:s17], $0x3000  }
0x2f: {  	[sflag:s17] =	ssyncset.done $0x0  }
0x30: {  	[sflag:s17] =	ssyncadd.s32 $0xFFFFD000  }
0x31: {  	_ =	swait.ge [sflag:s17], $0x3000  }
0x32: {  	[sflag:s17] =	ssyncset.done $0x0  }
0x33: {  	s30 =	simm.s32 $0x0;
	[sflag:s17] =	ssyncadd.s32 $0xFFFFD000  }
0x34: {  	s24 =	smul.u32 $0xC00, s30;
	_ =	swait.ge [sflag:s17], $0x3000  }
0x35: {  	s31 =	sand.u32 $0x380, s23;
	[sflag:s17] =	ssyncset.done $0x0  }
0x36: {  	s24 =	sor.u32 s31, s24;
	[sflag:s17] =	ssyncadd.s32 $0xFFFFD000  }
0x37: {  	v30 =	vld [tilespmem:s24+$0x810]  }
0x38: {  	v1 =	vld [tilespmem:s24+$0x6810]  }
0x39: {  	v9 =	vld [tilespmem:s24+$0x820]  }
0x3a: {  	v42 =	vld [tilespmem:s24+$0x6820]  }
0x3b: {  	v40 =	vld [tilespmem:s24+$0x470]  }
0x3c: {  	v63 =	vld [tilespmem:s24+$0x6470]  }
0x3d: {  	v44 =	vld [tilespmem:s24+$0x800]  }
0x3e: {  	v0 =	vld [tilespmem:s24+$0x6800]  }
0x3f: {  	v48 =	vld [tilespmem:s24+$0x450]  }
0x40: {  	v10 =	vld [tilespmem:s24+$0x6450]  }
0x41: {  	v54 =	vld [tilespmem:s24+$0x460]  }
0x42: {  	v34 =	vld [tilespmem:s24+$0x6460]  }
0x43: {  	v56 =	vld [tilespmem:s24+$0x430]  }
0x44: {  	v26 =	vld [tilespmem:s24+$0x6430]  }
0x45: {  	v57 =	vld [tilespmem:s24+$0x440]  }
0x46: {  	v27 =	vld [tilespmem:s24+$0x6440]  }
0x47: {  	v59 =	vld [tilespmem:s24+$0x410]  }
0x48: {  	v6 =	vld [tilespmem:s24+$0x6410]  }
0x49: {  	v35 =	vld [tilespmem:s24+$0x420]  }
0x4a: {  	v41 =	vld [tilespmem:s24+$0x6420]  }
0x4b: {  	v45 =	vld [tilespmem:s24+$0x70]  }
0x4c: {  	v46 =	vld [tilespmem:s24+$0x6070]  }
0x4d: {  	v20 =	vld [tilespmem:s24+$0x400]  }
0x4e: {  	v51 =	vld [tilespmem:s24+$0x6400]  }
0x4f: {  	v28 =	vld [tilespmem:s24+$0x50]  }
0x50: {  	v61 =	vld [tilespmem:s24+$0x6050]  }
0x51: {  	v13 =	vld [tilespmem:s24+$0x60]  }
0x52: {  	v2 =	vimm.s32 $0x0;
	v7 =	vld [tilespmem:s24+$0x6060];
	vm0 =	vge.f32 v30, $1.500000060e-01  }
0x53: {  	v47 =	vld [tilespmem:s24+$0x30];
	vm1 =	vge.f32 v1, $1.500000060e-01;
	vm2 =	vge.f32 v9, $1.500000060e-01;
	vm4 =	vge.f32 v42, $1.500000060e-01  }
0x54: {  	v50 =	vld [tilespmem:s24+$0x6030];
	vm3 =	vge.f32 v40, $1.500000060e-01;
	vm5 =	vge.f32 v63, $1.500000060e-01;
	vm6 =	vge.f32 v44, $1.500000060e-01  }
0x55: {  	v55 =	vld [tilespmem:s24+$0x40];
	vm7 =	vge.f32 v0, $1.500000060e-01;
	vm8 =	vge.f32 v48, $1.500000060e-01;
	vm9 =	vge.f32 v10, $1.500000060e-01  }
0x56: {  	v25 =	vld [tilespmem:s24+$0x6040];
	vm10 =	vge.f32 v54, $1.500000060e-01;
	vm11 =	vge.f32 v34, $1.500000060e-01;
	vm12 =	vge.f32 v56, $1.500000060e-01  }
0x57: {  	v62 =	vld [tilespmem:s24+$0x10];
	vm13 =	vge.f32 v26, $1.500000060e-01;
	vm14 =	vge.f32 v57, $1.500000060e-01;
	vm15 =	vge.f32 v27, $1.500000060e-01  }
0x58: {  	v32 =	vld [tilespmem:s24+$0x6010];
	v17 =	vsub.f32 v30, v1;
	vm0 =	vmxor vm0, vm1;
	vm5 =	vmxor vm3, vm5  }
0x59: {  	v15 =	vld [tilespmem:s24+$0x20];
	vm1 =	vge.f32 v6, $1.500000060e-01;
	vm3 =	vmxor vm6, vm7;
	vm2 =	vmxor vm2, vm4  }
0x5a: {  	v58 =	vld [tilespmem:s24+$0x6020];
	vm4 =	vge.f32 v41, $1.500000060e-01;
	vm13 =	vmxor vm12, vm13;
	vm6 =	vmxor vm8, vm9  }
0x5b: {  	v23 =	vld [tilespmem:s24+$0x0];
	vm8 =	vge.f32 v46, $1.500000060e-01;
	vm10 =	vmxor vm10, vm11;
	v2 =	vsel vm0, $0xFFFFFFFF, v2  }
0x5c: {  	v19 =	vld [tilespmem:s24+$0x6000];
	vm11 =	vge.f32 v20, $1.500000060e-01;
	vm12 =	vmxor vm14, vm15;
	[tilespmem:$0x1FFA0] =	vst v2;
	v2 =	vimm.s32 $0x0  }
0x5d: {  	v16 =	vld [tilespmem:s24+$0xC810];
	vm15 =	vge.f32 v25, $1.500000060e-01;
	vm0 =	vge.f32 v59, $1.500000060e-01;
	v2 =	vsel vm5, $0xFFFFFFFF, v2  }
0x5e: {  	v21 =	vld [tilespmem:s24+$0xC470];
	vm7 =	vmxor vm0, vm1;
	vm0 =	vge.f32 v28, $1.500000060e-01;
	[tilespmem:$0x1FF80] =	vst v2;
	v2 =	vimm.s32 $0x0  }
0x5f: {  	v29 =	vld [tilespmem:s24+$0xC450];
	vm1 =	vge.f32 v61, $1.500000060e-01;
	vm5 =	vge.f32 v35, $1.500000060e-01;
	v2 =	vsel vm2, $0xFFFFFFFF, v2  }
0x60: {  	v11 =	vld [tilespmem:s24+$0xC460];
	vm9 =	vmxor vm5, vm4;
	vm5 =	vge.f32 v51, $1.500000060e-01;
	[tilespmem:$0x1FF70] =	vst v2;
	v2 =	vimm.s32 $0x0  }
0x61: {  	v33 =	vld [tilespmem:s24+$0xC430];
	vm4 =	vmxor vm0, vm1;
	v2 =	vsel vm13, $0xFFFFFFFF, v2;
	vm13 =	vge.f32 v45, $1.500000060e-01  }
0x62: {  	[tilespmem:$0x1FFE0] =	vst v9;
	v9 =	vld [tilespmem:s24+$0xC800];
	vm0 =	vge.f32 v47, $1.500000060e-01;
	vm1 =	vge.f32 v50, $1.500000060e-01;
	vm14 =	vmxor vm13, vm8  }
0x63: {  	[tilespmem:$0x1FFC0] =	vst v2;
	vm13 =	vmxor vm11, vm5;
	vm8 =	vge.f32 v55, $1.500000060e-01;
	vm5 =	vmxor vm0, vm1;
	v2 =	vld [tilespmem:$0x1FF80]  }
0x64: {  	v12 =	vld [tilespmem:s24+$0xC440];
	vm11 =	vge.f32 v13, $1.500000060e-01;
	vm8 =	vmxor vm8, vm15;
	vm15 =	vge.f32 v7, $1.500000060e-01  }
0x65: {  	v39 =	vld [tilespmem:s24+$0xC410];
	vm0 =	vge.f32 v23, $1.500000060e-01;
	vm15 =	vmxor vm11, vm15;
	vm11 =	vge.f32 v19, $1.500000060e-01  }
0x66: {  	v14 =	vld [tilespmem:s24+$0xC420];
	vm1 =	vge.f32 v32, $1.500000060e-01;
	vm11 =	vmxor vm0, vm11;
	vm0 =	vge.f32 v62, $1.500000060e-01  }
0x67: {  	v18 =	vld [tilespmem:s24+$0xC400];
	vm2 =	vge.f32 v58, $1.500000060e-01;
	vm1 =	vmxor vm0, vm1;
	vm0 =	vge.f32 v15, $1.500000060e-01  }
0x68: {  	v1 =	vld [tilespmem:$0x1FFE0];
	vm0 =	vmxor vm0, vm2;
	vm2 =	vnez.u8 v2;
	v2 =	vnsel vm3, $0x0, v9  }
0x69: {  	[tilespmem:$0x1FF90] =	vst v2;
	v2 =	vld [tilespmem:$0x1FFA0]  }
0x6a: {  	v52 =	vld [tilespmem:s24+$0xC050];
	v4 =	vsub.f32 v40, v63;
	v26 =	vsub.f32 v56, v26  }
0x6b: {  	v8 =	vld [tilespmem:s24+$0xC030];
	v27 =	vsub.f32 v57, v27;
	v57 =	vsub.f32 v59, v6  }
0x6c: {  	v3 =	vld [tilespmem:s24+$0xC010];
	v59 =	vsub.f32 v62, v32;
	v35 =	vsub.f32 v35, v41  }
0x6d: {  	[tilespmem:$0x1FFF0] =	vst v47;
	v43 =	vnsel vm6, $0x0, v29;
	v47 =	vld [tilespmem:s24+$0xC070];
	v5 =	vsub.f32 v1, v42;
	v1 =	vsub.f32 v48, v10  }
0x6e: {  	v10 =	vld [tilespmem:s24+$0xC820];
	v38 =	vnsel vm2, $0x0, v21;
	vm2 =	vnez.u8 v2;
	v2 =	vnsel vm10, $0x0, v11  }
0x6f: {  	v53 =	vnsel vm7, $0x0, v39;
	v41 =	vsub.f32 v45, v46;
	v46 =	vmul.f32 v16, v17;
	[tilespmem:$0x1FFB0] =	vst v2;
	v2 =	vld [tilespmem:$0x1FFC0]  }
0x70: {  	v31 =	vld [tilespmem:s24+$0xC040];
	v22 =	vnsel vm9, $0x0, v14;
	v63 =	vnsel vm4, $0x0, v52;
	v35 =	vmul.f32 v14, v35  }
0x71: {  	v42 =	vld [tilespmem:s24+$0xC000];
	v45 =	vsub.f32 v20, v51;
	v51 =	vmul.f32 v21, v4;
	v4 =	vmul.f32 v3, v59  }
0x72: {  	v32 =	vmul.f32 v12, v27;
	v27 =	vsub.f32 v55, v25;
	v60 =	vnsel vm14, $0x0, v47  }
0x73: {  	v24 =	vld [tilespmem:s24+$0xC060];
	v30 =	vnsel vm13, $0x0, v18;
	v56 =	vnsel vm5, $0x0, v8;
	v17 =	vmul.f32 v10, v5  }
0x74: {  	v37 =	vld [tilespmem:s24+$0xC020];
	v5 =	vsub.f32 v28, v61;
	vm10 =	vnez.u8 v2;
	v2 =	vnsel vm12, $0x0, v12  }
0x75: {  	v40 =	vnsel vm8, $0x0, v31;
	[tilespmem:$0x1FFD0] =	vst v2;
	v2 =	vsub.f32 v44, v0;
	v0 =	vsub.f32 v54, v34  }
0x76: {  	v62 =	vmul.f32 v33, v26;
	v48 =	vnsel vm11, $0x0, v42;
	v5 =	vmul.f32 v52, v5  }
0x77: {  	v6 =	vnsel vm1, $0x0, v3;
	v36 =	vnsel vm2, $0x0, v16;
	v28 =	vmul.f32 v11, v0;
	v0 =	vld [tilespmem:$0x1FFF0]  }
0x78: {  	v49 =	vnsel vm10, $0x0, v33;
	v34 =	vnsel vm15, $0x0, v24;
	v54 =	vmul.f32 v29, v1  }
0x79: {  	v44 =	vnsel vm0, $0x0, v37;
	v1 =	vmul.f32 v47, v41;
	v20 =	vmul.f32 v9, v2  }
0x7a: {  	v2 =	vsub.f32 v13, v7;
	v7 =	vsub.f32 v23, v19;
	v13 =	vimm.f32 $0.0e+00  }
0x7b: {  	v41 =	vmul.f32 v18, v45;
	v23 =	vsub.f32 v15, v58;
	v3 =	vadd.f32 v3, v13  }
0x7c: {  	v6 =	vadd.f32 v6, v13;
	v45 =	vmul.f32 v24, v2;
	v26 =	vsub.f32 v0, v50  }
0x7d: {  	v2 =	vand.u32 $0x7FFFFFFF, v4;
	v61 =	vmul.f32 v42, v7;
	v7 =	vmul.f32 v5, v5  }
0x7e: {  	v2 =	vadd.f32 v2, v13;
	v25 =	vmul.f32 v8, v26;
	v26 =	vmul.f32 v4, v4  }
0x7f: {  	v58 =	vadd.f32 v8, v3;
	v3 =	vand.u32 $0x7FFFFFFF, v5;
	v55 =	vadd.f32 v56, v6  }
0x80: {  	v0 =	vmul.f32 v39, v57;
	v59 =	vadd.f32 v26, v13;
	v26 =	vmul.f32 v25, v25  }
0x81: {  	v50 =	vmul.f32 v31, v27;
	v27 =	vimm.f32 $0.0e+00;
	v25 =	vand.u32 $0x7FFFFFFF, v25  }
0x82: {  	v8 =	vmul.f32 v1, v1;
	v2 =	vadd.f32 v25, v2;
	v4 =	vadd.f32 v26, v59  }
0x83: {  	v25 =	vimm.f32 $0.0e+00;
	v59 =	vmul.f32 v37, v23;
	v23 =	vimm.f32 $0.0e+00  }
0x84: {  	s25 =	simm.s32 $0x1;
	s24 =	sshll.u32 s22, $0x1;
	v26 =	vimm.f32 $0.0e+00;
	v57 =	vadd.f32 v3, v2;
	v56 =	vadd.f32 v7, v4  }
.LBB2_3:
0x85: {  	v2 =	vadd.f32 v52, v58;
	_ =	sdelay $0x1  }
0x86: {  	v2 =	vadd.f32 v47, v2  }
0x87: {  	v3 =	vadd.f32 v63, v55  }
0x88: {  	v2 =	vadd.f32 v39, v2  }
0x89: {  	v3 =	vadd.f32 v60, v3  }
0x8a: {  	v2 =	vadd.f32 v33, v2  }
0x8b: {  	v3 =	vadd.f32 v53, v3  }
0x8c: {  	v2 =	vadd.f32 v29, v2  }
0x8d: {  	v3 =	vadd.f32 v49, v3  }
0x8e: {  	v1 =	vand.u32 $0x7FFFFFFF, v1;
	v2 =	vadd.f32 v21, v2  }
0x8f: {  	v1 =	vadd.f32 v1, v57;
	v3 =	vadd.f32 v43, v3  }
0x90: {  	v57 =	vadd.f32 v16, v2;
	v16 =	vadd.f32 v42, v26  }
0x91: {  	v3 =	vadd.f32 v38, v3  }
0x92: {  	v16 =	vadd.f32 v37, v16  }
0x93: {  	v47 =	vand.u32 $0x7FFFFFFF, v61;
	v29 =	vmul.f32 v61, v61;
	v58 =	vadd.f32 v36, v3  }
0x94: {  	v3 =	vadd.f32 v47, v23;
	v16 =	vadd.f32 v31, v16  }
0x95: {  	v49 =	vadd.f32 v29, v25;
	v25 =	vand.u32 $0x7FFFFFFF, v59;
	v23 =	vadd.f32 v48, v27  }
0x96: {  	v3 =	vadd.f32 v25, v3;
	v16 =	vadd.f32 v24, v16  }
0x97: {  	v23 =	vadd.f32 v44, v23;
	v25 =	vand.u32 $0x7FFFFFFF, v50  }
0x98: {  	v3 =	vadd.f32 v25, v3;
	v16 =	vadd.f32 v18, v16  }
0x99: {  	v23 =	vadd.f32 v40, v23;
	v25 =	vand.u32 $0x7FFFFFFF, v45  }
0x9a: {  	v3 =	vadd.f32 v25, v3;
	v14 =	vadd.f32 v14, v16  }
0x9b: {  	v24 =	vand.u32 $0x7FFFFFFF, v41;
	v23 =	vadd.f32 v34, v23  }
0x9c: {  	v13 =	vld [tilespmem:$0x1FFD0];
	v3 =	vadd.f32 v24, v3;
	v12 =	vadd.f32 v12, v14  }
0x9d: {  	v18 =	vadd.f32 v30, v23;
	v23 =	vand.u32 $0x7FFFFFFF, v35  }
0x9e: {  	v3 =	vadd.f32 v23, v3;
	v11 =	vadd.f32 v11, v12;
	v12 =	vld [tilespmem:$0x1FFB0]  }
0x9f: {  	v16 =	vadd.f32 v22, v18;
	v18 =	vand.u32 $0x7FFFFFFF, v32  }
0xa0: {  	v3 =	vadd.f32 v18, v3;
	v9 =	vadd.f32 v9, v11;
	v11 =	vld [tilespmem:$0x1FF90]  }
0xa1: {  	s26 =	sshrl.u32 s25, $0x3;
	v14 =	vadd.f32 v13, v16;
	v16 =	vand.u32 $0x7FFFFFFF, v28  }
0xa2: {  	s23 =	sadd.s32 $0x80, s23;
	s26 =	smul.u32 $0xC00, s26;
	v3 =	vadd.f32 v16, v3  }
0xa3: {  	s28 =	sand.u32 $0x380, s23;
	v12 =	vadd.f32 v12, v14;
	v14 =	vand.u32 $0x7FFFFFFF, v20  }
0xa4: {  	v4 =	vadd.f32 v8, v56;
	s26 =	sor.u32 s28, s26;
	v3 =	vadd.f32 v14, v3  }
0xa5: {  	v5 =	vmul.f32 v0, v0;
	v52 =	vld [tilespmem:s26+$0x6450];
	v11 =	vadd.f32 v11, v12;
	v12 =	vand.u32 $0x7FFFFFFF, v17  }
0xa6: {  	v0 =	vand.u32 $0x7FFFFFFF, v0;
	v23 =	vadd.f32 v12, v3;
	v3 =	vld [tilespmem:$0x1FF70]  }
0xa7: {  	v0 =	vadd.f32 v0, v1;
	v1 =	vadd.f32 v5, v4;
	v60 =	vmul.f32 v62, v62;
	_ =	sdelay $0x1  }
0xa8: {  	v63 =	vmul.f32 v54, v54;
	v1 =	vadd.f32 v60, v1;
	v53 =	vld [tilespmem:s26+$0x460]  }
0xa9: {  	v6 =	vmul.f32 v51, v51;
	v62 =	vand.u32 $0x7FFFFFFF, v62;
	v39 =	vand.u32 $0x7FFFFFFF, v54  }
0xaa: {  	v4 =	vadd.f32 v63, v1;
	vm4 =	vge.f32 v52, $1.500000060e-01;
	v31 =	vld [tilespmem:s26+$0x6460];
	vm0 =	vnez.u8 v3  }
0xab: {  	v26 =	vadd.f32 v10, v9;
	v3 =	vnsel vm0, $0x0, v10;
	v10 =	vimm.s32 $0x0  }
0xac: {  	v54 =	vld [tilespmem:s26+$0x430];
	v4 =	vadd.f32 v6, v4;
	v6 =	vmul.f32 v46, v46;
	v10 =	vsel vm4, $0xFFFFFFFF, v10  }
0xad: {  	v0 =	vadd.f32 v62, v0;
	vm11 =	vge.f32 v53, $1.500000060e-01;
	[tilespmem:$0x1FD50] =	vst v10;
	v10 =	vimm.s32 $0x0  }
0xae: {  	v56 =	vadd.f32 v6, v4;
	v6 =	vmul.f32 v59, v59;
	v59 =	vld [tilespmem:s26+$0x6430];
	v10 =	vsel vm11, $0xFFFFFFFF, v10  }
0xaf: {  	v5 =	vadd.f32 v39, v0;
	vm13 =	vge.f32 v31, $1.500000060e-01;
	[tilespmem:$0x1FD60] =	vst v10;
	v10 =	vimm.s32 $0x0  }
0xb0: {  	v7 =	vand.u32 $0x7FFFFFFF, v51;
	v24 =	vld [tilespmem:s26+$0x440];
	v10 =	vsel vm13, $0xFFFFFFFF, v10  }
0xb1: {  	v5 =	vadd.f32 v7, v5;
	vm14 =	vge.f32 v54, $1.500000060e-01;
	[tilespmem:$0x1FD70] =	vst v10;
	v10 =	vimm.s32 $0x0  }
0xb2: {  	v8 =	vand.u32 $0x7FFFFFFF, v46;
	v30 =	vld [tilespmem:s26+$0x6440];
	v10 =	vsel vm14, $0xFFFFFFFF, v10  }
0xb3: {  	v55 =	vadd.f32 v8, v5;
	vm15 =	vge.f32 v59, $1.500000060e-01;
	[tilespmem:$0x1FD30] =	vst v10;
	v10 =	vimm.s32 $0x0  }
0xb4: {  	v61 =	vld [tilespmem:s26+$0x410];
	v5 =	vadd.f32 v6, v49;
	v6 =	vmul.f32 v50, v50;
	v10 =	vsel vm15, $0xFFFFFFFF, v10  }
0xb5: {  	vm11 =	vge.f32 v24, $1.500000060e-01;
	[tilespmem:$0x1FD40] =	vst v10;
	v10 =	vimm.s32 $0x0  }
0xb6: {  	v5 =	vadd.f32 v6, v5;
	v6 =	vmul.f32 v45, v45;
	v22 =	vld [tilespmem:s26+$0x6410];
	v10 =	vsel vm11, $0xFFFFFFFF, v10  }
0xb7: {  	vm13 =	vge.f32 v30, $1.500000060e-01;
	[tilespmem:$0x1FDC0] =	vst v10;
	v10 =	vimm.s32 $0x0  }
0xb8: {  	v5 =	vadd.f32 v6, v5;
	v6 =	vmul.f32 v41, v41;
	v18 =	vld [tilespmem:s26+$0x420];
	v10 =	vsel vm13, $0xFFFFFFFF, v10  }
0xb9: {  	vm14 =	vge.f32 v61, $1.500000060e-01;
	[tilespmem:$0x1FDD0] =	vst v10;
	v10 =	vimm.s32 $0x0  }
0xba: {  	v19 =	vld [tilespmem:s26+$0x6420];
	v5 =	vadd.f32 v6, v5;
	v6 =	vmul.f32 v35, v35;
	v10 =	vsel vm14, $0xFFFFFFFF, v10  }
0xbb: {  	v15 =	vld [tilespmem:s26+$0x6070];
	vm15 =	vge.f32 v22, $1.500000060e-01;
	[tilespmem:$0x1FD80] =	vst v10;
	v10 =	vimm.s32 $0x0  }
0xbc: {  	v5 =	vadd.f32 v6, v5;
	v6 =	vmul.f32 v32, v32;
	v16 =	vld [tilespmem:s26+$0x70];
	v10 =	vsel vm15, $0xFFFFFFFF, v10  }
0xbd: {  	v0 =	vld [tilespmem:s26+$0x810];
	vm11 =	vge.f32 v18, $1.500000060e-01;
	[tilespmem:$0x1FD90] =	vst v10;
	v10 =	vimm.s32 $0x0  }
0xbe: {  	v1 =	vld [tilespmem:s26+$0x6810];
	v5 =	vadd.f32 v6, v5;
	v6 =	vmul.f32 v28, v28;
	v10 =	vsel vm11, $0xFFFFFFFF, v10  }
0xbf: {  	v7 =	vld [tilespmem:s26+$0x820];
	vm13 =	vge.f32 v19, $1.500000060e-01;
	[tilespmem:$0x1FDA0] =	vst v10;
	v10 =	vimm.s32 $0x0  }
0xc0: {  	v5 =	vadd.f32 v6, v5;
	v6 =	vmul.f32 v20, v20;
	v14 =	vld [tilespmem:s26+$0x400];
	v10 =	vsel vm13, $0xFFFFFFFF, v10  }
0xc1: {  	v46 =	vld [tilespmem:s26+$0x470];
	vm14 =	vge.f32 v16, $1.500000060e-01;
	[tilespmem:$0x1FDB0] =	vst v10;
	v10 =	vimm.s32 $0x0  }
0xc2: {  	v13 =	vld [tilespmem:s26+$0x6400];
	v5 =	vadd.f32 v6, v5;
	v6 =	vmul.f32 v17, v17;
	v10 =	vsel vm14, $0xFFFFFFFF, v10  }
0xc3: {  	v21 =	vld [tilespmem:s26+$0x6820];
	vm15 =	vge.f32 v15, $1.500000060e-01;
	[tilespmem:$0x1FDE0] =	vst v10;
	v10 =	vimm.s32 $0x0  }
0xc4: {  	v25 =	vadd.f32 v6, v5;
	v6 =	vld [tilespmem:s26+$0x60];
	v10 =	vsel vm15, $0xFFFFFFFF, v10  }
0xc5: {  	v29 =	vld [tilespmem:s26+$0x6800];
	vm11 =	vge.f32 v14, $1.500000060e-01;
	[tilespmem:$0x1FDF0] =	vst v10;
	v10 =	vimm.s32 $0x0  }
0xc6: {  	vm1 =	vge.f32 v1, $1.500000060e-01;
	vm3 =	vge.f32 v7, $1.500000060e-01;
	v9 =	vld [tilespmem:s26+$0x6060];
	v10 =	vsel vm11, $0xFFFFFFFF, v10  }
0xc7: {  	v8 =	vld [tilespmem:s26+$0x800];
	vm0 =	vge.f32 v0, $1.500000060e-01;
	vm13 =	vge.f32 v13, $1.500000060e-01;
	[tilespmem:$0x1FE00] =	vst v10;
	v10 =	vimm.s32 $0x0  }
0xc8: {  	v0 =	vsub.f32 v0, v1;
	v1 =	vsub.f32 v7, v21;
	v7 =	vld [tilespmem:s26+$0x30];
	v10 =	vsel vm13, $0xFFFFFFFF, v10  }
0xc9: {  	v2 =	vld [tilespmem:s26+$0x6470];
	vm14 =	vge.f32 v6, $1.500000060e-01;
	[tilespmem:$0x1FE10] =	vst v10;
	v10 =	vimm.s32 $0x0  }
0xca: {  	v27 =	vadd.f32 v3, v11;
	v11 =	vld [tilespmem:s26+$0x6030];
	v10 =	vsel vm14, $0xFFFFFFFF, v10  }
0xcb: {  	vm11 =	vge.f32 v9, $1.500000060e-01;
	[tilespmem:$0x1FE60] =	vst v10;
	v10 =	vimm.s32 $0x0  }
0xcc: {  	vm9 =	vge.f32 v8, $1.500000060e-01;
	v63 =	vsub.f32 v8, v29;
	v8 =	vld [tilespmem:s26+$0x40];
	v10 =	vsel vm11, $0xFFFFFFFF, v10  }
0xcd: {  	vm2 =	vge.f32 v46, $1.500000060e-01;
	v17 =	vld [tilespmem:s26+$0x10];
	vm14 =	vge.f32 v7, $1.500000060e-01;
	[tilespmem:$0x1FE70] =	vst v10;
	v10 =	vimm.s32 $0x0  }
0xce: {  	vm5 =	vge.f32 v21, $1.500000060e-01;
	vm10 =	vge.f32 v29, $1.500000060e-01;
	v12 =	vld [tilespmem:s26+$0x6040];
	v10 =	vsel vm14, $0xFFFFFFFF, v10  }
0xcf: {  	vm8 =	vge.f32 v2, $1.500000060e-01;
	v20 =	vld [tilespmem:s26+$0x6010];
	vm11 =	vge.f32 v11, $1.500000060e-01;
	[tilespmem:$0x1FE20] =	vst v10;
	v10 =	vimm.s32 $0x0  }
0xd0: {  	v5 =	vsub.f32 v6, v9;
	v30 =	vsub.f32 v24, v30;
	v24 =	vld [tilespmem:s26+$0x20];
	v10 =	vsel vm11, $0xFFFFFFFF, v10  }
0xd1: {  	v44 =	vsub.f32 v14, v13;
	v14 =	vld [tilespmem:$0x1FD50];
	vm14 =	vge.f32 v8, $1.500000060e-01;
	[tilespmem:$0x1FE30] =	vst v10;
	v10 =	vimm.s32 $0x0  }
0xd2: {  	v6 =	vimm.s32 $0x0;
	v10 =	vsel vm14, $0xFFFFFFFF, v10;
	vm14 =	vge.f32 v17, $1.500000060e-01  }
0xd3: {  	vm11 =	vge.f32 v12, $1.500000060e-01;
	[tilespmem:$0x1FE40] =	vst v10;
	v10 =	vimm.s32 $0x0;
	v6 =	vsel vm14, $0xFFFFFFFF, v6  }
0xd4: {  	v10 =	vsel vm11, $0xFFFFFFFF, v10;
	[tilespmem:$0x1FE80] =	vst v6;
	vm11 =	vge.f32 v20, $1.500000060e-01;
	v6 =	vimm.s32 $0x0  }
0xd5: {  	vm2 =	vmxor vm2, vm8;
	vm7 =	vmxor vm0, vm1;
	v6 =	vsel vm11, $0xFFFFFFFF, v6  }
0xd6: {  	vm8 =	vnez.u8 v14;
	v14 =	vld [tilespmem:$0x1FD60];
	vm14 =	vge.f32 v24, $1.500000060e-01;
	[tilespmem:$0x1FE90] =	vst v6;
	v6 =	vimm.s32 $0x0  }
0xd7: {  	vm1 =	vmxor vm9, vm10;
	vm9 =	vmxor vm3, vm5;
	v6 =	vsel vm14, $0xFFFFFFFF, v6  }
0xd8: {  	[tilespmem:$0x1FEA0] =	vst v6;
	v6 =	vsub.f32 v7, v11;
	v7 =	vsub.f32 v8, v12;
	v12 =	vimm.s32 $0x0  }
0xd9: {  	v51 =	vld [tilespmem:s26+$0x450];
	v12 =	vsel vm9, $0xFFFFFFFF, v12  }
0xda: {  	[tilespmem:$0x1FF70] =	vst v12;
	v12 =	vld [tilespmem:$0x1FD30]  }
0xdb: {  	vm9 =	vnez.u8 v14;
	v14 =	vld [tilespmem:$0x1FD70];
	_ =	sdelay $0x3  }
0xdc: {  	vm12 =	vge.f32 v51, $1.500000060e-01;
	vm10 =	vnez.u8 v12;
	v12 =	vld [tilespmem:$0x1FD40]  }
0xdd: {  	vm0 =	vmxor vm12, vm8;
	vm12 =	vnez.u8 v14;
	v14 =	vld [tilespmem:$0x1FD80];
	_ =	sdelay $0x3  }
0xde: {  	vm14 =	vnez.u8 v12  }
0xdf: {  	vm10 =	vmxor vm10, vm14;
	vm14 =	vnez.u8 v14;
	v14 =	vld [tilespmem:$0x1FD90];
	_ =	sdelay $0x4  }
0xe0: {  	vm3 =	vmxor vm9, vm12;
	vm12 =	vnez.u8 v14;
	v14 =	vld [tilespmem:$0x1FDA0];
	_ =	sdelay $0x4  }
0xe1: {  	vm8 =	vmxor vm14, vm12;
	vm14 =	vnez.u8 v14;
	v14 =	vld [tilespmem:$0x1FDB0];
	_ =	sdelay $0x4  }
0xe2: {  	vm12 =	vnez.u8 v14;
	v14 =	vld [tilespmem:$0x1FDC0];
	_ =	sdelay $0x2  }
0xe3: {  	v62 =	vld [tilespmem:s26+$0x50]  }
0xe4: {  	v3 =	vld [tilespmem:s26+$0x6050]  }
0xe5: {  	vm5 =	vnez.u8 v14;
	v14 =	vld [tilespmem:$0x1FDD0];
	_ =	sdelay $0x3  }
0xe6: {  	vm15 =	vge.f32 v3, $1.500000060e-01  }
0xe7: {  	vm13 =	vge.f32 v62, $1.500000060e-01;
	vm9 =	vmxor vm14, vm12;
	vm12 =	vnez.u8 v14  }
0xe8: {  	v14 =	vimm.s32 $0x0;
	vm5 =	vmxor vm5, vm12;
	vm12 =	vmxor vm13, vm15  }
0xe9: {  	v14 =	vsel vm12, $0xFFFFFFFF, v14  }
0xea: {  	[tilespmem:$0x1FEB0] =	vst v14;
	v14 =	vld [tilespmem:$0x1FDE0];
	_ =	sdelay $0x4  }
0xeb: {  	vm12 =	vnez.u8 v14;
	v14 =	vld [tilespmem:$0x1FDF0];
	_ =	sdelay $0x4  }
0xec: {  	vm15 =	vnez.u8 v14;
	v14 =	vld [tilespmem:$0x1FE00]  }
0xed: {  	v41 =	vsub.f32 v16, v15;
	v15 =	vld [tilespmem:$0x1FE20];
	_ =	sdelay $0x3  }
0xee: {  	vm15 =	vmxor vm12, vm15;
	vm12 =	vnez.u8 v14;
	v14 =	vld [tilespmem:$0x1FE10]  }
0xef: {  	vm13 =	vnez.u8 v15;
	v15 =	vld [tilespmem:$0x1FE30];
	_ =	sdelay $0x3  }
0xf0: {  	vm14 =	vnez.u8 v14  }
0xf1: {  	vm12 =	vmxor vm12, vm14;
	vm14 =	vnez.u8 v15  }
0xf2: {  	v15 =	vimm.s32 $0x0;
	vm13 =	vmxor vm13, vm14  }
0xf3: {  	v15 =	vsel vm13, $0xFFFFFFFF, v15  }
0xf4: {  	[tilespmem:$0x1FEC0] =	vst v15;
	v15 =	vld [tilespmem:$0x1FE40];
	_ =	sdelay $0x3  }
0xf5: {  	[tilespmem:$0x1FE50] =	vst v10  }
0xf6: {  	vm13 =	vnez.u8 v15;
	v15 =	vld [tilespmem:$0x1FE50];
	_ =	sdelay $0x4  }
0xf7: {  	vm14 =	vnez.u8 v15  }
0xf8: {  	v15 =	vimm.s32 $0x0;
	vm13 =	vmxor vm13, vm14  }
0xf9: {  	v15 =	vsel vm13, $0xFFFFFFFF, v15  }
0xfa: {  	[tilespmem:$0x1FED0] =	vst v15;
	v15 =	vld [tilespmem:$0x1FE60]  }
0xfb: {  	v33 =	vld [tilespmem:s26+$0xC430]  }
0xfc: {  	v39 =	vld [tilespmem:s26+$0xC410]  }
0xfd: {  	v40 =	vsub.f32 v18, v19;
	v18 =	vld [tilespmem:s26+$0x0]  }
0xfe: {  	v19 =	vld [tilespmem:s26+$0x6000]  }
0xff: {  	vm14 =	vnez.u8 v15;
	v15 =	vld [tilespmem:$0x1FE70]  }
0x100: {  	v21 =	vld [tilespmem:s26+$0xC470]  }
0x101: {  	v47 =	vld [tilespmem:s26+$0xC070]  }
0x102: {  	v29 =	vld [tilespmem:s26+$0xC450];
	v2 =	vsub.f32 v46, v2;
	v60 =	vsub.f32 v53, v31  }
0x103: {  	v31 =	vld [tilespmem:s26+$0x6020];
	v28 =	vsub.f32 v51, v52;
	vm6 =	vge.f32 v18, $1.500000060e-01;
	vm4 =	vge.f32 v19, $1.500000060e-01  }
0x104: {  	v52 =	vld [tilespmem:s26+$0xC050];
	vm4 =	vmxor vm6, vm4;
	vm13 =	vnez.u8 v15;
	v15 =	vimm.s32 $0x0  }
0x105: {  	v51 =	vmul.f32 v21, v2;
	v2 =	vld [tilespmem:s26+$0xC010];
	v15 =	vsel vm4, $0xFFFFFFFF, v15  }
0x106: {  	[tilespmem:$0x1FEE0] =	vst v15;
	v15 =	vld [tilespmem:$0x1FE80]  }
0x107: {  	v16 =	vld [tilespmem:s26+$0xC810]  }
0x108: {  	v9 =	vld [tilespmem:s26+$0xC800]  }
0x109: {  	v13 =	vsub.f32 v24, v31;
	v24 =	vld [tilespmem:s26+$0xC060]  }
0x10a: {  	v10 =	vld [tilespmem:s26+$0xC820]  }
0x10b: {  	v34 =	vsub.f32 v54, v59;
	v54 =	vmul.f32 v29, v28;
	vm4 =	vnez.u8 v15;
	v15 =	vld [tilespmem:$0x1FE90]  }
0x10c: {  	v35 =	vsub.f32 v61, v22;
	v3 =	vsub.f32 v62, v3;
	vm11 =	vge.f32 v31, $1.500000060e-01;
	v31 =	vld [tilespmem:s26+$0xC040]  }
0x10d: {  	v38 =	vnsel vm2, $0x0, v21;
	v59 =	vsub.f32 v18, v19;
	v8 =	vsub.f32 v17, v20;
	v11 =	vld [tilespmem:s26+$0xC460]  }
0x10e: {  	v36 =	vnsel vm7, $0x0, v16;
	v46 =	vmul.f32 v16, v0;
	v3 =	vmul.f32 v52, v3;
	v19 =	vld [tilespmem:$0x1FED0]  }
0x10f: {  	v43 =	vnsel vm0, $0x0, v29;
	v62 =	vmul.f32 v33, v34;
	v8 =	vmul.f32 v2, v8;
	v12 =	vld [tilespmem:s26+$0xC440]  }
0x110: {  	v20 =	vmul.f32 v9, v63;
	vm14 =	vmxor vm14, vm13;
	vm13 =	vnez.u8 v15;
	v15 =	vld [tilespmem:$0x1FEA0]  }
0x111: {  	v18 =	vld [tilespmem:s26+$0xC400];
	v45 =	vmul.f32 v24, v5;
	v50 =	vmul.f32 v31, v7;
	v7 =	vand.u32 $0x7FFFFFFF, v8  }
0x112: {  	v17 =	vmul.f32 v10, v1;
	v28 =	vmul.f32 v11, v60;
	v7 =	vadd.f32 v7, v55;
	v1 =	vld [tilespmem:$0x1FEB0]  }
0x113: {  	v0 =	vnsel vm3, $0x0, v11;
	v34 =	vnsel vm14, $0x0, v24;
	vm14 =	vnez.u8 v19;
	v19 =	vld [tilespmem:$0x1FEE0]  }
0x114: {  	[tilespmem:$0x1FFB0] =	vst v0;
	v49 =	vnsel vm10, $0x0, v33;
	v32 =	vmul.f32 v12, v30;
	v0 =	vnsel vm5, $0x0, v12;
	v14 =	vld [tilespmem:s26+$0xC420]  }
0x115: {  	v42 =	vld [tilespmem:s26+$0xC000];
	[tilespmem:$0x1FFD0] =	vst v0;
	vm6 =	vmxor vm4, vm13;
	vm13 =	vnez.u8 v15;
	v15 =	vnsel vm1, $0x0, v9  }
0x116: {  	v53 =	vnsel vm8, $0x0, v39;
	v0 =	vmul.f32 v39, v35;
	v60 =	vnsel vm15, $0x0, v47;
	[tilespmem:$0x1FF90] =	vst v15;
	v15 =	vld [tilespmem:s26+$0xC030]  }
0x117: {  	v30 =	vnsel vm12, $0x0, v18;
	vm12 =	vnez.u8 v1;
	v1 =	vmul.f32 v47, v41;
	v61 =	vld [tilespmem:$0x1FEC0]  }
0x118: {  	v37 =	vld [tilespmem:s26+$0xC020];
	v41 =	vmul.f32 v18, v44;
	vm15 =	vnez.u8 v19;
	v19 =	vmul.f32 v8, v8  }
0x119: {  	v63 =	vnsel vm12, $0x0, v52;
	v22 =	vnsel vm9, $0x0, v14;
	v35 =	vmul.f32 v14, v40  }
0x11a: {  	v40 =	vnsel vm14, $0x0, v31;
	v48 =	vnsel vm15, $0x0, v42;
	v8 =	vadd.f32 v19, v56  }
0x11b: {  	v5 =	vnsel vm6, $0x0, v2;
	v2 =	vadd.f32 v2, v57;
	v6 =	vmul.f32 v15, v6  }
0x11c: {  	p0 =	sne.s32 s25, $0x1F;
	vm4 =	vmxor vm13, vm11;
	vm13 =	vnez.u8 v61;
	v61 =	vmul.f32 v42, v59  }
.Ltmp0:
0x11d: {  	v5 =	vadd.f32 v5, v58;
	v59 =	vmul.f32 v37, v13;
	v13 =	vmul.f32 v6, v6;
	(pc) =	sbr.rel @p0 .LBB2_3-.Ltmp0, $4  }
0x11e: {  	v44 =	vnsel vm4, $0x0, v37;
	v4 =	vnsel vm13, $0x0, v15;
	v6 =	vand.u32 $0x7FFFFFFF, v6  }
0x11f: {  	v6 =	vadd.f32 v6, v7;
	v7 =	vadd.f32 v13, v8;
	v8 =	vmul.f32 v3, v3  }
0x120: {  	v58 =	vadd.f32 v15, v2;
	v2 =	vand.u32 $0x7FFFFFFF, v3;
	v55 =	vadd.f32 v4, v5  }
0x121: {  	s25 =	sadd.s32 $0x1, s25;
	v57 =	vadd.f32 v2, v6;
	v56 =	vadd.f32 v8, v7;
	v8 =	vmul.f32 v1, v1  }
0x122: {  	p0 =	seq.s32 s22, $0x14  }
0x123: {  	s23 =	sadd.s32 @!p0 $0x2, s24  }
0x124: {  	s24 =	smulhi.u32 @!p0 $0x92492493, s23;
	_ =	sdelay $0x1  }
0x125: {  	s24 =	sshrl.u32 @!p0 s24, $0x3  }
0x126: {  	s25 =	sadd.s32 @!p0 s2, s24  }
0x127: {  	s26 =	smul.u32 @!p0 $0xAAAB, s25  }
0x128: {  	s24 =	smul.u32 @!p0 $0xE, s24  }
0x129: {  	s26 =	sshrl.u32 @!p0 s26, $0x13  }
0x12a: {  	s23 =	ssub.s32 @!p0 s23, s24;
	s28 =	smul.u32 @!p0 $0xFFFFFFF4, s26  }
0x12b: {  	s23 =	smul.u32 @!p0 $0x3000, s23  }
0x12c: {  	s26 =	smul.u32 @!p0 $0x1F8000, s26;
	s24 =	sadd.s32 @!p0 s25, s28  }
0x12d: {  	s24 =	smul.u32 @!p0 $0x2A000, s24  }
0x12e: {  	s23 =	sadd.s32 @!p0 s23, s26  }
0x12f: {  	s23 =	sadd.s32 @!p0 s24, s23  }
0x130: {  	s23 =	sshrl.u32 @!p0 s23, $0x3  }
0x131: {  	s25 =	simm.s32 @!p0 $0x0;
	s24 =	sadd.s32 @!p0 s4, s23  }
0x132: {  	[tilespmem:s25], [sflag:$0x1] =	stream.linear.gather @!p0 [hbm4b:s24+s25], $0x3000, $0x38;
	[tilespmem:$0x12200] =	vst v63  }
0x133: {  	s26 =	simm.s32 @!p0 $0x6000;
	s24 =	sadd.s32 @!p0 s5, s23  }
0x134: {  	[tilespmem:s26], [sflag:$0x1] =	stream.linear.gather @!p0 [hbm4b:s24+s25], $0x3000, $0x38;
	[tilespmem:$0x12200] =	vst v63  }
0x135: {  	s23 =	sadd.s32 @!p0 s6, s23;
	s24 =	simm.s32 @!p0 $0xC000  }
0x136: {  	[tilespmem:s24], [sflag:$0x1] =	stream.linear.gather @!p0 [hbm4b:s23+s25], $0x3000, $0x38;
	[tilespmem:$0x12200] =	vst v63  }
0x137: {  	_ =	swait.ge [sflag:s18], $0x3000  }
0x138: {  	[sflag:s18] =	ssyncset.done $0x0  }
0x139: {  	[sflag:s18] =	ssyncadd.s32 $0xFFFFD000  }
0x13a: {  	_ =	swait.ge [sflag:s18], $0x3000  }
0x13b: {  	[sflag:s18] =	ssyncset.done $0x0  }
0x13c: {  	s30 =	simm.s32 $0x0;
	[sflag:s18] =	ssyncadd.s32 $0xFFFFD000  }
0x13d: {  	s23 =	simm.s32 $0x0;
	s24 =	smul.u32 $0xC00, s30;
	_ =	swait.ge [sflag:s18], $0x3000  }
0x13e: {  	s31 =	sand.u32 $0x380, s23;
	[sflag:s18] =	ssyncset.done $0x0  }
0x13f: {  	s24 =	sor.u32 s31, s24;
	[sflag:s18] =	ssyncadd.s32 $0xFFFFD000  }
0x140: {  	v2 =	vld [tilespmem:s24+$0x3810]  }
0x141: {  	v3 =	vld [tilespmem:s24+$0x9810];
	_ =	sdelay $0x4  }
0x142: {  	vm0 =	vge.f32 v2, $1.500000060e-01;
	vm1 =	vge.f32 v3, $1.500000060e-01  }
0x143: {  	[tilespmem:$0x1FAE0] =	vst v2;
	v2 =	vimm.s32 $0x0;
	vm0 =	vmxor vm0, vm1  }
0x144: {  	v15 =	vld [tilespmem:s24+$0x9800];
	v2 =	vsel vm0, $0xFFFFFFFF, v2  }
0x145: {  	[tilespmem:$0x1FA50] =	vst v2;
	v2 =	vld [tilespmem:s24+$0x3060];
	_ =	sdelay $0x3  }
0x146: {  	[tilespmem:$0x1FB50] =	vst v15  }
0x147: {  	[tilespmem:$0x1FCC0] =	vst v2;
	v2 =	vld [tilespmem:$0x1FB50];
	_ =	sdelay $0x2  }
0x148: {  	v4 =	vld [tilespmem:s24+$0x3820]  }
0x149: {  	v6 =	vld [tilespmem:s24+$0x9820]  }
0x14a: {  	vm5 =	vge.f32 v2, $1.500000060e-01;
	v2 =	vld [tilespmem:s24+$0x9060];
	_ =	sdelay $0x3  }
0x14b: {  	vm2 =	vge.f32 v4, $1.500000060e-01;
	vm0 =	vge.f32 v6, $1.500000060e-01  }
0x14c: {  	vm0 =	vmxor vm2, vm0;
	[tilespmem:$0x1FCD0] =	vst v2;
	v2 =	vimm.s32 $0x0  }
0x14d: {  	v15 =	vld [tilespmem:s24+$0x3450];
	v2 =	vsel vm0, $0xFFFFFFFF, v2  }
0x14e: {  	[tilespmem:$0x1FA10] =	vst v2;
	v2 =	vld [tilespmem:s24+$0x3030];
	_ =	sdelay $0x3  }
0x14f: {  	[tilespmem:$0x1FB90] =	vst v15;
	v15 =	vld [tilespmem:s24+$0x9450]  }
0x150: {  	[tilespmem:$0x1FCE0] =	vst v2;
	v2 =	vld [tilespmem:$0x1FB90];
	_ =	sdelay $0x3  }
0x151: {  	[tilespmem:$0x1FB80] =	vst v15;
	v15 =	vld [tilespmem:s24+$0x3460]  }
0x152: {  	vm12 =	vge.f32 v2, $1.500000060e-01;
	v2 =	vld [tilespmem:$0x1FB80];
	_ =	sdelay $0x3  }
0x153: {  	[tilespmem:$0x1FBA0] =	vst v15  }
0x154: {  	vm14 =	vge.f32 v2, $1.500000060e-01;
	v2 =	vld [tilespmem:$0x1FBA0];
	_ =	sdelay $0x3  }
0x155: {  	v15 =	vld [tilespmem:s24+$0x9460]  }
0x156: {  	vm9 =	vge.f32 v2, $1.500000060e-01;
	v2 =	vld [tilespmem:s24+$0x9030];
	_ =	sdelay $0x1  }
0x157: {  	v5 =	vld [tilespmem:s24+$0x3470]  }
0x158: {  	v13 =	vld [tilespmem:s24+$0x9470]  }
0x159: {  	[tilespmem:$0x1FBB0] =	vst v15;
	v15 =	vld [tilespmem:s24+$0x3430]  }
0x15a: {  	[tilespmem:$0x1FCF0] =	vst v2;
	v2 =	vld [tilespmem:$0x1FBB0];
	_ =	sdelay $0x3  }
0x15b: {  	vm11 =	vge.f32 v5, $1.500000060e-01;
	vm3 =	vge.f32 v13, $1.500000060e-01;
	[tilespmem:$0x1FBD0] =	vst v15;
	v15 =	vld [tilespmem:s24+$0x9430]  }
0x15c: {  	vm13 =	vmxor vm11, vm3;
	vm11 =	vge.f32 v2, $1.500000060e-01;
	v2 =	vld [tilespmem:$0x1FBD0];
	_ =	sdelay $0x2  }
0x15d: {  	v19 =	vld [tilespmem:s24+$0x9410]  }
0x15e: {  	[tilespmem:$0x1FBE0] =	vst v15  }
0x15f: {  	vm15 =	vge.f32 v2, $1.500000060e-01;
	v2 =	vld [tilespmem:$0x1FBE0];
	_ =	sdelay $0x2  }
0x160: {  	[tilespmem:$0x1FC10] =	vst v19;
	v19 =	vld [tilespmem:s24+$0x3420];
	_ =	sdelay $0x1  }
0x161: {  	vm8 =	vge.f32 v2, $1.500000060e-01;
	v2 =	vld [tilespmem:s24+$0x3040]  }
0x162: {  	v15 =	vld [tilespmem:s24+$0x3440];
	_ =	sdelay $0x1  }
0x163: {  	[tilespmem:$0x1FC30] =	vst v19;
	v19 =	vld [tilespmem:s24+$0x9420];
	_ =	sdelay $0x1  }
0x164: {  	vm0 =	vmxor vm15, vm8;
	[tilespmem:$0x1FD00] =	vst v2;
	v2 =	vimm.s32 $0x0  }
0x165: {  	[tilespmem:$0x1FBF0] =	vst v15;
	v15 =	vld [tilespmem:s24+$0x9440];
	v2 =	vsel vm0, $0xFFFFFFFF, v2  }
0x166: {  	[tilespmem:$0x1FAD0] =	vst v2;
	v2 =	vld [tilespmem:$0x1FBF0]  }
0x167: {  	[tilespmem:$0x1FC40] =	vst v19;
	v19 =	vld [tilespmem:s24+$0x3070];
	_ =	sdelay $0x2  }
0x168: {  	[tilespmem:$0x1FC00] =	vst v15  }
0x169: {  	vm2 =	vge.f32 v2, $1.500000060e-01;
	v2 =	vld [tilespmem:$0x1FC00]  }
0x16a: {  	[tilespmem:$0x1FC60] =	vst v19;
	v19 =	vld [tilespmem:s24+$0x9070];
	_ =	sdelay $0x3  }
0x16b: {  	vm3 =	vge.f32 v2, $1.500000060e-01;
	v2 =	vld [tilespmem:$0x1FC10]  }
0x16c: {  	[tilespmem:$0x1FC70] =	vst v19;
	v19 =	vld [tilespmem:s24+$0x3400];
	_ =	sdelay $0x3  }
0x16d: {  	vm15 =	vmxor vm12, vm14;
	vm12 =	vge.f32 v2, $1.500000060e-01;
	v2 =	vld [tilespmem:$0x1FC30]  }
0x16e: {  	[tilespmem:$0x1FC80] =	vst v19;
	v19 =	vld [tilespmem:s24+$0x9400];
	_ =	sdelay $0x1  }
0x16f: {  	v7 =	vld [tilespmem:s24+$0x3800]  }
0x170: {  	v15 =	vld [tilespmem:s24+$0x3410]  }
0x171: {  	vm14 =	vge.f32 v2, $1.500000060e-01;
	v2 =	vld [tilespmem:$0x1FC40]  }
0x172: {  	[tilespmem:$0x1FA20] =	vst v19;
	v19 =	vld [tilespmem:s24+$0x3050];
	_ =	sdelay $0x2  }
0x173: {  	[tilespmem:$0x1FB00] =	vst v4;
	vm11 =	vmxor vm9, vm11;
	vm9 =	vge.f32 v15, $1.500000060e-01  }
0x174: {  	[tilespmem:$0x1FB60] =	vst v7;
	vm8 =	vmxor vm9, vm12;
	vm6 =	vge.f32 v2, $1.500000060e-01;
	v2 =	vimm.s32 $0x0  }
0x175: {  	v4 =	vld [tilespmem:s24+$0x9050];
	[tilespmem:$0x1FC90] =	vst v19;
	v2 =	vsel vm8, $0xFFFFFFFF, v2  }
0x176: {  	vm4 =	vge.f32 v7, $1.500000060e-01;
	v7 =	vld [tilespmem:$0x1FC90];
	vm9 =	vmxor vm14, vm6;
	[tilespmem:$0x1FB70] =	vst v2;
	v2 =	vimm.s32 $0x0  }
0x177: {  	v2 =	vsel vm9, $0xFFFFFFFF, v2  }
0x178: {  	[tilespmem:$0x1FBC0] =	vst v2;
	v2 =	vld [tilespmem:$0x1FC60];
	_ =	sdelay $0x2  }
0x179: {  	vm8 =	vge.f32 v7, $1.500000060e-01;
	vm9 =	vge.f32 v4, $1.500000060e-01  }
0x17a: {  	[tilespmem:$0x1FCA0] =	vst v4;
	vm10 =	vmxor vm4, vm5;
	v4 =	vimm.s32 $0x0;
	vm4 =	vmxor vm8, vm9  }
0x17b: {  	vm7 =	vmxor vm2, vm3;
	v4 =	vsel vm4, $0xFFFFFFFF, v4;
	vm2 =	vge.f32 v2, $1.500000060e-01;
	v2 =	vld [tilespmem:$0x1FC70]  }
0x17c: {  	[tilespmem:$0x1FC50] =	vst v4;
	v4 =	vld [tilespmem:$0x1FCC0];
	_ =	sdelay $0x3  }
0x17d: {  	vm3 =	vge.f32 v2, $1.500000060e-01  }
0x17e: {  	vm4 =	vmxor vm2, vm3;
	vm2 =	vge.f32 v4, $1.500000060e-01;
	v4 =	vld [tilespmem:$0x1FCD0]  }
0x17f: {  	v2 =	vld [tilespmem:$0x1FC80];
	_ =	sdelay $0x2  }
0x180: {  	[tilespmem:$0x1FC20] =	vst v15;
	v15 =	vld [tilespmem:s24+$0x3010]  }
0x181: {  	vm6 =	vge.f32 v4, $1.500000060e-01;
	v4 =	vld [tilespmem:$0x1FCE0]  }
0x182: {  	vm12 =	vge.f32 v2, $1.500000060e-01;
	v2 =	vld [tilespmem:$0x1FA20];
	_ =	sdelay $0x1  }
0x183: {  	v19 =	vld [tilespmem:s24+$0x9040]  }
0x184: {  	v1 =	vand.u32 $0x7FFFFFFF, v1;
	vm3 =	vmxor vm2, vm6  }
0x185: {  	[tilespmem:$0x1FCB0] =	vst v15;
	vm2 =	vge.f32 v15, $1.500000060e-01;
	v15 =	vadd.f32 v63, v55;
	vm8 =	vge.f32 v4, $1.500000060e-01;
	v4 =	vld [tilespmem:$0x1FCF0]  }
0x186: {  	v1 =	vadd.f32 v1, v57;
	vm14 =	vge.f32 v2, $1.500000060e-01  }
0x187: {  	v8 =	vadd.f32 v8, v56;
	[tilespmem:$0x1FB40] =	vst v13;
	v15 =	vadd.f32 v60, v15;
	vm5 =	vmxor vm12, vm14  }
0x188: {  	v13 =	vld [tilespmem:s24+$0x9010];
	[tilespmem:$0x1FD10] =	vst v19;
	vm14 =	vge.f32 v19, $1.500000060e-01;
	v19 =	vmul.f32 v0, v0;
	v0 =	vand.u32 $0x7FFFFFFF, v0  }
0x189: {  	v15 =	vadd.f32 v53, v15;
	v0 =	vadd.f32 v0, v1  }
0x18a: {  	v1 =	vadd.f32 v19, v8;
	v8 =	vmul.f32 v62, v62;
	vm12 =	vge.f32 v4, $1.500000060e-01;
	v4 =	vld [tilespmem:$0x1FD00]  }
0x18b: {  	v19 =	vand.u32 $0x7FFFFFFF, v62;
	v15 =	vadd.f32 v49, v15  }
0x18c: {  	v0 =	vadd.f32 v19, v0;
	v1 =	vadd.f32 v8, v1;
	v8 =	vmul.f32 v54, v54  }
0x18d: {  	vm6 =	vge.f32 v13, $1.500000060e-01;
	v19 =	vand.u32 $0x7FFFFFFF, v54;
	v15 =	vadd.f32 v43, v15  }
0x18e: {  	v0 =	vadd.f32 v19, v0;
	v1 =	vadd.f32 v8, v1;
	v8 =	vmul.f32 v51, v51  }
0x18f: {  	v19 =	vand.u32 $0x7FFFFFFF, v51;
	vm0 =	vge.f32 v4, $1.500000060e-01;
	v4 =	vmovc v13;
	v13 =	vadd.f32 v52, v58  }
0x190: {  	v15 =	vadd.f32 v38, v15;
	v1 =	vadd.f32 v8, v1;
	v8 =	vmul.f32 v46, v46  }
0x191: {  	v0 =	vadd.f32 v19, v0;
	v13 =	vadd.f32 v47, v13  }
0x192: {  	v19 =	vand.u32 $0x7FFFFFFF, v46;
	v1 =	vadd.f32 v8, v1;
	v8 =	vmul.f32 v61, v61  }
0x193: {  	v0 =	vadd.f32 v19, v0;
	v13 =	vadd.f32 v39, v13  }
0x194: {  	v19 =	vadd.f32 v36, v15;
	v15 =	vmul.f32 v59, v59;
	v8 =	vadd.f32 v8, v25  }
0x195: {  	v13 =	vadd.f32 v33, v13  }
0x196: {  	v8 =	vadd.f32 v15, v8;
	v15 =	vmul.f32 v50, v50  }
0x197: {  	v13 =	vadd.f32 v29, v13  }
0x198: {  	v8 =	vadd.f32 v15, v8  }
0x199: {  	v15 =	vmul.f32 v45, v45;
	v13 =	vadd.f32 v21, v13;
	v21 =	vadd.f32 v42, v26;
	_ =	sdelay $0x1  }
0x19a: {  	v8 =	vadd.f32 v15, v8;
	v21 =	vadd.f32 v37, v21  }
0x19b: {  	v15 =	vmul.f32 v41, v41;
	v16 =	vadd.f32 v16, v13;
	v13 =	vand.u32 $0x7FFFFFFF, v61  }
0x19c: {  	v13 =	vadd.f32 v13, v23;
	v21 =	vadd.f32 v31, v21  }
0x19d: {  	[tilespmem:$0x1FAF0] =	vst v3;
	v3 =	vld [tilespmem:s24+$0x3020];
	v25 =	vand.u32 $0x7FFFFFFF, v59;
	v8 =	vadd.f32 v15, v8;
	v23 =	vadd.f32 v48, v27  }
0x19e: {  	vm8 =	vmxor vm8, vm12;
	v13 =	vadd.f32 v25, v13;
	v21 =	vadd.f32 v24, v21  }
0x19f: {  	v15 =	vmul.f32 v35, v35;
	v23 =	vadd.f32 v44, v23;
	v25 =	vand.u32 $0x7FFFFFFF, v50  }
0x1a0: {  	vm12 =	vmxor vm0, vm14;
	v13 =	vadd.f32 v25, v13;
	v18 =	vadd.f32 v18, v21  }
0x1a1: {  	v8 =	vadd.f32 v15, v8;
	v23 =	vadd.f32 v40, v23;
	v25 =	vand.u32 $0x7FFFFFFF, v45  }
0x1a2: {  	vm14 =	vge.f32 v3, $1.500000060e-01;
	v13 =	vadd.f32 v25, v13;
	v14 =	vadd.f32 v14, v18  }
0x1a3: {  	[tilespmem:$0x1FD20] =	vst v3;
	v3 =	vld [tilespmem:$0x1FF70];
	v15 =	vmul.f32 v32, v32;
	v24 =	vand.u32 $0x7FFFFFFF, v41;
	v23 =	vadd.f32 v34, v23  }
0x1a4: {  	v13 =	vadd.f32 v24, v13;
	v14 =	vadd.f32 v12, v14;
	v12 =	vld [tilespmem:$0x1FFD0]  }
0x1a5: {  	v8 =	vadd.f32 v15, v8;
	v21 =	vadd.f32 v30, v23;
	v23 =	vand.u32 $0x7FFFFFFF, v35  }
0x1a6: {  	vm2 =	vmxor vm2, vm6;
	v13 =	vadd.f32 v23, v13;
	v14 =	vadd.f32 v11, v14;
	v11 =	vld [tilespmem:$0x1FFB0]  }
0x1a7: {  	v15 =	vmul.f32 v28, v28;
	v18 =	vand.u32 $0x7FFFFFFF, v32;
	v21 =	vadd.f32 v22, v21  }
0x1a8: {  	vm6 =	vnez.u8 v3;
	v13 =	vadd.f32 v18, v13;
	v9 =	vadd.f32 v9, v14  }
0x1a9: {  	v8 =	vadd.f32 v15, v8;
	v21 =	vadd.f32 v12, v21;
	v12 =	vand.u32 $0x7FFFFFFF, v28  }
0x1aa: {  	v15 =	vmul.f32 v20, v20;
	v13 =	vadd.f32 v12, v13;
	v9 =	vadd.f32 v10, v9  }
0x1ab: {  	v21 =	vadd.f32 v11, v21;
	v11 =	vand.u32 $0x7FFFFFFF, v20;
	v20 =	vnsel vm6, $0x0, v10;
	v10 =	vld [tilespmem:$0x1FEF0]  }
0x1ac: {  	v13 =	vadd.f32 v11, v13  }
0x1ad: {  	v8 =	vadd.f32 v15, v8;
	v15 =	vmul.f32 v17, v17;
	v17 =	vand.u32 $0x7FFFFFFF, v17  }
0x1ae: {  	v17 =	vadd.f32 v17, v13;
	_ =	sdelay $0x1  }
0x1af: {  	v10 =	vadd.f32 v17, v10;
	_ =	sdelay $0x1  }
0x1b0: {  	[tilespmem:$0x1FA30] =	vst v10;
	v10 =	vld [tilespmem:$0x1FF00];
	_ =	sdelay $0x2  }
0x1b1: {  	v8 =	vadd.f32 v15, v8;
	_ =	sdelay $0x1  }
0x1b2: {  	v8 =	vadd.f32 v8, v10;
	_ =	sdelay $0x1  }
0x1b3: {  	[tilespmem:$0x1FA40] =	vst v8;
	v8 =	vld [tilespmem:$0x1FF10];
	_ =	sdelay $0x2  }
0x1b4: {  	v14 =	vld [tilespmem:$0x1FF90];
	_ =	sdelay $0x1  }
0x1b5: {  	v8 =	vadd.f32 v9, v8;
	_ =	sdelay $0x1  }
0x1b6: {  	[tilespmem:$0x1FA60] =	vst v8;
	v8 =	vld [tilespmem:$0x1FF30]  }
0x1b7: {  	v14 =	vadd.f32 v14, v21;
	_ =	sdelay $0x1  }
0x1b8: {  	v14 =	vadd.f32 v20, v14;
	_ =	sdelay $0x1  }
0x1b9: {  	v8 =	vadd.f32 v14, v8;
	_ =	sdelay $0x1  }
0x1ba: {  	[tilespmem:$0x1FA70] =	vst v8;
	v8 =	vld [tilespmem:$0x1FF20];
	_ =	sdelay $0x4  }
0x1bb: {  	v0 =	vadd.f32 v0, v8;
	_ =	sdelay $0x1  }
0x1bc: {  	[tilespmem:$0x1FA80] =	vst v0;
	v0 =	vld [tilespmem:$0x1FF40];
	_ =	sdelay $0x1  }
0x1bd: {  	v11 =	vld [tilespmem:s24+$0xF460];
	_ =	sdelay $0x2  }
0x1be: {  	v0 =	vadd.f32 v1, v0;
	_ =	sdelay $0x1  }
0x1bf: {  	[tilespmem:$0x1FA90] =	vst v0;
	v0 =	vnsel vm11, $0x0, v11  }
0x1c0: {  	[tilespmem:$0x1FAA0] =	vst v0;
	v0 =	vld [tilespmem:$0x1FF50];
	_ =	sdelay $0x4  }
0x1c1: {  	v0 =	vadd.f32 v16, v0;
	_ =	sdelay $0x1  }
0x1c2: {  	[tilespmem:$0x1FAB0] =	vst v0;
	v0 =	vld [tilespmem:$0x1FF60];
	_ =	sdelay $0x4  }
0x1c3: {  	v0 =	vadd.f32 v19, v0;
	_ =	sdelay $0x1  }
0x1c4: {  	[tilespmem:$0x1FAC0] =	vst v0;
	v0 =	vld [tilespmem:$0x1FAD0];
	_ =	sdelay $0x3  }
0x1c5: {  	v1 =	vld [tilespmem:$0x1FAF0]  }
0x1c6: {  	vm11 =	vnez.u8 v0;
	v0 =	vld [tilespmem:$0x1FAE0];
	_ =	sdelay $0x3  }
0x1c7: {  	v13 =	vld [tilespmem:s24+$0xF440]  }
0x1c8: {  	[tilespmem:$0x1FB10] =	vst v6;
	v8 =	vsub.f32 v0, v1;
	v0 =	vld [tilespmem:$0x1FB00]  }
0x1c9: {  	v1 =	vld [tilespmem:$0x1FB10];
	_ =	sdelay $0x4  }
0x1ca: {  	[tilespmem:$0x1FB30] =	vst v5;
	v17 =	vsub.f32 v0, v1;
	v0 =	vnsel vm7, $0x0, v13;
	v1 =	vld [tilespmem:$0x1FB40]  }
0x1cb: {  	[tilespmem:$0x1FB20] =	vst v0;
	v0 =	vld [tilespmem:$0x1FB30];
	_ =	sdelay $0x4  }
0x1cc: {  	v21 =	vsub.f32 v0, v1;
	v0 =	vld [tilespmem:$0x1FB50]  }
0x1cd: {  	v1 =	vld [tilespmem:$0x1FB60];
	_ =	sdelay $0x3  }
0x1ce: {  	v22 =	vld [tilespmem:s24+$0xF470]  }
0x1cf: {  	v23 =	vsub.f32 v1, v0;
	v0 =	vld [tilespmem:$0x1FB70];
	_ =	sdelay $0x3  }
0x1d0: {  	v1 =	vld [tilespmem:$0x1FB90]  }
0x1d1: {  	v40 =	vnsel vm13, $0x0, v22;
	vm13 =	vnez.u8 v0;
	v0 =	vld [tilespmem:$0x1FB80];
	_ =	sdelay $0x4  }
0x1d2: {  	v25 =	vsub.f32 v1, v0;
	v0 =	vld [tilespmem:$0x1FBA0]  }
0x1d3: {  	v1 =	vld [tilespmem:$0x1FBB0];
	_ =	sdelay $0x3  }
0x1d4: {  	v6 =	vld [tilespmem:s24+$0x9020]  }
0x1d5: {  	v28 =	vsub.f32 v0, v1;
	v0 =	vld [tilespmem:$0x1FBC0];
	_ =	sdelay $0x3  }
0x1d6: {  	vm1 =	vge.f32 v6, $1.500000060e-01;
	v1 =	vld [tilespmem:$0x1FBE0]  }
0x1d7: {  	vm1 =	vmxor vm14, vm1;
	vm14 =	vnez.u8 v0;
	v0 =	vld [tilespmem:$0x1FBD0];
	_ =	sdelay $0x4  }
0x1d8: {  	v31 =	vsub.f32 v0, v1;
	v0 =	vld [tilespmem:$0x1FBF0]  }
0x1d9: {  	v1 =	vld [tilespmem:$0x1FC00];
	_ =	sdelay $0x4  }
0x1da: {  	v32 =	vsub.f32 v0, v1;
	v0 =	vld [tilespmem:$0x1FC10]  }
0x1db: {  	v1 =	vld [tilespmem:$0x1FC20];
	_ =	sdelay $0x4  }
0x1dc: {  	v33 =	vsub.f32 v1, v0;
	v0 =	vld [tilespmem:$0x1FC30]  }
0x1dd: {  	v1 =	vld [tilespmem:$0x1FC40];
	_ =	sdelay $0x3  }
0x1de: {  	v29 =	vld [tilespmem:s24+$0xF450]  }
0x1df: {  	v41 =	vsub.f32 v0, v1;
	v0 =	vld [tilespmem:$0x1FC50];
	_ =	sdelay $0x3  }
0x1e0: {  	v1 =	vld [tilespmem:$0x1FC70]  }
0x1e1: {  	v43 =	vnsel vm15, $0x0, v29;
	vm15 =	vnez.u8 v0;
	v0 =	vld [tilespmem:$0x1FC60];
	_ =	sdelay $0x2  }
0x1e2: {  	v5 =	vld [tilespmem:s24+$0x3000]  }
0x1e3: {  	v7 =	vld [tilespmem:s24+$0x9000]  }
0x1e4: {  	v45 =	vsub.f32 v0, v1;
	v0 =	vld [tilespmem:$0x1FC80]  }
0x1e5: {  	v60 =	vld [tilespmem:s24+$0xF050]  }
0x1e6: {  	v54 =	vld [tilespmem:s24+$0xF070]  }
0x1e7: {  	v38 =	vld [tilespmem:s24+$0xF430]  }
0x1e8: {  	v1 =	vld [tilespmem:$0x1FCA0]  }
0x1e9: {  	v52 =	vsub.f32 v0, v2;
	v0 =	vld [tilespmem:$0x1FC90]  }
0x1ea: {  	v3 =	vld [tilespmem:$0x1FA50]  }
0x1eb: {  	v27 =	vld [tilespmem:s24+$0xF060]  }
0x1ec: {  	v24 =	vld [tilespmem:s24+$0xF030]  }
0x1ed: {  	v2 =	vld [tilespmem:$0x1FCD0]  }
0x1ee: {  	v56 =	vsub.f32 v0, v1;
	v1 =	vld [tilespmem:$0x1FCC0]  }
0x1ef: {  	v18 =	vld [tilespmem:s24+$0xF810]  }
0x1f0: {  	v12 =	vld [tilespmem:s24+$0xF800]  }
0x1f1: {  	v20 =	vld [tilespmem:s24+$0xF400]  }
0x1f2: {  	v9 =	vld [tilespmem:s24+$0xF820]  }
0x1f3: {  	v48 =	vsub.f32 v1, v2;
	v1 =	vld [tilespmem:$0x1FCE0]  }
0x1f4: {  	v2 =	vld [tilespmem:$0x1FCF0]  }
0x1f5: {  	v0 =	vld [tilespmem:$0x1FCB0]  }
0x1f6: {  	vm9 =	vge.f32 v7, $1.500000060e-01;
	v57 =	vnsel vm4, $0x0, v54;
	vm0 =	vge.f32 v5, $1.500000060e-01;
	v42 =	vld [tilespmem:s24+$0xF410]  }
0x1f7: {  	vm9 =	vmxor vm0, vm9;
	v47 =	vsub.f32 v5, v7;
	v39 =	vnsel vm3, $0x0, v27;
	v34 =	vld [tilespmem:s24+$0xF010]  }
0x1f8: {  	v15 =	vld [tilespmem:s24+$0xF420];
	v58 =	vnsel vm8, $0x0, v24;
	v46 =	vnsel vm10, $0x0, v12;
	vm10 =	vnez.u8 v3  }
0x1f9: {  	v37 =	vnsel vm10, $0x0, v18;
	v30 =	vnsel vm5, $0x0, v20;
	v55 =	vsub.f32 v1, v2;
	v1 =	vld [tilespmem:$0x1FD00]  }
0x1fa: {  	v19 =	vimm.f32 $0.0e+00;
	v17 =	vmul.f32 v9, v17;
	v4 =	vsub.f32 v0, v4;
	v2 =	vld [tilespmem:$0x1FD10]  }
0x1fb: {  	v53 =	vnsel vm11, $0x0, v38;
	v28 =	vmul.f32 v11, v28;
	v61 =	vmul.f32 v38, v31  }
0x1fc: {  	v59 =	vnsel vm13, $0x0, v42;
	v36 =	vmul.f32 v13, v32;
	v3 =	vmul.f32 v34, v4  }
0x1fd: {  	v35 =	vld [tilespmem:s24+$0xF040];
	v26 =	vnsel vm14, $0x0, v15;
	v63 =	vmul.f32 v42, v33;
	v41 =	vmul.f32 v15, v41  }
0x1fe: {  	v44 =	vld [tilespmem:s24+$0xF020];
	v51 =	vmul.f32 v54, v45;
	v4 =	vand.u32 $0x7FFFFFFF, v3;
	v3 =	vmul.f32 v3, v3  }
0x1ff: {  	v62 =	vnsel vm15, $0x0, v60;
	v5 =	vmul.f32 v24, v55;
	v50 =	vsub.f32 v1, v2;
	v1 =	vld [tilespmem:$0x1FD20]  }
0x200: {  	v45 =	vmul.f32 v20, v52;
	v52 =	vmul.f32 v51, v51;
	v3 =	vadd.f32 v3, v19  }
0x201: {  	v2 =	vmul.f32 v18, v8;
	v8 =	vand.u32 $0x7FFFFFFF, v5;
	v5 =	vmul.f32 v5, v5  }
0x202: {  	v33 =	vmul.f32 v60, v56;
	v0 =	vnsel vm12, $0x0, v35;
	v7 =	vadd.f32 v4, v19;
	v4 =	vld [tilespmem:s24+$0xF000]  }
0x203: {  	v55 =	vmul.f32 v29, v25;
	v25 =	vadd.f32 v5, v3;
	v5 =	vnsel vm1, $0x0, v44  }
0x204: {  	v49 =	vsub.f32 v1, v6;
	v6 =	vmul.f32 v22, v21;
	v21 =	vmul.f32 v12, v23  }
0x205: {  	v23 =	vadd.f32 v8, v7;
	v7 =	vnsel vm2, $0x0, v34;
	v8 =	vadd.f32 v34, v19  }
0x206: {  	v3 =	vmul.f32 v27, v48;
	v56 =	vadd.f32 v7, v19;
	v7 =	vmul.f32 v35, v50  }
0x207: {  	v31 =	vadd.f32 v24, v8;
	v8 =	vnsel vm9, $0x0, v4;
	v24 =	vmul.f32 v33, v33  }
0x208: {  	v33 =	vand.u32 $0x7FFFFFFF, v33;
	v32 =	vadd.f32 v58, v56;
	v58 =	vmul.f32 v4, v47  }
0x209: {  	v56 =	vmul.f32 v44, v49;
	v33 =	vadd.f32 v33, v23;
	v23 =	vimm.f32 $0.0e+00  }
0x20a: {  	s24 =	simm.s32 $0x1;
	v34 =	vadd.f32 v24, v25;
	v24 =	vimm.f32 $0.0e+00;
	v25 =	vimm.f32 $0.0e+00  }
.LBB2_5:
0x20b: {  	v31 =	vadd.f32 v60, v31  }
0x20c: {  	v47 =	vand.u32 $0x7FFFFFFF, v51;
	v4 =	vadd.f32 v4, v24  }
0x20d: {  	v48 =	vand.u32 $0x7FFFFFFF, v63;
	v8 =	vadd.f32 v8, v25;
	v31 =	vadd.f32 v54, v31  }
0x20e: {  	v60 =	vmul.f32 v61, v61;
	v32 =	vadd.f32 v62, v32;
	v33 =	vadd.f32 v47, v33  }
0x20f: {  	v61 =	vand.u32 $0x7FFFFFFF, v61;
	v34 =	vadd.f32 v52, v34;
	v31 =	vadd.f32 v42, v31  }
0x210: {  	v49 =	vand.u32 $0x7FFFFFFF, v6;
	v32 =	vadd.f32 v57, v32;
	v33 =	vadd.f32 v48, v33  }
0x211: {  	v52 =	vmul.f32 v63, v63;
	v4 =	vadd.f32 v44, v4;
	v31 =	vadd.f32 v38, v31  }
0x212: {  	v62 =	vmul.f32 v55, v55;
	v32 =	vadd.f32 v59, v32;
	v33 =	vadd.f32 v61, v33  }
0x213: {  	v63 =	vand.u32 $0x7FFFFFFF, v55;
	v5 =	vadd.f32 v5, v8;
	v29 =	vadd.f32 v29, v31  }
0x214: {  	v55 =	vand.u32 $0x7FFFFFFF, v58;
	v32 =	vadd.f32 v53, v32;
	v33 =	vadd.f32 v63, v33  }
0x215: {  	v54 =	vmul.f32 v58, v58;
	v16 =	vadd.f32 v55, v19;
	v22 =	vadd.f32 v22, v29  }
0x216: {  	v24 =	vand.u32 $0x7FFFFFFF, v56;
	v31 =	vadd.f32 v43, v32;
	v32 =	vadd.f32 v49, v33  }
0x217: {  	v33 =	vadd.f32 v18, v22;
	v22 =	vadd.f32 v54, v23;
	v23 =	vmul.f32 v56, v56  }
0x218: {  	v4 =	vadd.f32 v35, v4;
	v16 =	vadd.f32 v24, v16  }
0x219: {  	v22 =	vadd.f32 v23, v22;
	v23 =	vmul.f32 v7, v7;
	v7 =	vand.u32 $0x7FFFFFFF, v7  }
0x21a: {  	v0 =	vadd.f32 v0, v5;
	v7 =	vadd.f32 v7, v16  }
0x21b: {  	v16 =	vadd.f32 v23, v22;
	v22 =	vmul.f32 v3, v3;
	v3 =	vand.u32 $0x7FFFFFFF, v3  }
0x21c: {  	v3 =	vadd.f32 v3, v7  }
0x21d: {  	v4 =	vadd.f32 v27, v4;
	v0 =	vadd.f32 v39, v0;
	v23 =	vand.u32 $0x7FFFFFFF, v45  }
0x21e: {  	v1 =	vld [tilespmem:$0x1FB20];
	v3 =	vadd.f32 v23, v3  }
0x21f: {  	v4 =	vadd.f32 v20, v4;
	v0 =	vadd.f32 v30, v0;
	v20 =	vand.u32 $0x7FFFFFFF, v41  }
0x220: {  	v3 =	vadd.f32 v20, v3  }
0x221: {  	v4 =	vadd.f32 v15, v4;
	v0 =	vadd.f32 v26, v0;
	v15 =	vand.u32 $0x7FFFFFFF, v36  }
0x222: {  	v3 =	vadd.f32 v15, v3  }
0x223: {  	v4 =	vadd.f32 v13, v4;
	v0 =	vadd.f32 v1, v0;
	v13 =	vand.u32 $0x7FFFFFFF, v28;
	v1 =	vld [tilespmem:$0x1FAA0]  }
0x224: {  	v3 =	vadd.f32 v13, v3  }
0x225: {  	s25 =	sshrl.u32 s24, $0x3;
	v4 =	vadd.f32 v11, v4;
	v11 =	vand.u32 $0x7FFFFFFF, v21  }
0x226: {  	s23 =	sadd.s32 $0x80, s23;
	s25 =	smul.u32 $0xC00, s25;
	v3 =	vadd.f32 v11, v3  }
0x227: {  	s26 =	sand.u32 $0x380, s23;
	v10 =	vand.u32 $0x7FFFFFFF, v17  }
0x228: {  	s25 =	sor.u32 s26, s25;
	v0 =	vadd.f32 v1, v0;
	v1 =	vadd.f32 v10, v3  }
0x229: {  	v8 =	vld [tilespmem:s25+$0x9450]  }
0x22a: {  	[tilespmem:$0x1FA00] =	vst v1;
	v1 =	vld [tilespmem:$0x1FA10];
	_ =	sdelay $0x1  }
0x22b: {  	v58 =	vld [tilespmem:s25+$0x3460];
	_ =	sdelay $0x1  }
0x22c: {  	v5 =	vld [tilespmem:s25+$0x9460]  }
0x22d: {  	vm4 =	vge.f32 v8, $1.500000060e-01;
	vm0 =	vnez.u8 v1;
	v1 =	vimm.s32 $0x0  }
0x22e: {  	v7 =	vadd.f32 v22, v16;
	v22 =	vld [tilespmem:s25+$0x3430];
	v1 =	vsel vm4, $0xFFFFFFFF, v1  }
0x22f: {  	vm11 =	vge.f32 v58, $1.500000060e-01;
	[tilespmem:$0x1F860] =	vst v1;
	v1 =	vimm.s32 $0x0  }
0x230: {  	v27 =	vld [tilespmem:s25+$0x9430];
	v1 =	vsel vm11, $0xFFFFFFFF, v1  }
0x231: {  	vm13 =	vge.f32 v5, $1.500000060e-01;
	[tilespmem:$0x1F870] =	vst v1;
	v1 =	vimm.s32 $0x0  }
0x232: {  	v59 =	vld [tilespmem:s25+$0x3440];
	v1 =	vsel vm13, $0xFFFFFFFF, v1  }
0x233: {  	vm14 =	vge.f32 v22, $1.500000060e-01;
	[tilespmem:$0x1F880] =	vst v1;
	v1 =	vimm.s32 $0x0  }
0x234: {  	v30 =	vld [tilespmem:s25+$0x9440];
	v1 =	vsel vm14, $0xFFFFFFFF, v1  }
0x235: {  	vm15 =	vge.f32 v27, $1.500000060e-01;
	[tilespmem:$0x1F840] =	vst v1;
	v1 =	vimm.s32 $0x0  }
0x236: {  	v16 =	vmul.f32 v45, v45;
	v20 =	vld [tilespmem:s25+$0x3410];
	v1 =	vsel vm15, $0xFFFFFFFF, v1  }
0x237: {  	v34 =	vadd.f32 v52, v34;
	vm11 =	vge.f32 v59, $1.500000060e-01;
	[tilespmem:$0x1F850] =	vst v1;
	v1 =	vimm.s32 $0x0  }
0x238: {  	v26 =	vld [tilespmem:s25+$0x9410];
	v7 =	vadd.f32 v16, v7;
	v16 =	vmul.f32 v41, v41;
	v1 =	vsel vm11, $0xFFFFFFFF, v1  }
0x239: {  	v34 =	vadd.f32 v60, v34;
	vm13 =	vge.f32 v30, $1.500000060e-01;
	[tilespmem:$0x1F8D0] =	vst v1;
	v1 =	vimm.s32 $0x0  }
0x23a: {  	v60 =	vld [tilespmem:s25+$0x3420];
	v7 =	vadd.f32 v16, v7;
	v16 =	vmul.f32 v36, v36;
	v1 =	vsel vm13, $0xFFFFFFFF, v1  }
0x23b: {  	vm14 =	vge.f32 v20, $1.500000060e-01;
	[tilespmem:$0x1F8E0] =	vst v1;
	v1 =	vimm.s32 $0x0  }
0x23c: {  	v19 =	vld [tilespmem:s25+$0x9420];
	v15 =	vmul.f32 v28, v28;
	v7 =	vadd.f32 v16, v7;
	v1 =	vsel vm14, $0xFFFFFFFF, v1  }
0x23d: {  	vm15 =	vge.f32 v26, $1.500000060e-01;
	[tilespmem:$0x1F890] =	vst v1;
	v1 =	vimm.s32 $0x0  }
0x23e: {  	v7 =	vadd.f32 v15, v7;
	v15 =	vld [tilespmem:s25+$0x3070];
	v1 =	vsel vm15, $0xFFFFFFFF, v1  }
0x23f: {  	vm11 =	vge.f32 v60, $1.500000060e-01;
	[tilespmem:$0x1F8A0] =	vst v1;
	v1 =	vimm.s32 $0x0  }
0x240: {  	v51 =	vmul.f32 v2, v2;
	v14 =	vld [tilespmem:s25+$0x9070];
	v13 =	vmul.f32 v21, v21;
	v1 =	vsel vm11, $0xFFFFFFFF, v1  }
0x241: {  	v2 =	vand.u32 $0x7FFFFFFF, v2;
	vm13 =	vge.f32 v19, $1.500000060e-01;
	[tilespmem:$0x1F8B0] =	vst v1;
	v1 =	vimm.s32 $0x0  }
0x242: {  	v29 =	vadd.f32 v40, v31;
	v7 =	vadd.f32 v13, v7;
	v13 =	vld [tilespmem:s25+$0x3400];
	v1 =	vsel vm13, $0xFFFFFFFF, v1  }
0x243: {  	v31 =	vadd.f32 v2, v32;
	vm14 =	vge.f32 v15, $1.500000060e-01;
	[tilespmem:$0x1F8C0] =	vst v1;
	v1 =	vimm.s32 $0x0  }
0x244: {  	v4 =	vadd.f32 v12, v4;
	v12 =	vld [tilespmem:s25+$0x9400];
	v0 =	vadd.f32 v46, v0;
	v1 =	vsel vm14, $0xFFFFFFFF, v1  }
0x245: {  	v2 =	vld [tilespmem:s25+$0x3470];
	v3 =	vnsel vm0, $0x0, v9;
	vm15 =	vge.f32 v14, $1.500000060e-01;
	[tilespmem:$0x1F8F0] =	vst v1;
	v1 =	vimm.s32 $0x0  }
0x246: {  	v25 =	vadd.f32 v3, v0;
	v3 =	vld [tilespmem:s25+$0x3060];
	v1 =	vsel vm15, $0xFFFFFFFF, v1  }
0x247: {  	v47 =	vmul.f32 v6, v6;
	v18 =	vld [tilespmem:s25+$0x9470];
	vm11 =	vge.f32 v13, $1.500000060e-01;
	[tilespmem:$0x1F900] =	vst v1;
	v1 =	vimm.s32 $0x0  }
0x248: {  	v34 =	vadd.f32 v62, v34;
	v24 =	vadd.f32 v9, v4;
	v4 =	vld [tilespmem:s25+$0x9060];
	v1 =	vsel vm11, $0xFFFFFFFF, v1  }
0x249: {  	v56 =	vld [tilespmem:s25+$0x9800];
	vm13 =	vge.f32 v12, $1.500000060e-01;
	[tilespmem:$0x1F910] =	vst v1;
	v1 =	vimm.s32 $0x0  }
0x24a: {  	v50 =	vadd.f32 v47, v34;
	v11 =	vmul.f32 v17, v17;
	v10 =	vld [tilespmem:s25+$0x3030];
	v1 =	vsel vm13, $0xFFFFFFFF, v1  }
0x24b: {  	v34 =	vadd.f32 v37, v29;
	v29 =	vld [tilespmem:s25+$0x3800];
	vm14 =	vge.f32 v3, $1.500000060e-01;
	[tilespmem:$0x1F920] =	vst v1;
	v1 =	vimm.s32 $0x0  }
0x24c: {  	v23 =	vadd.f32 v11, v7;
	v11 =	vld [tilespmem:s25+$0x9030];
	v1 =	vsel vm14, $0xFFFFFFFF, v1  }
0x24d: {  	vm11 =	vge.f32 v4, $1.500000060e-01;
	[tilespmem:$0x1F970] =	vst v1;
	v1 =	vimm.s32 $0x0  }
0x24e: {  	vm2 =	vge.f32 v2, $1.500000060e-01;
	v21 =	vsub.f32 v2, v18;
	v2 =	vld [tilespmem:s25+$0x3040];
	v1 =	vsel vm11, $0xFFFFFFFF, v1  }
0x24f: {  	v48 =	vld [tilespmem:s25+$0x3810];
	vm14 =	vge.f32 v10, $1.500000060e-01;
	[tilespmem:$0x1F980] =	vst v1;
	v1 =	vimm.s32 $0x0  }
0x250: {  	vm9 =	vge.f32 v29, $1.500000060e-01;
	v28 =	vsub.f32 v29, v56;
	v29 =	vld [tilespmem:s25+$0x9040];
	v1 =	vsel vm14, $0xFFFFFFFF, v1  }
0x251: {  	v6 =	vld [tilespmem:s25+$0x9810];
	vm11 =	vge.f32 v11, $1.500000060e-01;
	[tilespmem:$0x1F930] =	vst v1;
	v1 =	vimm.s32 $0x0  }
0x252: {  	v61 =	vld [tilespmem:s25+$0x3010];
	v1 =	vsel vm11, $0xFFFFFFFF, v1  }
0x253: {  	v52 =	vld [tilespmem:s25+$0x3820];
	vm14 =	vge.f32 v2, $1.500000060e-01;
	[tilespmem:$0x1F940] =	vst v1;
	v1 =	vimm.s32 $0x0  }
0x254: {  	v62 =	vld [tilespmem:s25+$0x9010];
	v1 =	vsel vm14, $0xFFFFFFFF, v1  }
0x255: {  	v53 =	vld [tilespmem:s25+$0x9820];
	vm11 =	vge.f32 v29, $1.500000060e-01;
	[tilespmem:$0x1F950] =	vst v1;
	v1 =	vimm.s32 $0x0  }
0x256: {  	v39 =	vsub.f32 v22, v27;
	v27 =	vld [tilespmem:s25+$0x3020];
	v1 =	vsel vm11, $0xFFFFFFFF, v1  }
0x257: {  	vm14 =	vge.f32 v61, $1.500000060e-01;
	[tilespmem:$0x1F960] =	vst v1;
	v1 =	vimm.s32 $0x0  }
0x258: {  	v1 =	vsel vm14, $0xFFFFFFFF, v1  }
0x259: {  	vm1 =	vge.f32 v6, $1.500000060e-01;
	vm11 =	vge.f32 v62, $1.500000060e-01;
	[tilespmem:$0x1F990] =	vst v1;
	v1 =	vimm.s32 $0x0  }
0x25a: {  	vm3 =	vge.f32 v52, $1.500000060e-01;
	vm5 =	vge.f32 v53, $1.500000060e-01;
	v1 =	vsel vm11, $0xFFFFFFFF, v1  }
0x25b: {  	vm0 =	vge.f32 v48, $1.500000060e-01;
	vm14 =	vge.f32 v27, $1.500000060e-01;
	[tilespmem:$0x1F9A0] =	vst v1;
	v1 =	vimm.s32 $0x0  }
0x25c: {  	vm10 =	vge.f32 v56, $1.500000060e-01;
	vm7 =	vmxor vm0, vm1;
	v1 =	vsel vm14, $0xFFFFFFFF, v1  }
0x25d: {  	vm1 =	vmxor vm9, vm10;
	vm9 =	vmxor vm3, vm5;
	[tilespmem:$0x1F9B0] =	vst v1;
	v1 =	vimm.s32 $0x0  }
0x25e: {  	v1 =	vsel vm9, $0xFFFFFFFF, v1  }
0x25f: {  	[tilespmem:$0x1FA10] =	vst v1;
	v1 =	vld [tilespmem:$0x1F840];
	_ =	sdelay $0x4  }
0x260: {  	vm10 =	vnez.u8 v1;
	v1 =	vld [tilespmem:$0x1F850];
	_ =	sdelay $0x4  }
0x261: {  	vm14 =	vnez.u8 v1;
	v1 =	vld [tilespmem:$0x1F860];
	_ =	sdelay $0x3  }
0x262: {  	vm8 =	vge.f32 v18, $1.500000060e-01  }
0x263: {  	vm2 =	vmxor vm2, vm8;
	vm8 =	vnez.u8 v1;
	v1 =	vld [tilespmem:$0x1F870];
	_ =	sdelay $0x3  }
0x264: {  	v57 =	vld [tilespmem:s25+$0x3450]  }
0x265: {  	vm9 =	vnez.u8 v1;
	v1 =	vld [tilespmem:$0x1F880];
	_ =	sdelay $0x3  }
0x266: {  	vm12 =	vge.f32 v57, $1.500000060e-01  }
0x267: {  	vm0 =	vmxor vm12, vm8;
	vm12 =	vnez.u8 v1;
	v1 =	vld [tilespmem:$0x1F890];
	_ =	sdelay $0x4  }
0x268: {  	vm10 =	vmxor vm10, vm14;
	vm14 =	vnez.u8 v1;
	v1 =	vld [tilespmem:$0x1F8A0];
	_ =	sdelay $0x4  }
0x269: {  	vm3 =	vmxor vm9, vm12;
	vm12 =	vnez.u8 v1;
	v1 =	vld [tilespmem:$0x1F8B0];
	_ =	sdelay $0x4  }
0x26a: {  	vm8 =	vmxor vm14, vm12;
	vm14 =	vnez.u8 v1;
	v1 =	vld [tilespmem:$0x1F8C0];
	_ =	sdelay $0x4  }
0x26b: {  	vm12 =	vnez.u8 v1;
	v1 =	vld [tilespmem:$0x1F8D0];
	_ =	sdelay $0x2  }
0x26c: {  	v7 =	vld [tilespmem:s25+$0x3050]  }
0x26d: {  	v0 =	vld [tilespmem:s25+$0x9050]  }
0x26e: {  	vm5 =	vnez.u8 v1;
	v1 =	vld [tilespmem:$0x1F8E0];
	_ =	sdelay $0x3  }
0x26f: {  	vm15 =	vge.f32 v0, $1.500000060e-01  }
0x270: {  	vm13 =	vge.f32 v7, $1.500000060e-01;
	vm9 =	vmxor vm14, vm12;
	vm12 =	vnez.u8 v1  }
0x271: {  	v1 =	vimm.s32 $0x0;
	vm5 =	vmxor vm5, vm12;
	vm12 =	vmxor vm13, vm15  }
0x272: {  	v1 =	vsel vm12, $0xFFFFFFFF, v1  }
0x273: {  	[tilespmem:$0x1F9C0] =	vst v1;
	v1 =	vld [tilespmem:$0x1F8F0];
	_ =	sdelay $0x4  }
0x274: {  	vm12 =	vnez.u8 v1;
	v1 =	vld [tilespmem:$0x1F900];
	_ =	sdelay $0x4  }
0x275: {  	vm15 =	vnez.u8 v1;
	v1 =	vld [tilespmem:$0x1F910];
	_ =	sdelay $0x4  }
0x276: {  	vm15 =	vmxor vm12, vm15;
	vm12 =	vnez.u8 v1;
	v1 =	vld [tilespmem:$0x1F920];
	_ =	sdelay $0x4  }
0x277: {  	vm14 =	vnez.u8 v1;
	v1 =	vld [tilespmem:$0x1F930];
	_ =	sdelay $0x4  }
0x278: {  	vm13 =	vnez.u8 v1;
	v1 =	vld [tilespmem:$0x1F940];
	_ =	sdelay $0x4  }
0x279: {  	vm12 =	vmxor vm12, vm14;
	vm14 =	vnez.u8 v1  }
0x27a: {  	v1 =	vimm.s32 $0x0;
	vm13 =	vmxor vm13, vm14  }
0x27b: {  	v1 =	vsel vm13, $0xFFFFFFFF, v1  }
0x27c: {  	[tilespmem:$0x1F9D0] =	vst v1;
	v1 =	vld [tilespmem:$0x1F950];
	_ =	sdelay $0x4  }
0x27d: {  	vm13 =	vnez.u8 v1;
	v1 =	vld [tilespmem:$0x1F960];
	_ =	sdelay $0x4  }
0x27e: {  	vm14 =	vnez.u8 v1  }
0x27f: {  	v1 =	vimm.s32 $0x0;
	vm13 =	vmxor vm13, vm14  }
0x280: {  	v1 =	vsel vm13, $0xFFFFFFFF, v1  }
0x281: {  	[tilespmem:$0x1F9E0] =	vst v1;
	v1 =	vld [tilespmem:$0x1F970];
	_ =	sdelay $0x1  }
0x282: {  	v42 =	vld [tilespmem:s25+$0xF410]  }
0x283: {  	v41 =	vsub.f32 v20, v26;
	v20 =	vld [tilespmem:s25+$0x9000]  }
0x284: {  	v45 =	vsub.f32 v60, v19;
	v19 =	vld [tilespmem:s25+$0x3000]  }
0x285: {  	vm14 =	vnez.u8 v1;
	v1 =	vld [tilespmem:$0x1F980]  }
0x286: {  	v44 =	vld [tilespmem:s25+$0xF020]  }
0x287: {  	v38 =	vld [tilespmem:s25+$0xF430]  }
0x288: {  	v63 =	vld [tilespmem:s25+$0x9020]  }
0x289: {  	v54 =	vld [tilespmem:s25+$0xF070];
	vm4 =	vge.f32 v20, $1.500000060e-01;
	vm6 =	vge.f32 v19, $1.500000060e-01  }
0x28a: {  	v46 =	vld [tilespmem:s25+$0xF010];
	vm4 =	vmxor vm6, vm4;
	vm13 =	vnez.u8 v1;
	v1 =	vimm.s32 $0x0  }
0x28b: {  	v22 =	vld [tilespmem:s25+$0xF470];
	v1 =	vsel vm4, $0xFFFFFFFF, v1  }
0x28c: {  	[tilespmem:$0x1F9F0] =	vst v1;
	v1 =	vld [tilespmem:$0x1F990]  }
0x28d: {  	v18 =	vld [tilespmem:s25+$0xF810]  }
0x28e: {  	v6 =	vsub.f32 v48, v6;
	v8 =	vsub.f32 v57, v8;
	v9 =	vld [tilespmem:s25+$0xF820]  }
0x28f: {  	v5 =	vsub.f32 v58, v5;
	v32 =	vadd.f32 v51, v50;
	v60 =	vld [tilespmem:s25+$0xF050]  }
0x290: {  	v50 =	vsub.f32 v61, v62;
	v48 =	vsub.f32 v13, v12;
	v13 =	vld [tilespmem:s25+$0xF440]  }
0x291: {  	v33 =	vadd.f32 v46, v33;
	v17 =	vsub.f32 v52, v53;
	vm4 =	vnez.u8 v1;
	v1 =	vld [tilespmem:$0x1F9A0]  }
0x292: {  	v56 =	vsub.f32 v27, v63;
	v47 =	vsub.f32 v15, v14;
	v12 =	vld [tilespmem:s25+$0xF800]  }
0x293: {  	v40 =	vnsel vm2, $0x0, v22;
	v0 =	vsub.f32 v7, v0;
	v7 =	vsub.f32 v10, v11;
	v11 =	vld [tilespmem:s25+$0xF460]  }
0x294: {  	v49 =	vsub.f32 v2, v29;
	v56 =	vmul.f32 v44, v56;
	v30 =	vsub.f32 v59, v30;
	v15 =	vld [tilespmem:s25+$0xF420]  }
0x295: {  	v51 =	vmul.f32 v54, v47;
	v17 =	vmul.f32 v9, v17;
	v52 =	vsub.f32 v19, v20;
	v20 =	vld [tilespmem:s25+$0xF400]  }
0x296: {  	v36 =	vmul.f32 v13, v30;
	vm14 =	vmxor vm14, vm13;
	vm13 =	vnez.u8 v1;
	v1 =	vld [tilespmem:$0x1F9B0]  }
0x297: {  	v37 =	vnsel vm7, $0x0, v18;
	v2 =	vmul.f32 v18, v6;
	v6 =	vmul.f32 v22, v21;
	v29 =	vld [tilespmem:s25+$0xF450]  }
0x298: {  	v3 =	vsub.f32 v3, v4;
	v21 =	vmul.f32 v12, v28;
	v28 =	vmul.f32 v11, v5;
	v27 =	vld [tilespmem:s25+$0xF060]  }
0x299: {  	vm11 =	vge.f32 v63, $1.500000060e-01;
	v63 =	vmul.f32 v42, v41;
	v41 =	vmul.f32 v15, v45;
	v5 =	vld [tilespmem:$0x1F9C0]  }
0x29a: {  	v45 =	vmul.f32 v20, v48;
	v48 =	vmul.f32 v46, v50;
	v4 =	vnsel vm3, $0x0, v11  }
0x29b: {  	[tilespmem:$0x1FAA0] =	vst v4;
	v4 =	vnsel vm5, $0x0, v13;
	vm6 =	vmxor vm4, vm13;
	vm13 =	vnez.u8 v1;
	v1 =	vld [tilespmem:s25+$0xF030]  }
0x29c: {  	v19 =	vnsel vm1, $0x0, v12;
	v10 =	vmul.f32 v60, v0;
	v61 =	vmul.f32 v38, v39;
	[tilespmem:$0x1FB20] =	vst v4;
	v4 =	vld [tilespmem:s25+$0xF000]  }
0x29d: {  	v35 =	vld [tilespmem:s25+$0xF040];
	v55 =	vmul.f32 v29, v8;
	v16 =	vmul.f32 v48, v48;
	v48 =	vand.u32 $0x7FFFFFFF, v48  }
0x29e: {  	v3 =	vmul.f32 v27, v3;
	v30 =	vnsel vm12, $0x0, v20;
	vm12 =	vnez.u8 v5;
	v5 =	vld [tilespmem:$0x1F9D0]  }
0x29f: {  	v31 =	vadd.f32 v48, v31;
	v16 =	vadd.f32 v16, v32;
	v53 =	vnsel vm10, $0x0, v38;
	v0 =	vld [tilespmem:$0x1F9E0]  }
0x2a0: {  	v43 =	vnsel vm0, $0x0, v29;
	v59 =	vnsel vm8, $0x0, v42;
	v14 =	vmul.f32 v1, v7;
	v7 =	vld [tilespmem:$0x1F9F0]  }
0x2a1: {  	v26 =	vnsel vm9, $0x0, v15;
	v58 =	vmul.f32 v4, v52;
	v52 =	vmul.f32 v10, v10  }
0x2a2: {  	v57 =	vnsel vm15, $0x0, v54;
	v62 =	vnsel vm12, $0x0, v60;
	v39 =	vnsel vm14, $0x0, v27  }
0x2a3: {  	v50 =	vnsel vm6, $0x0, v46;
	vm4 =	vmxor vm13, vm11;
	vm13 =	vnez.u8 v5  }
0x2a4: {  	p0 =	sne.s32 s24, $0x1F;
	vm14 =	vnez.u8 v0;
	v34 =	vadd.f32 v50, v34;
	v47 =	vnsel vm13, $0x0, v1  }
.Ltmp1:
0x2a5: {  	vm15 =	vnez.u8 v7;
	v7 =	vmul.f32 v35, v49;
	v49 =	vmul.f32 v14, v14;
	(pc) =	sbr.rel @p0 .LBB2_5-.Ltmp1, $4  }
0x2a6: {  	v0 =	vnsel vm14, $0x0, v35;
	v32 =	vadd.f32 v47, v34;
	v14 =	vand.u32 $0x7FFFFFFF, v14  }
0x2a7: {  	v5 =	vnsel vm4, $0x0, v44;
	v14 =	vadd.f32 v14, v31;
	v16 =	vadd.f32 v49, v16  }
0x2a8: {  	v8 =	vnsel vm15, $0x0, v4;
	v31 =	vadd.f32 v1, v33;
	v1 =	vand.u32 $0x7FFFFFFF, v10  }
0x2a9: {  	s24 =	sadd.s32 $0x1, s24;
	v46 =	vmovc v19;
	v19 =	vld [tilespmem:$0x1FA00];
	v33 =	vadd.f32 v1, v14;
	v34 =	vadd.f32 v52, v16;
	v52 =	vmul.f32 v51, v51  }
0x2aa: {  	v10 =	vadd.f32 v62, v32  }
0x2ab: {  	v14 =	vand.u32 $0x7FFFFFFF, v51;
	v47 =	vmul.f32 v63, v63;
	v16 =	vadd.f32 v52, v34  }
0x2ac: {  	v1 =	vadd.f32 v60, v31;
	v48 =	vand.u32 $0x7FFFFFFF, v63;
	v14 =	vadd.f32 v14, v33  }
0x2ad: {  	v49 =	vmul.f32 v61, v61;
	v10 =	vadd.f32 v57, v10;
	v16 =	vadd.f32 v47, v16  }
0x2ae: {  	v50 =	vand.u32 $0x7FFFFFFF, v61;
	v51 =	vmul.f32 v55, v55;
	v14 =	vadd.f32 v48, v14  }
0x2af: {  	v60 =	vmul.f32 v56, v56;
	v10 =	vadd.f32 v59, v10;
	v16 =	vadd.f32 v49, v16  }
0x2b0: {  	v52 =	vand.u32 $0x7FFFFFFF, v55;
	v1 =	vadd.f32 v54, v1;
	v14 =	vadd.f32 v50, v14  }
0x2b1: {  	v10 =	vadd.f32 v53, v10;
	v53 =	vmul.f32 v6, v6;
	v16 =	vadd.f32 v51, v16  }
0x2b2: {  	v57 =	vmul.f32 v58, v58;
	v59 =	vand.u32 $0x7FFFFFFF, v58;
	v14 =	vadd.f32 v52, v14  }
0x2b3: {  	v6 =	vand.u32 $0x7FFFFFFF, v6;
	v54 =	vadd.f32 v53, v16;
	v16 =	vadd.f32 v59, v19  }
0x2b4: {  	v61 =	vand.u32 $0x7FFFFFFF, v56;
	v6 =	vadd.f32 v6, v14;
	v14 =	vadd.f32 v57, v23  }
0x2b5: {  	v8 =	vadd.f32 v8, v25;
	v16 =	vadd.f32 v61, v16  }
0x2b6: {  	v62 =	vmul.f32 v7, v7;
	v7 =	vand.u32 $0x7FFFFFFF, v7;
	v14 =	vadd.f32 v60, v14  }
0x2b7: {  	v63 =	vmul.f32 v3, v3;
	v7 =	vadd.f32 v7, v16  }
0x2b8: {  	v3 =	vand.u32 $0x7FFFFFFF, v3;
	v5 =	vadd.f32 v5, v8;
	v8 =	vadd.f32 v62, v14  }
0x2b9: {  	v3 =	vadd.f32 v3, v7  }
0x2ba: {  	v0 =	vadd.f32 v0, v5;
	v5 =	vadd.f32 v63, v8;
	v8 =	vand.u32 $0x7FFFFFFF, v45  }
0x2bb: {  	v7 =	vmul.f32 v45, v45;
	v3 =	vadd.f32 v8, v3  }
0x2bc: {  	v8 =	vand.u32 $0x7FFFFFFF, v41  }
0x2bd: {  	v5 =	vadd.f32 v7, v5;
	v7 =	vmul.f32 v41, v41;
	v3 =	vadd.f32 v8, v3  }
0x2be: {  	v0 =	vadd.f32 v39, v0;
	v8 =	vand.u32 $0x7FFFFFFF, v36  }
0x2bf: {  	v5 =	vadd.f32 v7, v5;
	v7 =	vmul.f32 v36, v36;
	v3 =	vadd.f32 v8, v3;
	v8 =	vld [tilespmem:$0x1FB20]  }
0x2c0: {  	v4 =	vadd.f32 v4, v24;
	v0 =	vadd.f32 v30, v0  }
0x2c1: {  	v5 =	vadd.f32 v7, v5;
	v7 =	vmul.f32 v28, v28  }
0x2c2: {  	v4 =	vadd.f32 v44, v4;
	v0 =	vadd.f32 v26, v0  }
0x2c3: {  	v5 =	vadd.f32 v7, v5;
	v7 =	vmul.f32 v21, v21  }
0x2c4: {  	v4 =	vadd.f32 v35, v4;
	v0 =	vadd.f32 v8, v0;
	v8 =	vand.u32 $0x7FFFFFFF, v28  }
0x2c5: {  	v5 =	vadd.f32 v7, v5;
	v7 =	vmul.f32 v17, v17;
	v3 =	vadd.f32 v8, v3;
	v8 =	vld [tilespmem:$0x1FAA0];
	_ =	sdelay $0x1  }
0x2c6: {  	v4 =	vadd.f32 v27, v4;
	v5 =	vadd.f32 v7, v5;
	v7 =	vld [tilespmem:$0x1FA10];
	_ =	sdelay $0x1  }
0x2c7: {  	v4 =	vadd.f32 v20, v4  }
0x2c8: {  	v0 =	vadd.f32 v8, v0  }
0x2c9: {  	v4 =	vadd.f32 v15, v4  }
0x2ca: {  	vm0 =	vnez.u8 v7;
	v0 =	vadd.f32 v46, v0  }
0x2cb: {  	v4 =	vadd.f32 v13, v4;
	v7 =	vnsel vm0, $0x0, v9  }
0x2cc: {  	v8 =	vand.u32 $0x7FFFFFFF, v21;
	v0 =	vadd.f32 v7, v0;
	v7 =	vld [tilespmem:$0x1FA30]  }
0x2cd: {  	v4 =	vadd.f32 v11, v4;
	v3 =	vadd.f32 v8, v3  }
0x2ce: {  	v8 =	vand.u32 $0x7FFFFFFF, v17  }
0x2cf: {  	v4 =	vadd.f32 v12, v4;
	v3 =	vadd.f32 v8, v3;
	_ =	sdelay $0x1  }
0x2d0: {  	v4 =	vadd.f32 v9, v4;
	v9 =	vadd.f32 v3, v7;
	v3 =	vld [tilespmem:$0x1FA40];
	_ =	sdelay $0x4  }
0x2d1: {  	v8 =	vadd.f32 v5, v3;
	v3 =	vld [tilespmem:$0x1FA60];
	_ =	sdelay $0x4  }
0x2d2: {  	v7 =	vadd.f32 v4, v3;
	v3 =	vld [tilespmem:$0x1FA70];
	_ =	sdelay $0x4  }
0x2d3: {  	v4 =	vadd.f32 v0, v3;
	v0 =	vld [tilespmem:$0x1FA80];
	_ =	sdelay $0x1  }
0x2d4: {  	v55 =	vmul.f32 v2, v2;
	v2 =	vand.u32 $0x7FFFFFFF, v2  }
0x2d5: {  	v2 =	vadd.f32 v2, v6;
	_ =	sdelay $0x1  }
0x2d6: {  	v1 =	vadd.f32 v42, v1;
	v5 =	vadd.f32 v2, v0;
	v0 =	vld [tilespmem:$0x1FA90];
	_ =	sdelay $0x1  }
0x2d7: {  	v1 =	vadd.f32 v38, v1  }
0x2d8: {  	v6 =	vadd.f32 v55, v54  }
0x2d9: {  	v1 =	vadd.f32 v29, v1  }
0x2da: {  	v2 =	vadd.f32 v6, v0;
	v0 =	vld [tilespmem:$0x1FAB0]  }
0x2db: {  	v1 =	vadd.f32 v22, v1;
	_ =	sdelay $0x1  }
0x2dc: {  	v1 =	vadd.f32 v18, v1  }
0x2dd: {  	s22 =	sadd.s32 $0x1, s22;
	v10 =	vadd.f32 v43, v10  }
0x2de: {  	p0 =	sne.s32 s22, $0x15;
	v0 =	vadd.f32 v1, v0;
	v1 =	vld [tilespmem:$0x1FAC0]  }
.Ltmp2:
0x2df: {  	v10 =	vadd.f32 v40, v10;
	(pc) =	sbr.rel @p0 .LBB2_2-.Ltmp2, $3  }
0x2e0: {  	_ = 	snop  }
0x2e1: {  	v10 =	vadd.f32 v37, v10;
	_ =	sdelay $0x1  }
0x2e2: {  	v3 =	vadd.f32 v10, v1  }
0x2e3: {  	v0 =	vadd.f32 v0, v7  }
0x2e4: {  	v1 =	vadd.f32 v5, v9  }
0x2e5: {  	v2 =	vadd.f32 v2, v8;
	[tilespmem:$0x12000] =	vst v0  }
0x2e6: {  	s21 =	sadd.s32 $0x1, s21;
	v63 =	vadd.f32 v3, v4;
	[tilespmem:$0x12080] =	vst v1  }
0x2e7: {  	p0 =	sne.s32 s21, s11;
	[tilespmem:$0x12100] =	vst v2  }
.Ltmp3:
0x2e8: {  	[tilespmem:$0x12180] =	vst v63;
	(pc) =	sbr.rel @p0 .LBB2_1-.Ltmp3, $4  }
0x2e9: {  	[hbm4b:s10+s3] =	stream.linear.scatter [tilespmem:s19], [sflag:$0x3], $0x200, $0x38;
	[tilespmem:$0x12200] =	vst v63  }
0x2ea: {  	_ =	swait.ge [sflag:s20], $0x200  }
0x2eb: {  	[sflag:s20] =	ssyncset.done $0x0  }
0x2ec: {  	[sflag:s20] =	ssyncadd.s32 $0xFFFFFE00  }
0x2ed: {  	_ =	sfence.sel $0x180000  }
0x2ee: {  	[bflag:$0x0] =	sbarrier.arrive $0xFFFF  }
0x2ef: {  	p0 =	sne.s32 s0, $0x0;
	_ =	strace $0x90000047  }
0x2f0: {  	s0 =	sadd.s32 @!p0 $0x100000, s1;
	[bflag:$0x2] =	sbarrier.arrive $0xFFFF  }
0x2f1: {  	[sflag:s0] =	ssyncadd.tile.s32 @!p0 $0x1;
	_ =	shalt  }
.Lfunc_end2:
_tile_overlayer_lowered:
.L_overlay_start_2:
0x2f2: {  	(tag) =	ssettag $0x2  }
0x2f3: {  	s0 =	rddreg [dreg:$0x0];
	s2 =	stileid.u32  }
0x2f4: {  	s1 =	rddreg [dreg:$0x1];
	p0 =	sne.s32 s2, $0x0  }
0x2f5: {  	s3 =	rddreg [dreg:$0x2];
	[bflag:$0x3] =	sbarrier.arrive $0xFFFF;
	s2 =	simm.s32 @!p0 $0x1C03  }
0x2f6: {  	[timem:s3], [sflag:s2] =	dma.local @!p0 [hbm:s0], s1  }
0x2f7: {  	s0 =	simm.s32 @!p0 $0x3  }
0x2f8: {  	_ =	swait.ge @!p0 [sflag:s0], s1  }
0x2f9: {  	s1 =	ssub.s32 @!p0 $0x0, s1;
	[sflag:s0] =	ssyncset.done @!p0 $0x0  }
0x2fa: {  	[sflag:s0] =	ssyncadd.s32 @!p0 s1  }
0x2fb: {  	[bflag:$0x3] =	sbarrier.arrive $0xFFFF  }
0x2fc: {  	_ =	shalt  }

</sc_bundles>
